<compile_context>
chip_gen: v7x
topology: tpu7x:2x2x1
jax: 0.10.2.dev20260603
libtpu: 0.0.44.dev20260713+nightly
codegen_flags: <defaults>
</compile_context>

<pallas_src>
import functools

import jax
import jax.numpy as jnp
from jax.experimental import pallas as pl
from jax.experimental.pallas import tpu as pltpu
from jax.experimental.pallas import tpu_sc as plsc

N = 10000
E = 320000
G = 64
D_IN = 128
D_HID = 512
D_OUT = 64
N_CLASSES = 2

NC = 2
NS = 16
CHUNK = 64
NP = 10752
PADROWS = 512
EPAD = 327680
NCHUNKS = EPAD // CHUNK
NREAL_CH = E // CHUNK
PAD_CH = (EPAD - E) // CHUNK
CH_PER_CORE = NCHUNKS // NC
CH_PER_SUB = CH_PER_CORE // NS
ROWS_PER_SUB = NP // NS

R = 1344
NBLK = NP // R


@functools.lru_cache(maxsize=None)
def _make_propagate(D, gather=True):
    mesh = plsc.VectorSubcoreMesh(core_axis_name="c", subcore_axis_name="s")
    NBUF = 4
    IDXG = 40
    csub = EPAD // (NC * NS * CHUNK)
    ccore = csub * NS
    NGRP = csub // IDXG

    SPX = False

    @functools.partial(
        pl.kernel,
        mesh=mesh,
        out_type=jax.ShapeDtypeStruct((NC, NP, 128), jnp.float32),
        scratch_types=[
            pltpu.VMEM_SHARED((NP, D), jnp.float32),
            pltpu.VMEM((IDXG, CHUNK), jnp.int32),
            pltpu.VMEM((IDXG, CHUNK), jnp.int32),
        ]
        + ([pltpu.VMEM_SHARED((NP, D), jnp.float32)] if SPX else [])
        + [pltpu.VMEM((CHUNK, D), jnp.float32) for _ in range(NBUF)]
        + [pltpu.SemaphoreType.DMA for _ in range(2 * NBUF)],
        compiler_params=pltpu.CompilerParams(use_tc_tiling_on_sc=False),
    )
    def prop(xs_hbm, ei_hbm, pad_hbm, zeros_hbm, out_hbm, acc, row_v, col_v,
             *bufs_and_sems):
        if SPX:
            spx, rest = bufs_and_sems[0], bufs_and_sems[1:]
        else:
            spx, rest = None, bufs_and_sems
        msg = rest[:NBUF]
        gsem = rest[NBUF:2 * NBUF]
        ssem = rest[2 * NBUF:]
        gsrc = spx if SPX else xs_hbm
        c = jax.lax.axis_index("c")
        s = jax.lax.axis_index("s")
        r0 = s * ROWS_PER_SUB
        base = c * ccore + s * csub
        pltpu.sync_copy(zeros_hbm.at[pl.ds(r0, ROWS_PER_SUB)],
                        acc.at[pl.ds(r0, ROWS_PER_SUB)])
        if SPX:
            pltpu.sync_copy(xs_hbm.at[pl.ds(r0, ROWS_PER_SUB)],
                            spx.at[pl.ds(r0, ROWS_PER_SUB)])
        if not gather:
            pltpu.sync_copy(xs_hbm, msg[0])
        plsc.subcore_barrier()

        @pl.loop(0, NGRP)
        def _(grp):
            gbase = base + grp * IDXG
            @pl.when(gbase < NREAL_CH)
            def _():
                pltpu.sync_copy(ei_hbm.at[1, pl.ds(gbase, IDXG)], col_v)
                if gather:
                    pltpu.sync_copy(ei_hbm.at[0, pl.ds(gbase, IDXG)], row_v)

            @pl.when(gbase >= NREAL_CH)
            def _():
                pltpu.sync_copy(pad_hbm.at[pl.ds(gbase - NREAL_CH, IDXG)],
                                col_v)
                if gather:
                    pltpu.sync_copy(pad_hbm.at[pl.ds(gbase - NREAL_CH, IDXG)],
                                    row_v)

            if gather:
                for b in range(NBUF):
                    pltpu.async_copy(gsrc.at[row_v.at[b]], msg[b], gsem[b])

                @pl.loop(0, IDXG - NBUF, step=NBUF)
                def _(k):
                    for b in range(NBUF):
                        pltpu.make_async_copy(
                            gsrc.at[row_v.at[k + b]], msg[b], gsem[b]).wait()
                        pltpu.async_copy(msg[b], acc.at[col_v.at[k + b]],
                                         ssem[b], add=True)
                    for b in range(NBUF):
                        pltpu.make_async_copy(
                            msg[b], acc.at[col_v.at[k + b]], ssem[b]).wait()
                        pltpu.async_copy(
                            gsrc.at[row_v.at[k + NBUF + b]], msg[b], gsem[b])

                k0 = IDXG - NBUF
                for b in range(NBUF):
                    pltpu.make_async_copy(
                        gsrc.at[row_v.at[k0 + b]], msg[b], gsem[b]).wait()
                    pltpu.sync_copy(msg[b], acc.at[col_v.at[k0 + b]], add=True)
            else:
                @pl.loop(0, IDXG, step=NBUF)
                def _(k):
                    for b in range(NBUF):
                        pltpu.async_copy(msg[0], acc.at[col_v.at[k + b]],
                                         ssem[b], add=True)
                    for b in range(NBUF):
                        pltpu.make_async_copy(
                            msg[0], acc.at[col_v.at[k + b]], ssem[b]).wait()

        plsc.subcore_barrier()
        pltpu.sync_copy(acc.at[pl.ds(r0, ROWS_PER_SUB)],
                        out_hbm.at[c, pl.ds(r0, ROWS_PER_SUB), pl.ds(0, D)])

    return prop


def _tcB_body(deg_ref, x_ref, xs1_ref, dinvb_ref):
    cnt = deg_ref[0, :, 0:1] + deg_ref[1, :, 0:1] + 1.0
    dinv = jax.lax.rsqrt(cnt)
    dinvb = jnp.broadcast_to(dinv, (NP, D_IN))
    dinvb_ref[...] = dinvb
    xs1_ref[0:N, :] = dinvb[0:N, :] * x_ref[...]
    xs1_ref[N:NP, :] = jnp.zeros((NP - N, D_IN), jnp.float32)


def _tcB(deg_part, x):
    return pl.pallas_call(
        _tcB_body,
        out_shape=(
            jax.ShapeDtypeStruct((NP, D_IN), jnp.float32),
            jax.ShapeDtypeStruct((NP, D_IN), jnp.float32),
        ),
    )(deg_part, x)


def _tcD_body(s_ref, xs1_ref, dv_ref, W1_ref, b1_ref, W2_ref, xs2_ref):
    i = pl.program_id(0)
    dv = dv_ref[...]
    y1 = dv * (s_ref[0] + s_ref[1] + xs1_ref[...])
    h1 = jnp.maximum(jnp.dot(y1, W1_ref[...],
                             preferred_element_type=jnp.float32) + b1_ref[...], 0.0)
    t = jnp.dot(h1, W2_ref[...], preferred_element_type=jnp.float32)
    rowid = i * R + jax.lax.broadcasted_iota(jnp.int32, (R, 1), 0)
    xs2_ref[...] = jnp.where(rowid < N, dv[:, :D_OUT] * t, 0.0)


def _tcD(s1, xs1, dinvb, W1, b1, W2):
    return pl.pallas_call(
        _tcD_body,
        grid=(NBLK,),
        in_specs=[
            pl.BlockSpec((NC, R, D_IN), lambda i: (0, i, 0)),
            pl.BlockSpec((R, D_IN), lambda i: (i, 0)),
            pl.BlockSpec((R, D_IN), lambda i: (i, 0)),
            pl.BlockSpec((D_IN, D_HID), lambda i: (0, 0)),
            pl.BlockSpec((1, D_HID), lambda i: (0, 0)),
            pl.BlockSpec((D_HID, D_OUT), lambda i: (0, 0)),
        ],
        out_specs=pl.BlockSpec((R, D_OUT), lambda i: (i, 0)),
        out_shape=jax.ShapeDtypeStruct((NP, D_OUT), jnp.float32),
    )(s1, xs1, dinvb, W1, b1.reshape(1, D_HID), W2)


def _tcF_body(s2_ref, xs2_ref, dv_ref, b2_ref, batch_ref, Wf_ref, bf_ref,
              out_ref, S_acc):
    i = pl.program_id(0)

    @pl.when(i == 0)
    def _():
        S_acc[...] = jnp.zeros((G, 2 * D_OUT), jnp.float32)

    dv = dv_ref[:, :D_OUT]
    s2sum = s2_ref[0, :, 0:D_OUT] + s2_ref[1, :, 0:D_OUT]
    h2 = jnp.maximum(dv * (s2sum + xs2_ref[...]) + b2_ref[...], 0.0)
    b = batch_ref[0, 0, :]
    onehot = (b[:, None] == jax.lax.broadcasted_iota(
        jnp.int32, (1, G), 1)).astype(jnp.float32)
    hext = jnp.concatenate([h2, jnp.ones((R, D_OUT), jnp.float32)], axis=1)
    S_acc[...] += jax.lax.dot_general(
        onehot, hext, (((0,), (0,)), ((), ())),
        preferred_element_type=jnp.float32)

    @pl.when(i == NBLK - 1)
    def _():
        S = S_acc[...]
        pooled = S[:, :D_OUT] / jnp.maximum(S[:, D_OUT:D_OUT + 1], 1.0)
        out_ref[...] = jnp.dot(pooled, Wf_ref[...],
                               preferred_element_type=jnp.float32) + bf_ref[...]


def _tcF(s2, xs2, dinvb, b2, batch3d, Wf, bf):
    return pl.pallas_call(
        _tcF_body,
        grid=(NBLK,),
        in_specs=[
            pl.BlockSpec((NC, R, 128), lambda i: (0, i, 0)),
            pl.BlockSpec((R, D_OUT), lambda i: (i, 0)),
            pl.BlockSpec((R, D_IN), lambda i: (i, 0)),
            pl.BlockSpec((1, D_OUT), lambda i: (0, 0)),
            pl.BlockSpec((1, 1, R), lambda i: (i, 0, 0)),
            pl.BlockSpec((D_OUT, N_CLASSES), lambda i: (0, 0)),
            pl.BlockSpec((1, N_CLASSES), lambda i: (0, 0)),
        ],
        out_specs=pl.BlockSpec((G, N_CLASSES), lambda i: (0, 0)),
        out_shape=jax.ShapeDtypeStruct((G, N_CLASSES), jnp.float32),
        scratch_shapes=[pltpu.VMEM((G, 2 * D_OUT), jnp.float32)],
    )(s2, xs2, dinvb, b2.reshape(1, D_OUT), batch3d, Wf, bf.reshape(1, N_CLASSES))


def kernel(x, edge_index, batch, W1, b1, W2, b2, Wf, bf):
    ei3 = edge_index.reshape(2, NREAL_CH, CHUNK)
    pad2 = (N + (jnp.arange(PAD_CH * CHUNK, dtype=jnp.int32) % PADROWS)
            ).reshape(PAD_CH, CHUNK)
    ones16 = jnp.ones((CHUNK, 16), jnp.float32)
    z16 = jnp.zeros((NP, 16), jnp.float32)
    z128 = jnp.zeros((NP, D_IN), jnp.float32)
    z64 = jnp.zeros((NP, D_OUT), jnp.float32)
    batch3d = jnp.pad(batch, (0, NP - N), constant_values=G).reshape(NBLK, 1, R)

    deg_part = _make_propagate(16, gather=False)(
        ones16, ei3, pad2, z16)
    xs1, dinvb = _tcB(deg_part, x)
    s1 = _make_propagate(128)(xs1, ei3, pad2, z128)
    xs2 = _tcD(s1, xs1, dinvb, W1, b1, W2)
    s2 = _make_propagate(64)(xs2, ei3, pad2, z64)
    return _tcF(s2, xs2, dinvb, b2, batch3d, Wf, bf)

# --- scband reference (transcript-rebuilt; emitter-appended) ---
"""Pipeline reference for scband-gcn-8564164788986 (READ-ONLY COPY).

The authoritative reference and input builder live on the scoring server;
editing this copy changes nothing except your own understanding.
"""

import jax, jax.numpy as jnp
import numpy as np

N = 10000
E = 320000
G = 64
D_IN = 128
D_HID = 512
D_OUT = 64
N_CLASSES = 2


def gcn_conv(x, edge_index, W, b):
    n = x.shape[0]
    h = x @ W
    loop = jnp.arange(n, dtype=edge_index.dtype)
    row = jnp.concatenate([edge_index[0], loop])
    col = jnp.concatenate([edge_index[1], loop])
    deg = jax.ops.segment_sum(jnp.ones_like(col, dtype=h.dtype), col, num_segments=n)
    dinv = jnp.where(deg > 0, deg ** -0.5, 0.0)
    norm = dinv[row] * dinv[col]
    msg = norm[:, None] * h[row]
    out = jax.ops.segment_sum(msg, col, num_segments=n)
    return out + b


def setup_inputs(seed: int = 0) -> dict:
    key = jax.random.key(seed)
    ks = jax.random.split(key, 10)
    x = jax.random.normal(ks[0], (N, D_IN), dtype=jnp.float32)
    edge_index = jax.random.randint(ks[1], (2, E), 0, N, dtype=jnp.int32)
    batch = jnp.sort(jax.random.randint(ks[2], (N,), 0, G, dtype=jnp.int32))
    W1 = jax.random.normal(ks[3], (D_IN, D_HID), dtype=jnp.float32) * (1.0 / np.sqrt(D_IN))
    b1 = jnp.zeros((D_HID,), dtype=jnp.float32)
    W2 = jax.random.normal(ks[4], (D_HID, D_OUT), dtype=jnp.float32) * (1.0 / np.sqrt(D_HID))
    b2 = jnp.zeros((D_OUT,), dtype=jnp.float32)
    Wf = jax.random.normal(ks[5], (D_OUT, N_CLASSES), dtype=jnp.float32) * (1.0 / np.sqrt(D_OUT))
    bf = jnp.zeros((N_CLASSES,), dtype=jnp.float32)
    return {"x": x, "edge_index": edge_index, "batch": batch, "W1": W1, "b1": b1, "W2": W2, "b2": b2, "Wf": Wf, "bf": bf}


def reference(x, edge_index, batch, W1, b1, W2, b2, Wf, bf):
    h = jax.nn.relu(gcn_conv(x, edge_index, W1, b1))
    h = jax.nn.relu(gcn_conv(h, edge_index, W2, b2))
    # global_mean_pool over graphs in the batch
    sums = jax.ops.segment_sum(h, batch, num_segments=G)
    counts = jax.ops.segment_sum(jnp.ones((h.shape[0],), dtype=h.dtype), batch, num_segments=G)
    pooled = sums / jnp.clip(counts, 1.0)[:, None]
    # F.dropout with training=False is identity (eval mode reference)
    out = pooled @ Wf + bf
    return out

if __name__ == "__main__":
    import jax
    _d = setup_inputs()
    print(jax.jit(kernel)(*tuple(_d.values())))

</pallas_src>

<mosaic_0001>
#map = affine_map<(d0, d1) -> (0, 0)>
#map1 = affine_map<(d0, d1) -> (0, 0, 0)>
module attributes {stable_mosaic.version = 14 : i64} {
  func.func @prop(%arg0: i32, %arg1: i32, %arg2: memref<64x16xf32, #tpu.memory_space<hbm>>, %arg3: memref<2x5000x64xi32, #tpu.memory_space<hbm>>, %arg4: memref<120x64xi32, #tpu.memory_space<hbm>>, %arg5: memref<10752x16xf32, #tpu.memory_space<hbm>>, %arg6: memref<2x10752x128xf32, #tpu.memory_space<hbm>>, %arg7: memref<10752x16xf32, #tpu.memory_space<vmem_shared>>, %arg8: memref<40x64xi32, #tpu.memory_space<vmem>>, %arg9: memref<40x64xi32, #tpu.memory_space<vmem>>, %arg10: memref<64x16xf32, #tpu.memory_space<vmem>>, %arg11: memref<64x16xf32, #tpu.memory_space<vmem>>, %arg12: memref<64x16xf32, #tpu.memory_space<vmem>>, %arg13: memref<64x16xf32, #tpu.memory_space<vmem>>, %arg14: memref<!tpu.dma_semaphore, #tpu.memory_space<semaphore_mem>>, %arg15: memref<!tpu.dma_semaphore, #tpu.memory_space<semaphore_mem>>, %arg16: memref<!tpu.dma_semaphore, #tpu.memory_space<semaphore_mem>>, %arg17: memref<!tpu.dma_semaphore, #tpu.memory_space<semaphore_mem>>, %arg18: memref<!tpu.dma_semaphore, #tpu.memory_space<semaphore_mem>>, %arg19: memref<!tpu.dma_semaphore, #tpu.memory_space<semaphore_mem>>, %arg20: memref<!tpu.dma_semaphore, #tpu.memory_space<semaphore_mem>>, %arg21: memref<!tpu.dma_semaphore, #tpu.memory_space<semaphore_mem>>) attributes {dimension_semantics = [#tpu.dimension_semantics<core_parallel>, #tpu.dimension_semantics<subcore_parallel>], iteration_bounds = array<i64: 2, 16>, scalar_prefetch = 0 : i64, scratch_operands = 15 : i64, tpu.core_type = #tpu.core_type<sc_vector_subcore>, window_params = [{transform_indices = #map}, {transform_indices = #map1}, {transform_indices = #map}, {transform_indices = #map}, {transform_indices = #map1}]} {
    %mul3A = arith.constant 672 : i32
    %mul3A_0 = arith.muli %arg1, %mul3A : i32
    %mul3A_1 = arith.constant 2560 : i32
    %mul3A_2 = arith.muli %arg0, %mul3A_1 : i32
    %mul3A_3 = arith.constant 160 : i32
    %mul3A_4 = arith.muli %arg1, %mul3A_3 : i32
    %add3A = arith.addi %mul3A_2, %mul3A_4 : i32
    "tpu.region"() ({
      %run_scoped3A = tpu.sem_alloc : memref<!tpu.dma_semaphore, #tpu.memory_space<semaphore_mem>>
      %dma_start3A = arith.constant 0 : i32
      %dma_start3A_10 = tpu.memref_slice %arg7[%mul3A_0, %dma_start3A] : memref<10752x16xf32, #tpu.memory_space<vmem_shared>> -> memref<672x16xf32, #tpu.memory_space<vmem_shared>>
      %dma_start3A_11 = arith.constant 0 : i32
      %dma_start3A_12 = tpu.memref_slice %arg5[%mul3A_0, %dma_start3A_11] : memref<10752x16xf32, #tpu.memory_space<hbm>> -> memref<672x16xf32, #tpu.memory_space<hbm>>
      tpu.enqueue_dma source(%dma_start3A_12 : memref<672x16xf32, #tpu.memory_space<hbm>>) target(%dma_start3A_10 : memref<672x16xf32, #tpu.memory_space<vmem_shared>>) target_semaphore(%run_scoped3A : memref<!tpu.dma_semaphore, #tpu.memory_space<semaphore_mem>>)
      %dma_wait3A = arith.constant 0 : i32
      %dma_wait3A_13 = tpu.memref_slice %arg7[%mul3A_0, %dma_wait3A] : memref<10752x16xf32, #tpu.memory_space<vmem_shared>> -> memref<672x16xf32, #tpu.memory_space<vmem_shared>>
      %dma_wait3A_14 = arith.constant 0 : i32
      %dma_wait3A_15 = tpu.memref_slice %arg5[%mul3A_0, %dma_wait3A_14] : memref<10752x16xf32, #tpu.memory_space<hbm>> -> memref<672x16xf32, #tpu.memory_space<hbm>>
      tpu.wait_dma2 semaphore(%run_scoped3A : memref<!tpu.dma_semaphore, #tpu.memory_space<semaphore_mem>>) src(%dma_wait3A_15 : memref<672x16xf32, #tpu.memory_space<hbm>>) dst(%dma_wait3A_13 : memref<672x16xf32, #tpu.memory_space<vmem_shared>>)
      tpu.yield
    }) : () -> ()
    "tpu.region"() ({
      %run_scoped3A = tpu.sem_alloc : memref<!tpu.dma_semaphore, #tpu.memory_space<semaphore_mem>>
      tpu.enqueue_dma source(%arg2 : memref<64x16xf32, #tpu.memory_space<hbm>>) target(%arg10 : memref<64x16xf32, #tpu.memory_space<vmem>>) target_semaphore(%run_scoped3A : memref<!tpu.dma_semaphore, #tpu.memory_space<semaphore_mem>>)
      tpu.wait_dma2 semaphore(%run_scoped3A : memref<!tpu.dma_semaphore, #tpu.memory_space<semaphore_mem>>) src(%arg2 : memref<64x16xf32, #tpu.memory_space<hbm>>) dst(%arg10 : memref<64x16xf32, #tpu.memory_space<vmem>>)
      tpu.yield
    }) : () -> ()
    %barrier3A = arith.constant 0 : index
    tpu.barrier barrier_id(%barrier3A)
    %scan3A = arith.constant 0 : i32
    %scan3A_5 = arith.constant 4 : i32
    %scan3A_6 = arith.addi %scan3A, %scan3A_5 : i32
    %scan3A_7 = arith.constant 1 : i32
    scf.for %scan3A_10 = %scan3A to %scan3A_6 step %scan3A_7  : i32 {
      %mul3A_11 = arith.constant 1 : i32
      %mul3A_12 = arith.muli %scan3A_10, %mul3A_11 : i32
      %add3A_13 = arith.constant 0 : i32
      %add3A_14 = arith.addi %add3A_13, %mul3A_12 : i32
      %mul3A_15 = arith.constant 40 : i32
      %mul3A_16 = arith.muli %add3A_14, %mul3A_15 : i32
      %add3A_17 = arith.addi %add3A, %mul3A_16 : i32
      %lt3A = arith.constant 5000 : i32
      %lt3A_18 = arith.cmpi slt, %add3A_17, %lt3A : i32
      %convert_element_type3A = arith.extui %lt3A_18 : i1 to i32
      %cond3A = arith.constant 0 : i32
      %cond3A_19 = arith.cmpi ne, %convert_element_type3A, %cond3A : i32
      scf.if %cond3A_19 {
        %run_scoped3A = arith.constant 1 : i32
        "tpu.region"() ({
          %run_scoped3A_29 = tpu.sem_alloc : memref<!tpu.dma_semaphore, #tpu.memory_space<semaphore_mem>>
          %dma_start3A = arith.constant 0 : i32
          %dma_start3A_30 = tpu.memref_slice %arg3[%run_scoped3A, %add3A_17, %dma_start3A] : memref<2x5000x64xi32, #tpu.memory_space<hbm>> -> memref<1x40x64xi32, #tpu.memory_space<hbm>>
          %dma_start3A_31 = tpu.memref_squeeze %dma_start3A_30 : memref<1x40x64xi32, #tpu.memory_space<hbm>> -> memref<40x64xi32, #tpu.memory_space<hbm>>
          %dma_start3A_32 = arith.constant 0 : i32
          %dma_start3A_33 = tpu.memref_slice %arg3[%run_scoped3A, %add3A_17, %dma_start3A_32] : memref<2x5000x64xi32, #tpu.memory_space<hbm>> -> memref<1x40x64xi32, #tpu.memory_space<hbm>>
          %dma_start3A_34 = tpu.memref_squeeze %dma_start3A_33 : memref<1x40x64xi32, #tpu.memory_space<hbm>> -> memref<40x64xi32, #tpu.memory_space<hbm>>
          tpu.enqueue_dma source(%dma_start3A_34 : memref<40x64xi32, #tpu.memory_space<hbm>>) target(%arg9 : memref<40x64xi32, #tpu.memory_space<vmem>>) target_semaphore(%run_scoped3A_29 : memref<!tpu.dma_semaphore, #tpu.memory_space<semaphore_mem>>)
          %dma_wait3A = arith.constant 0 : i32
          %dma_wait3A_35 = tpu.memref_slice %arg3[%run_scoped3A, %add3A_17, %dma_wait3A] : memref<2x5000x64xi32, #tpu.memory_space<hbm>> -> memref<1x40x64xi32, #tpu.memory_space<hbm>>
          %dma_wait3A_36 = tpu.memref_squeeze %dma_wait3A_35 : memref<1x40x64xi32, #tpu.memory_space<hbm>> -> memref<40x64xi32, #tpu.memory_space<hbm>>
          %dma_wait3A_37 = arith.constant 0 : i32
          %dma_wait3A_38 = tpu.memref_slice %arg3[%run_scoped3A, %add3A_17, %dma_wait3A_37] : memref<2x5000x64xi32, #tpu.memory_space<hbm>> -> memref<1x40x64xi32, #tpu.memory_space<hbm>>
          %dma_wait3A_39 = tpu.memref_squeeze %dma_wait3A_38 : memref<1x40x64xi32, #tpu.memory_space<hbm>> -> memref<40x64xi32, #tpu.memory_space<hbm>>
          tpu.wait_dma2 semaphore(%run_scoped3A_29 : memref<!tpu.dma_semaphore, #tpu.memory_space<semaphore_mem>>) src(%dma_wait3A_39 : memref<40x64xi32, #tpu.memory_space<hbm>>) dst(%arg9 : memref<40x64xi32, #tpu.memory_space<vmem>>)
          tpu.yield
        }) : () -> ()
      } else {
      }
      %ge3A = arith.constant 5000 : i32
      %ge3A_20 = arith.cmpi sge, %add3A_17, %ge3A : i32
      %convert_element_type3A_21 = arith.extui %ge3A_20 : i1 to i32
      %cond3A_22 = arith.constant 0 : i32
      %cond3A_23 = arith.cmpi ne, %convert_element_type3A_21, %cond3A_22 : i32
      scf.if %cond3A_23 {
        %sub3A = arith.constant 5000 : i32
        %sub3A_29 = arith.subi %add3A_17, %sub3A : i32
        "tpu.region"() ({
          %run_scoped3A = tpu.sem_alloc : memref<!tpu.dma_semaphore, #tpu.memory_space<semaphore_mem>>
          %dma_start3A = arith.constant 0 : i32
          %dma_start3A_30 = tpu.memref_slice %arg4[%sub3A_29, %dma_start3A] : memref<120x64xi32, #tpu.memory_space<hbm>> -> memref<40x64xi32, #tpu.memory_space<hbm>>
          %dma_start3A_31 = arith.constant 0 : i32
          %dma_start3A_32 = tpu.memref_slice %arg4[%sub3A_29, %dma_start3A_31] : memref<120x64xi32, #tpu.memory_space<hbm>> -> memref<40x64xi32, #tpu.memory_space<hbm>>
          tpu.enqueue_dma source(%dma_start3A_32 : memref<40x64xi32, #tpu.memory_space<hbm>>) target(%arg9 : memref<40x64xi32, #tpu.memory_space<vmem>>) target_semaphore(%run_scoped3A : memref<!tpu.dma_semaphore, #tpu.memory_space<semaphore_mem>>)
          %dma_wait3A = arith.constant 0 : i32
          %dma_wait3A_33 = tpu.memref_slice %arg4[%sub3A_29, %dma_wait3A] : memref<120x64xi32, #tpu.memory_space<hbm>> -> memref<40x64xi32, #tpu.memory_space<hbm>>
          %dma_wait3A_34 = arith.constant 0 : i32
          %dma_wait3A_35 = tpu.memref_slice %arg4[%sub3A_29, %dma_wait3A_34] : memref<120x64xi32, #tpu.memory_space<hbm>> -> memref<40x64xi32, #tpu.memory_space<hbm>>
          tpu.wait_dma2 semaphore(%run_scoped3A : memref<!tpu.dma_semaphore, #tpu.memory_space<semaphore_mem>>) src(%dma_wait3A_35 : memref<40x64xi32, #tpu.memory_space<hbm>>) dst(%arg9 : memref<40x64xi32, #tpu.memory_space<vmem>>)
          tpu.yield
        }) : () -> ()
      } else {
      }
      %scan3A_24 = arith.constant 0 : i32
      %scan3A_25 = arith.constant 10 : i32
      %scan3A_26 = arith.addi %scan3A_24, %scan3A_25 : i32
      %scan3A_27 = arith.constant 1 : i32
      scf.for %scan3A_29 = %scan3A_24 to %scan3A_26 step %scan3A_27  : i32 {
        %mul3A_30 = arith.constant 4 : i32
        %mul3A_31 = arith.muli %scan3A_29, %mul3A_30 : i32
        %add3A_32 = arith.constant 0 : i32
        %add3A_33 = arith.addi %add3A_32, %mul3A_31 : i32
        %add3A_34 = arith.constant 0 : i32
        %add3A_35 = arith.addi %add3A_33, %add3A_34 : i32
        %dma_start3A = arith.constant 0 : i32
        %dma_start3A_36 = tpu.memref_slice %arg9[%add3A_35, %dma_start3A] : memref<40x64xi32, #tpu.memory_space<vmem>> -> memref<1x64xi32, #tpu.memory_space<vmem>>
        %dma_start3A_37 = tpu.memref_squeeze %dma_start3A_36 : memref<1x64xi32, #tpu.memory_space<vmem>> -> memref<64xi32, #tpu.memory_space<vmem>>
        %dma_start3A_38 = arith.constant 0 : i32
        %dma_start3A_39 = arith.constant 0 : i32
        %dma_start3A_40 = tpu.memref_slice %arg7[%dma_start3A_38, %dma_start3A_39] : memref<10752x16xf32, #tpu.memory_space<vmem_shared>> -> memref<10752x16xf32, #tpu.memory_space<vmem_shared>>
        tpu.enqueue_indirect_dma source(%arg10 : memref<64x16xf32, #tpu.memory_space<vmem>>) target(%dma_start3A_40 : memref<10752x16xf32, #tpu.memory_space<vmem_shared>>) offsets(%dma_start3A_37 : memref<64xi32, #tpu.memory_space<vmem>>) semaphore(%arg18 : memref<!tpu.dma_semaphore, #tpu.memory_space<semaphore_mem>>) {add = true}
        %add3A_41 = arith.constant 1 : i32
        %add3A_42 = arith.addi %add3A_33, %add3A_41 : i32
        %dma_start3A_43 = arith.constant 0 : i32
        %dma_start3A_44 = tpu.memref_slice %arg9[%add3A_42, %dma_start3A_43] : memref<40x64xi32, #tpu.memory_space<vmem>> -> memref<1x64xi32, #tpu.memory_space<vmem>>
        %dma_start3A_45 = tpu.memref_squeeze %dma_start3A_44 : memref<1x64xi32, #tpu.memory_space<vmem>> -> memref<64xi32, #tpu.memory_space<vmem>>
        %dma_start3A_46 = arith.constant 0 : i32
        %dma_start3A_47 = arith.constant 0 : i32
        %dma_start3A_48 = tpu.memref_slice %arg7[%dma_start3A_46, %dma_start3A_47] : memref<10752x16xf32, #tpu.memory_space<vmem_shared>> -> memref<10752x16xf32, #tpu.memory_space<vmem_shared>>
        tpu.enqueue_indirect_dma source(%arg10 : memref<64x16xf32, #tpu.memory_space<vmem>>) target(%dma_start3A_48 : memref<10752x16xf32, #tpu.memory_space<vmem_shared>>) offsets(%dma_start3A_45 : memref<64xi32, #tpu.memory_space<vmem>>) semaphore(%arg19 : memref<!tpu.dma_semaphore, #tpu.memory_space<semaphore_mem>>) {add = true}
        %add3A_49 = arith.constant 2 : i32
        %add3A_50 = arith.addi %add3A_33, %add3A_49 : i32
        %dma_start3A_51 = arith.constant 0 : i32
        %dma_start3A_52 = tpu.memref_slice %arg9[%add3A_50, %dma_start3A_51] : memref<40x64xi32, #tpu.memory_space<vmem>> -> memref<1x64xi32, #tpu.memory_space<vmem>>
        %dma_start3A_53 = tpu.memref_squeeze %dma_start3A_52 : memref<1x64xi32, #tpu.memory_space<vmem>> -> memref<64xi32, #tpu.memory_space<vmem>>
        %dma_start3A_54 = arith.constant 0 : i32
        %dma_start3A_55 = arith.constant 0 : i32
        %dma_start3A_56 = tpu.memref_slice %arg7[%dma_start3A_54, %dma_start3A_55] : memref<10752x16xf32, #tpu.memory_space<vmem_shared>> -> memref<10752x16xf32, #tpu.memory_space<vmem_shared>>
        tpu.enqueue_indirect_dma source(%arg10 : memref<64x16xf32, #tpu.memory_space<vmem>>) target(%dma_start3A_56 : memref<10752x16xf32, #tpu.memory_space<vmem_shared>>) offsets(%dma_start3A_53 : memref<64xi32, #tpu.memory_space<vmem>>) semaphore(%arg20 : memref<!tpu.dma_semaphore, #tpu.memory_space<semaphore_mem>>) {add = true}
        %add3A_57 = arith.constant 3 : i32
        %add3A_58 = arith.addi %add3A_33, %add3A_57 : i32
        %dma_start3A_59 = arith.constant 0 : i32
        %dma_start3A_60 = tpu.memref_slice %arg9[%add3A_58, %dma_start3A_59] : memref<40x64xi32, #tpu.memory_space<vmem>> -> memref<1x64xi32, #tpu.memory_space<vmem>>
        %dma_start3A_61 = tpu.memref_squeeze %dma_start3A_60 : memref<1x64xi32, #tpu.memory_space<vmem>> -> memref<64xi32, #tpu.memory_space<vmem>>
        %dma_start3A_62 = arith.constant 0 : i32
        %dma_start3A_63 = arith.constant 0 : i32
        %dma_start3A_64 = tpu.memref_slice %arg7[%dma_start3A_62, %dma_start3A_63] : memref<10752x16xf32, #tpu.memory_space<vmem_shared>> -> memref<10752x16xf32, #tpu.memory_space<vmem_shared>>
        tpu.enqueue_indirect_dma source(%arg10 : memref<64x16xf32, #tpu.memory_space<vmem>>) target(%dma_start3A_64 : memref<10752x16xf32, #tpu.memory_space<vmem_shared>>) offsets(%dma_start3A_61 : memref<64xi32, #tpu.memory_space<vmem>>) semaphore(%arg21 : memref<!tpu.dma_semaphore, #tpu.memory_space<semaphore_mem>>) {add = true}
        %add3A_65 = arith.constant 0 : i32
        %add3A_66 = arith.addi %add3A_33, %add3A_65 : i32
        %dma_wait3A = arith.constant 0 : i32
        %dma_wait3A_67 = tpu.memref_slice %arg9[%add3A_66, %dma_wait3A] : memref<40x64xi32, #tpu.memory_space<vmem>> -> memref<1x64xi32, #tpu.memory_space<vmem>>
        %dma_wait3A_68 = tpu.memref_squeeze %dma_wait3A_67 : memref<1x64xi32, #tpu.memory_space<vmem>> -> memref<64xi32, #tpu.memory_space<vmem>>
        %dma_wait3A_69 = arith.constant 0 : i32
        %dma_wait3A_70 = arith.constant 0 : i32
        %dma_wait3A_71 = tpu.memref_slice %arg7[%dma_wait3A_69, %dma_wait3A_70] : memref<10752x16xf32, #tpu.memory_space<vmem_shared>> -> memref<10752x16xf32, #tpu.memory_space<vmem_shared>>
        tpu.wait_indirect_dma semaphore(%arg18 : memref<!tpu.dma_semaphore, #tpu.memory_space<semaphore_mem>>) src(%arg10 : memref<64x16xf32, #tpu.memory_space<vmem>>) dst(%dma_wait3A_71 : memref<10752x16xf32, #tpu.memory_space<vmem_shared>>)
        %add3A_72 = arith.constant 1 : i32
        %add3A_73 = arith.addi %add3A_33, %add3A_72 : i32
        %dma_wait3A_74 = arith.constant 0 : i32
        %dma_wait3A_75 = tpu.memref_slice %arg9[%add3A_73, %dma_wait3A_74] : memref<40x64xi32, #tpu.memory_space<vmem>> -> memref<1x64xi32, #tpu.memory_space<vmem>>
        %dma_wait3A_76 = tpu.memref_squeeze %dma_wait3A_75 : memref<1x64xi32, #tpu.memory_space<vmem>> -> memref<64xi32, #tpu.memory_space<vmem>>
        %dma_wait3A_77 = arith.constant 0 : i32
        %dma_wait3A_78 = arith.constant 0 : i32
        %dma_wait3A_79 = tpu.memref_slice %arg7[%dma_wait3A_77, %dma_wait3A_78] : memref<10752x16xf32, #tpu.memory_space<vmem_shared>> -> memref<10752x16xf32, #tpu.memory_space<vmem_shared>>
        tpu.wait_indirect_dma semaphore(%arg19 : memref<!tpu.dma_semaphore, #tpu.memory_space<semaphore_mem>>) src(%arg10 : memref<64x16xf32, #tpu.memory_space<vmem>>) dst(%dma_wait3A_79 : memref<10752x16xf32, #tpu.memory_space<vmem_shared>>)
        %add3A_80 = arith.constant 2 : i32
        %add3A_81 = arith.addi %add3A_33, %add3A_80 : i32
        %dma_wait3A_82 = arith.constant 0 : i32
        %dma_wait3A_83 = tpu.memref_slice %arg9[%add3A_81, %dma_wait3A_82] : memref<40x64xi32, #tpu.memory_space<vmem>> -> memref<1x64xi32, #tpu.memory_space<vmem>>
        %dma_wait3A_84 = tpu.memref_squeeze %dma_wait3A_83 : memref<1x64xi32, #tpu.memory_space<vmem>> -> memref<64xi32, #tpu.memory_space<vmem>>
        %dma_wait3A_85 = arith.constant 0 : i32
        %dma_wait3A_86 = arith.constant 0 : i32
        %dma_wait3A_87 = tpu.memref_slice %arg7[%dma_wait3A_85, %dma_wait3A_86] : memref<10752x16xf32, #tpu.memory_space<vmem_shared>> -> memref<10752x16xf32, #tpu.memory_space<vmem_shared>>
        tpu.wait_indirect_dma semaphore(%arg20 : memref<!tpu.dma_semaphore, #tpu.memory_space<semaphore_mem>>) src(%arg10 : memref<64x16xf32, #tpu.memory_space<vmem>>) dst(%dma_wait3A_87 : memref<10752x16xf32, #tpu.memory_space<vmem_shared>>)
        %add3A_88 = arith.constant 3 : i32
        %add3A_89 = arith.addi %add3A_33, %add3A_88 : i32
        %dma_wait3A_90 = arith.constant 0 : i32
        %dma_wait3A_91 = tpu.memref_slice %arg9[%add3A_89, %dma_wait3A_90] : memref<40x64xi32, #tpu.memory_space<vmem>> -> memref<1x64xi32, #tpu.memory_space<vmem>>
        %dma_wait3A_92 = tpu.memref_squeeze %dma_wait3A_91 : memref<1x64xi32, #tpu.memory_space<vmem>> -> memref<64xi32, #tpu.memory_space<vmem>>
        %dma_wait3A_93 = arith.constant 0 : i32
        %dma_wait3A_94 = arith.constant 0 : i32
        %dma_wait3A_95 = tpu.memref_slice %arg7[%dma_wait3A_93, %dma_wait3A_94] : memref<10752x16xf32, #tpu.memory_space<vmem_shared>> -> memref<10752x16xf32, #tpu.memory_space<vmem_shared>>
        tpu.wait_indirect_dma semaphore(%arg21 : memref<!tpu.dma_semaphore, #tpu.memory_space<semaphore_mem>>) src(%arg10 : memref<64x16xf32, #tpu.memory_space<vmem>>) dst(%dma_wait3A_95 : memref<10752x16xf32, #tpu.memory_space<vmem_shared>>)
      }
      %scan3A_28 = arith.constant 10 : i32
    }
    %scan3A_8 = arith.constant 4 : i32
    %barrier3A_9 = arith.constant 0 : index
    tpu.barrier barrier_id(%barrier3A_9)
    "tpu.region"() ({
      %run_scoped3A = tpu.sem_alloc : memref<!tpu.dma_semaphore, #tpu.memory_space<semaphore_mem>>
      %dma_start3A = arith.constant 0 : i32
      %dma_start3A_10 = tpu.memref_slice %arg6[%arg0, %mul3A_0, %dma_start3A] : memref<2x10752x128xf32, #tpu.memory_space<hbm>> -> memref<1x672x16xf32, #tpu.memory_space<hbm>>
      %dma_start3A_11 = tpu.memref_squeeze %dma_start3A_10 : memref<1x672x16xf32, #tpu.memory_space<hbm>> -> memref<672x16xf32, #tpu.memory_space<hbm>>
      %dma_start3A_12 = arith.constant 0 : i32
      %dma_start3A_13 = tpu.memref_slice %arg7[%mul3A_0, %dma_start3A_12] : memref<10752x16xf32, #tpu.memory_space<vmem_shared>> -> memref<672x16xf32, #tpu.memory_space<vmem_shared>>
      tpu.enqueue_dma source(%dma_start3A_13 : memref<672x16xf32, #tpu.memory_space<vmem_shared>>) target(%dma_start3A_11 : memref<672x16xf32, #tpu.memory_space<hbm>>) target_semaphore(%run_scoped3A : memref<!tpu.dma_semaphore, #tpu.memory_space<semaphore_mem>>)
      %dma_wait3A = arith.constant 0 : i32
      %dma_wait3A_14 = tpu.memref_slice %arg6[%arg0, %mul3A_0, %dma_wait3A] : memref<2x10752x128xf32, #tpu.memory_space<hbm>> -> memref<1x672x16xf32, #tpu.memory_space<hbm>>
      %dma_wait3A_15 = tpu.memref_squeeze %dma_wait3A_14 : memref<1x672x16xf32, #tpu.memory_space<hbm>> -> memref<672x16xf32, #tpu.memory_space<hbm>>
      %dma_wait3A_16 = arith.constant 0 : i32
      %dma_wait3A_17 = tpu.memref_slice %arg7[%mul3A_0, %dma_wait3A_16] : memref<10752x16xf32, #tpu.memory_space<vmem_shared>> -> memref<672x16xf32, #tpu.memory_space<vmem_shared>>
      tpu.wait_dma2 semaphore(%run_scoped3A : memref<!tpu.dma_semaphore, #tpu.memory_space<semaphore_mem>>) src(%dma_wait3A_17 : memref<672x16xf32, #tpu.memory_space<vmem_shared>>) dst(%dma_wait3A_15 : memref<672x16xf32, #tpu.memory_space<hbm>>)
      tpu.yield
    }) : () -> ()
    return
  }
}

#map = affine_map<(d0, d1) -> (0, 0)>
#map1 = affine_map<(d0, d1) -> (0, 0, 0)>
module attributes {stable_mosaic.version = 14 : i64} {
  func.func @prop(%arg0: i32, %arg1: i32, %arg2: memref<10752x128xf32, #tpu.memory_space<hbm>>, %arg3: memref<2x5000x64xi32, #tpu.memory_space<hbm>>, %arg4: memref<120x64xi32, #tpu.memory_space<hbm>>, %arg5: memref<10752x128xf32, #tpu.memory_space<hbm>>, %arg6: memref<2x10752x128xf32, #tpu.memory_space<hbm>>, %arg7: memref<10752x128xf32, #tpu.memory_space<vmem_shared>>, %arg8: memref<40x64xi32, #tpu.memory_space<vmem>>, %arg9: memref<40x64xi32, #tpu.memory_space<vmem>>, %arg10: memref<64x128xf32, #tpu.memory_space<vmem>>, %arg11: memref<64x128xf32, #tpu.memory_space<vmem>>, %arg12: memref<64x128xf32, #tpu.memory_space<vmem>>, %arg13: memref<64x128xf32, #tpu.memory_space<vmem>>, %arg14: memref<!tpu.dma_semaphore, #tpu.memory_space<semaphore_mem>>, %arg15: memref<!tpu.dma_semaphore, #tpu.memory_space<semaphore_mem>>, %arg16: memref<!tpu.dma_semaphore, #tpu.memory_space<semaphore_mem>>, %arg17: memref<!tpu.dma_semaphore, #tpu.memory_space<semaphore_mem>>, %arg18: memref<!tpu.dma_semaphore, #tpu.memory_space<semaphore_mem>>, %arg19: memref<!tpu.dma_semaphore, #tpu.memory_space<semaphore_mem>>, %arg20: memref<!tpu.dma_semaphore, #tpu.memory_space<semaphore_mem>>, %arg21: memref<!tpu.dma_semaphore, #tpu.memory_space<semaphore_mem>>) attributes {dimension_semantics = [#tpu.dimension_semantics<core_parallel>, #tpu.dimension_semantics<subcore_parallel>], iteration_bounds = array<i64: 2, 16>, scalar_prefetch = 0 : i64, scratch_operands = 15 : i64, tpu.core_type = #tpu.core_type<sc_vector_subcore>, window_params = [{transform_indices = #map}, {transform_indices = #map1}, {transform_indices = #map}, {transform_indices = #map}, {transform_indices = #map1}]} {
    %mul3A = arith.constant 672 : i32
    %mul3A_0 = arith.muli %arg1, %mul3A : i32
    %mul3A_1 = arith.constant 2560 : i32
    %mul3A_2 = arith.muli %arg0, %mul3A_1 : i32
    %mul3A_3 = arith.constant 160 : i32
    %mul3A_4 = arith.muli %arg1, %mul3A_3 : i32
    %add3A = arith.addi %mul3A_2, %mul3A_4 : i32
    "tpu.region"() ({
      %run_scoped3A = tpu.sem_alloc : memref<!tpu.dma_semaphore, #tpu.memory_space<semaphore_mem>>
      %dma_start3A = arith.constant 0 : i32
      %dma_start3A_10 = tpu.memref_slice %arg7[%mul3A_0, %dma_start3A] : memref<10752x128xf32, #tpu.memory_space<vmem_shared>> -> memref<672x128xf32, #tpu.memory_space<vmem_shared>>
      %dma_start3A_11 = arith.constant 0 : i32
      %dma_start3A_12 = tpu.memref_slice %arg5[%mul3A_0, %dma_start3A_11] : memref<10752x128xf32, #tpu.memory_space<hbm>> -> memref<672x128xf32, #tpu.memory_space<hbm>>
      tpu.enqueue_dma source(%dma_start3A_12 : memref<672x128xf32, #tpu.memory_space<hbm>>) target(%dma_start3A_10 : memref<672x128xf32, #tpu.memory_space<vmem_shared>>) target_semaphore(%run_scoped3A : memref<!tpu.dma_semaphore, #tpu.memory_space<semaphore_mem>>)
      %dma_wait3A = arith.constant 0 : i32
      %dma_wait3A_13 = tpu.memref_slice %arg7[%mul3A_0, %dma_wait3A] : memref<10752x128xf32, #tpu.memory_space<vmem_shared>> -> memref<672x128xf32, #tpu.memory_space<vmem_shared>>
      %dma_wait3A_14 = arith.constant 0 : i32
      %dma_wait3A_15 = tpu.memref_slice %arg5[%mul3A_0, %dma_wait3A_14] : memref<10752x128xf32, #tpu.memory_space<hbm>> -> memref<672x128xf32, #tpu.memory_space<hbm>>
      tpu.wait_dma2 semaphore(%run_scoped3A : memref<!tpu.dma_semaphore, #tpu.memory_space<semaphore_mem>>) src(%dma_wait3A_15 : memref<672x128xf32, #tpu.memory_space<hbm>>) dst(%dma_wait3A_13 : memref<672x128xf32, #tpu.memory_space<vmem_shared>>)
      tpu.yield
    }) : () -> ()
    %barrier3A = arith.constant 0 : index
    tpu.barrier barrier_id(%barrier3A)
    %scan3A = arith.constant 0 : i32
    %scan3A_5 = arith.constant 4 : i32
    %scan3A_6 = arith.addi %scan3A, %scan3A_5 : i32
    %scan3A_7 = arith.constant 1 : i32
    scf.for %scan3A_10 = %scan3A to %scan3A_6 step %scan3A_7  : i32 {
      %mul3A_11 = arith.constant 1 : i32
      %mul3A_12 = arith.muli %scan3A_10, %mul3A_11 : i32
      %add3A_13 = arith.constant 0 : i32
      %add3A_14 = arith.addi %add3A_13, %mul3A_12 : i32
      %mul3A_15 = arith.constant 40 : i32
      %mul3A_16 = arith.muli %add3A_14, %mul3A_15 : i32
      %add3A_17 = arith.addi %add3A, %mul3A_16 : i32
      %lt3A = arith.constant 5000 : i32
      %lt3A_18 = arith.cmpi slt, %add3A_17, %lt3A : i32
      %convert_element_type3A = arith.extui %lt3A_18 : i1 to i32
      %cond3A = arith.constant 0 : i32
      %cond3A_19 = arith.cmpi ne, %convert_element_type3A, %cond3A : i32
      scf.if %cond3A_19 {
        %run_scoped3A_86 = arith.constant 1 : i32
        "tpu.region"() ({
          %run_scoped3A_88 = tpu.sem_alloc : memref<!tpu.dma_semaphore, #tpu.memory_space<semaphore_mem>>
          %dma_start3A_89 = arith.constant 0 : i32
          %dma_start3A_90 = tpu.memref_slice %arg3[%run_scoped3A_86, %add3A_17, %dma_start3A_89] : memref<2x5000x64xi32, #tpu.memory_space<hbm>> -> memref<1x40x64xi32, #tpu.memory_space<hbm>>
          %dma_start3A_91 = tpu.memref_squeeze %dma_start3A_90 : memref<1x40x64xi32, #tpu.memory_space<hbm>> -> memref<40x64xi32, #tpu.memory_space<hbm>>
          %dma_start3A_92 = arith.constant 0 : i32
          %dma_start3A_93 = tpu.memref_slice %arg3[%run_scoped3A_86, %add3A_17, %dma_start3A_92] : memref<2x5000x64xi32, #tpu.memory_space<hbm>> -> memref<1x40x64xi32, #tpu.memory_space<hbm>>
          %dma_start3A_94 = tpu.memref_squeeze %dma_start3A_93 : memref<1x40x64xi32, #tpu.memory_space<hbm>> -> memref<40x64xi32, #tpu.memory_space<hbm>>
          tpu.enqueue_dma source(%dma_start3A_94 : memref<40x64xi32, #tpu.memory_space<hbm>>) target(%arg9 : memref<40x64xi32, #tpu.memory_space<vmem>>) target_semaphore(%run_scoped3A_88 : memref<!tpu.dma_semaphore, #tpu.memory_space<semaphore_mem>>)
          %dma_wait3A_95 = arith.constant 0 : i32
          %dma_wait3A_96 = tpu.memref_slice %arg3[%run_scoped3A_86, %add3A_17, %dma_wait3A_95] : memref<2x5000x64xi32, #tpu.memory_space<hbm>> -> memref<1x40x64xi32, #tpu.memory_space<hbm>>
          %dma_wait3A_97 = tpu.memref_squeeze %dma_wait3A_96 : memref<1x40x64xi32, #tpu.memory_space<hbm>> -> memref<40x64xi32, #tpu.memory_space<hbm>>
          %dma_wait3A_98 = arith.constant 0 : i32
          %dma_wait3A_99 = tpu.memref_slice %arg3[%run_scoped3A_86, %add3A_17, %dma_wait3A_98] : memref<2x5000x64xi32, #tpu.memory_space<hbm>> -> memref<1x40x64xi32, #tpu.memory_space<hbm>>
          %dma_wait3A_100 = tpu.memref_squeeze %dma_wait3A_99 : memref<1x40x64xi32, #tpu.memory_space<hbm>> -> memref<40x64xi32, #tpu.memory_space<hbm>>
          tpu.wait_dma2 semaphore(%run_scoped3A_88 : memref<!tpu.dma_semaphore, #tpu.memory_space<semaphore_mem>>) src(%dma_wait3A_100 : memref<40x64xi32, #tpu.memory_space<hbm>>) dst(%arg9 : memref<40x64xi32, #tpu.memory_space<vmem>>)
          tpu.yield
        }) : () -> ()
        %run_scoped3A_87 = arith.constant 0 : i32
        "tpu.region"() ({
          %run_scoped3A_88 = tpu.sem_alloc : memref<!tpu.dma_semaphore, #tpu.memory_space<semaphore_mem>>
          %dma_start3A_89 = arith.constant 0 : i32
          %dma_start3A_90 = tpu.memref_slice %arg3[%run_scoped3A_87, %add3A_17, %dma_start3A_89] : memref<2x5000x64xi32, #tpu.memory_space<hbm>> -> memref<1x40x64xi32, #tpu.memory_space<hbm>>
          %dma_start3A_91 = tpu.memref_squeeze %dma_start3A_90 : memref<1x40x64xi32, #tpu.memory_space<hbm>> -> memref<40x64xi32, #tpu.memory_space<hbm>>
          %dma_start3A_92 = arith.constant 0 : i32
          %dma_start3A_93 = tpu.memref_slice %arg3[%run_scoped3A_87, %add3A_17, %dma_start3A_92] : memref<2x5000x64xi32, #tpu.memory_space<hbm>> -> memref<1x40x64xi32, #tpu.memory_space<hbm>>
          %dma_start3A_94 = tpu.memref_squeeze %dma_start3A_93 : memref<1x40x64xi32, #tpu.memory_space<hbm>> -> memref<40x64xi32, #tpu.memory_space<hbm>>
          tpu.enqueue_dma source(%dma_start3A_94 : memref<40x64xi32, #tpu.memory_space<hbm>>) target(%arg8 : memref<40x64xi32, #tpu.memory_space<vmem>>) target_semaphore(%run_scoped3A_88 : memref<!tpu.dma_semaphore, #tpu.memory_space<semaphore_mem>>)
          %dma_wait3A_95 = arith.constant 0 : i32
          %dma_wait3A_96 = tpu.memref_slice %arg3[%run_scoped3A_87, %add3A_17, %dma_wait3A_95] : memref<2x5000x64xi32, #tpu.memory_space<hbm>> -> memref<1x40x64xi32, #tpu.memory_space<hbm>>
          %dma_wait3A_97 = tpu.memref_squeeze %dma_wait3A_96 : memref<1x40x64xi32, #tpu.memory_space<hbm>> -> memref<40x64xi32, #tpu.memory_space<hbm>>
          %dma_wait3A_98 = arith.constant 0 : i32
          %dma_wait3A_99 = tpu.memref_slice %arg3[%run_scoped3A_87, %add3A_17, %dma_wait3A_98] : memref<2x5000x64xi32, #tpu.memory_space<hbm>> -> memref<1x40x64xi32, #tpu.memory_space<hbm>>
          %dma_wait3A_100 = tpu.memref_squeeze %dma_wait3A_99 : memref<1x40x64xi32, #tpu.memory_space<hbm>> -> memref<40x64xi32, #tpu.memory_space<hbm>>
          tpu.wait_dma2 semaphore(%run_scoped3A_88 : memref<!tpu.dma_semaphore, #tpu.memory_space<semaphore_mem>>) src(%dma_wait3A_100 : memref<40x64xi32, #tpu.memory_space<hbm>>) dst(%arg8 : memref<40x64xi32, #tpu.memory_space<vmem>>)
          tpu.yield
        }) : () -> ()
      } else {
      }
      %ge3A = arith.constant 5000 : i32
      %ge3A_20 = arith.cmpi sge, %add3A_17, %ge3A : i32
      %convert_element_type3A_21 = arith.extui %ge3A_20 : i1 to i32
      %cond3A_22 = arith.constant 0 : i32
      %cond3A_23 = arith.cmpi ne, %convert_element_type3A_21, %cond3A_22 : i32
      scf.if %cond3A_23 {
        %sub3A = arith.constant 5000 : i32
        %sub3A_86 = arith.subi %add3A_17, %sub3A : i32
        "tpu.region"() ({
          %run_scoped3A_89 = tpu.sem_alloc : memref<!tpu.dma_semaphore, #tpu.memory_space<semaphore_mem>>
          %dma_start3A_90 = arith.constant 0 : i32
          %dma_start3A_91 = tpu.memref_slice %arg4[%sub3A_86, %dma_start3A_90] : memref<120x64xi32, #tpu.memory_space<hbm>> -> memref<40x64xi32, #tpu.memory_space<hbm>>
          %dma_start3A_92 = arith.constant 0 : i32
          %dma_start3A_93 = tpu.memref_slice %arg4[%sub3A_86, %dma_start3A_92] : memref<120x64xi32, #tpu.memory_space<hbm>> -> memref<40x64xi32, #tpu.memory_space<hbm>>
          tpu.enqueue_dma source(%dma_start3A_93 : memref<40x64xi32, #tpu.memory_space<hbm>>) target(%arg9 : memref<40x64xi32, #tpu.memory_space<vmem>>) target_semaphore(%run_scoped3A_89 : memref<!tpu.dma_semaphore, #tpu.memory_space<semaphore_mem>>)
          %dma_wait3A_94 = arith.constant 0 : i32
          %dma_wait3A_95 = tpu.memref_slice %arg4[%sub3A_86, %dma_wait3A_94] : memref<120x64xi32, #tpu.memory_space<hbm>> -> memref<40x64xi32, #tpu.memory_space<hbm>>
          %dma_wait3A_96 = arith.constant 0 : i32
          %dma_wait3A_97 = tpu.memref_slice %arg4[%sub3A_86, %dma_wait3A_96] : memref<120x64xi32, #tpu.memory_space<hbm>> -> memref<40x64xi32, #tpu.memory_space<hbm>>
          tpu.wait_dma2 semaphore(%run_scoped3A_89 : memref<!tpu.dma_semaphore, #tpu.memory_space<semaphore_mem>>) src(%dma_wait3A_97 : memref<40x64xi32, #tpu.memory_space<hbm>>) dst(%arg9 : memref<40x64xi32, #tpu.memory_space<vmem>>)
          tpu.yield
        }) : () -> ()
        %sub3A_87 = arith.constant 5000 : i32
        %sub3A_88 = arith.subi %add3A_17, %sub3A_87 : i32
        "tpu.region"() ({
          %run_scoped3A_89 = tpu.sem_alloc : memref<!tpu.dma_semaphore, #tpu.memory_space<semaphore_mem>>
          %dma_start3A_90 = arith.constant 0 : i32
          %dma_start3A_91 = tpu.memref_slice %arg4[%sub3A_88, %dma_start3A_90] : memref<120x64xi32, #tpu.memory_space<hbm>> -> memref<40x64xi32, #tpu.memory_space<hbm>>
          %dma_start3A_92 = arith.constant 0 : i32
          %dma_start3A_93 = tpu.memref_slice %arg4[%sub3A_88, %dma_start3A_92] : memref<120x64xi32, #tpu.memory_space<hbm>> -> memref<40x64xi32, #tpu.memory_space<hbm>>
          tpu.enqueue_dma source(%dma_start3A_93 : memref<40x64xi32, #tpu.memory_space<hbm>>) target(%arg8 : memref<40x64xi32, #tpu.memory_space<vmem>>) target_semaphore(%run_scoped3A_89 : memref<!tpu.dma_semaphore, #tpu.memory_space<semaphore_mem>>)
          %dma_wait3A_94 = arith.constant 0 : i32
          %dma_wait3A_95 = tpu.memref_slice %arg4[%sub3A_88, %dma_wait3A_94] : memref<120x64xi32, #tpu.memory_space<hbm>> -> memref<40x64xi32, #tpu.memory_space<hbm>>
          %dma_wait3A_96 = arith.constant 0 : i32
          %dma_wait3A_97 = tpu.memref_slice %arg4[%sub3A_88, %dma_wait3A_96] : memref<120x64xi32, #tpu.memory_space<hbm>> -> memref<40x64xi32, #tpu.memory_space<hbm>>
          tpu.wait_dma2 semaphore(%run_scoped3A_89 : memref<!tpu.dma_semaphore, #tpu.memory_space<semaphore_mem>>) src(%dma_wait3A_97 : memref<40x64xi32, #tpu.memory_space<hbm>>) dst(%arg8 : memref<40x64xi32, #tpu.memory_space<vmem>>)
          tpu.yield
        }) : () -> ()
      } else {
      }
      %dma_start3A = arith.constant 0 : i32
      %dma_start3A_24 = arith.constant 0 : i32
      %dma_start3A_25 = tpu.memref_slice %arg8[%dma_start3A, %dma_start3A_24] : memref<40x64xi32, #tpu.memory_space<vmem>> -> memref<1x64xi32, #tpu.memory_space<vmem>>
      %dma_start3A_26 = tpu.memref_squeeze %dma_start3A_25 : memref<1x64xi32, #tpu.memory_space<vmem>> -> memref<64xi32, #tpu.memory_space<vmem>>
      %dma_start3A_27 = arith.constant 0 : i32
      %dma_start3A_28 = arith.constant 0 : i32
      %dma_start3A_29 = tpu.memref_slice %arg2[%dma_start3A_27, %dma_start3A_28] : memref<10752x128xf32, #tpu.memory_space<hbm>> -> memref<10752x128xf32, #tpu.memory_space<hbm>>
      tpu.enqueue_indirect_dma source(%dma_start3A_29 : memref<10752x128xf32, #tpu.memory_space<hbm>>) target(%arg10 : memref<64x128xf32, #tpu.memory_space<vmem>>) offsets(%dma_start3A_26 : memref<64xi32, #tpu.memory_space<vmem>>) semaphore(%arg14 : memref<!tpu.dma_semaphore, #tpu.memory_space<semaphore_mem>>)
      %dma_start3A_30 = arith.constant 1 : i32
      %dma_start3A_31 = arith.constant 0 : i32
      %dma_start3A_32 = tpu.memref_slice %arg8[%dma_start3A_30, %dma_start3A_31] : memref<40x64xi32, #tpu.memory_space<vmem>> -> memref<1x64xi32, #tpu.memory_space<vmem>>
      %dma_start3A_33 = tpu.memref_squeeze %dma_start3A_32 : memref<1x64xi32, #tpu.memory_space<vmem>> -> memref<64xi32, #tpu.memory_space<vmem>>
      %dma_start3A_34 = arith.constant 0 : i32
      %dma_start3A_35 = arith.constant 0 : i32
      %dma_start3A_36 = tpu.memref_slice %arg2[%dma_start3A_34, %dma_start3A_35] : memref<10752x128xf32, #tpu.memory_space<hbm>> -> memref<10752x128xf32, #tpu.memory_space<hbm>>
      tpu.enqueue_indirect_dma source(%dma_start3A_36 : memref<10752x128xf32, #tpu.memory_space<hbm>>) target(%arg11 : memref<64x128xf32, #tpu.memory_space<vmem>>) offsets(%dma_start3A_33 : memref<64xi32, #tpu.memory_space<vmem>>) semaphore(%arg15 : memref<!tpu.dma_semaphore, #tpu.memory_space<semaphore_mem>>)
      %dma_start3A_37 = arith.constant 2 : i32
      %dma_start3A_38 = arith.constant 0 : i32
      %dma_start3A_39 = tpu.memref_slice %arg8[%dma_start3A_37, %dma_start3A_38] : memref<40x64xi32, #tpu.memory_space<vmem>> -> memref<1x64xi32, #tpu.memory_space<vmem>>
      %dma_start3A_40 = tpu.memref_squeeze %dma_start3A_39 : memref<1x64xi32, #tpu.memory_space<vmem>> -> memref<64xi32, #tpu.memory_space<vmem>>
      %dma_start3A_41 = arith.constant 0 : i32
      %dma_start3A_42 = arith.constant 0 : i32
      %dma_start3A_43 = tpu.memref_slice %arg2[%dma_start3A_41, %dma_start3A_42] : memref<10752x128xf32, #tpu.memory_space<hbm>> -> memref<10752x128xf32, #tpu.memory_space<hbm>>
      tpu.enqueue_indirect_dma source(%dma_start3A_43 : memref<10752x128xf32, #tpu.memory_space<hbm>>) target(%arg12 : memref<64x128xf32, #tpu.memory_space<vmem>>) offsets(%dma_start3A_40 : memref<64xi32, #tpu.memory_space<vmem>>) semaphore(%arg16 : memref<!tpu.dma_semaphore, #tpu.memory_space<semaphore_mem>>)
      %dma_start3A_44 = arith.constant 3 : i32
      %dma_start3A_45 = arith.constant 0 : i32
      %dma_start3A_46 = tpu.memref_slice %arg8[%dma_start3A_44, %dma_start3A_45] : memref<40x64xi32, #tpu.memory_space<vmem>> -> memref<1x64xi32, #tpu.memory_space<vmem>>
      %dma_start3A_47 = tpu.memref_squeeze %dma_start3A_46 : memref<1x64xi32, #tpu.memory_space<vmem>> -> memref<64xi32, #tpu.memory_space<vmem>>
      %dma_start3A_48 = arith.constant 0 : i32
      %dma_start3A_49 = arith.constant 0 : i32
      %dma_start3A_50 = tpu.memref_slice %arg2[%dma_start3A_48, %dma_start3A_49] : memref<10752x128xf32, #tpu.memory_space<hbm>> -> memref<10752x128xf32, #tpu.memory_space<hbm>>
      tpu.enqueue_indirect_dma source(%dma_start3A_50 : memref<10752x128xf32, #tpu.memory_space<hbm>>) target(%arg13 : memref<64x128xf32, #tpu.memory_space<vmem>>) offsets(%dma_start3A_47 : memref<64xi32, #tpu.memory_space<vmem>>) semaphore(%arg17 : memref<!tpu.dma_semaphore, #tpu.memory_space<semaphore_mem>>)
      %scan3A_51 = arith.constant 0 : i32
      %scan3A_52 = arith.constant 9 : i32
      %scan3A_53 = arith.addi %scan3A_51, %scan3A_52 : i32
      %scan3A_54 = arith.constant 1 : i32
      scf.for %scan3A_86 = %scan3A_51 to %scan3A_53 step %scan3A_54  : i32 {
        %mul3A_87 = arith.constant 4 : i32
        %mul3A_88 = arith.muli %scan3A_86, %mul3A_87 : i32
        %add3A_89 = arith.constant 0 : i32
        %add3A_90 = arith.addi %add3A_89, %mul3A_88 : i32
        %add3A_91 = arith.constant 0 : i32
        %add3A_92 = arith.addi %add3A_90, %add3A_91 : i32
        %dma_wait3A_93 = arith.constant 0 : i32
        %dma_wait3A_94 = tpu.memref_slice %arg8[%add3A_92, %dma_wait3A_93] : memref<40x64xi32, #tpu.memory_space<vmem>> -> memref<1x64xi32, #tpu.memory_space<vmem>>
        %dma_wait3A_95 = tpu.memref_squeeze %dma_wait3A_94 : memref<1x64xi32, #tpu.memory_space<vmem>> -> memref<64xi32, #tpu.memory_space<vmem>>
        %dma_wait3A_96 = arith.constant 0 : i32
        %dma_wait3A_97 = arith.constant 0 : i32
        %dma_wait3A_98 = tpu.memref_slice %arg2[%dma_wait3A_96, %dma_wait3A_97] : memref<10752x128xf32, #tpu.memory_space<hbm>> -> memref<10752x128xf32, #tpu.memory_space<hbm>>
        tpu.wait_indirect_dma semaphore(%arg14 : memref<!tpu.dma_semaphore, #tpu.memory_space<semaphore_mem>>) src(%dma_wait3A_98 : memref<10752x128xf32, #tpu.memory_space<hbm>>) dst(%arg10 : memref<64x128xf32, #tpu.memory_space<vmem>>)
        %add3A_99 = arith.constant 0 : i32
        %add3A_100 = arith.addi %add3A_90, %add3A_99 : i32
        %dma_start3A_101 = arith.constant 0 : i32
        %dma_start3A_102 = tpu.memref_slice %arg9[%add3A_100, %dma_start3A_101] : memref<40x64xi32, #tpu.memory_space<vmem>> -> memref<1x64xi32, #tpu.memory_space<vmem>>
        %dma_start3A_103 = tpu.memref_squeeze %dma_start3A_102 : memref<1x64xi32, #tpu.memory_space<vmem>> -> memref<64xi32, #tpu.memory_space<vmem>>
        %dma_start3A_104 = arith.constant 0 : i32
        %dma_start3A_105 = arith.constant 0 : i32
        %dma_start3A_106 = tpu.memref_slice %arg7[%dma_start3A_104, %dma_start3A_105] : memref<10752x128xf32, #tpu.memory_space<vmem_shared>> -> memref<10752x128xf32, #tpu.memory_space<vmem_shared>>
        tpu.enqueue_indirect_dma source(%arg10 : memref<64x128xf32, #tpu.memory_space<vmem>>) target(%dma_start3A_106 : memref<10752x128xf32, #tpu.memory_space<vmem_shared>>) offsets(%dma_start3A_103 : memref<64xi32, #tpu.memory_space<vmem>>) semaphore(%arg18 : memref<!tpu.dma_semaphore, #tpu.memory_space<semaphore_mem>>) {add = true}
        %add3A_107 = arith.constant 1 : i32
        %add3A_108 = arith.addi %add3A_90, %add3A_107 : i32
        %dma_wait3A_109 = arith.constant 0 : i32
        %dma_wait3A_110 = tpu.memref_slice %arg8[%add3A_108, %dma_wait3A_109] : memref<40x64xi32, #tpu.memory_space<vmem>> -> memref<1x64xi32, #tpu.memory_space<vmem>>
        %dma_wait3A_111 = tpu.memref_squeeze %dma_wait3A_110 : memref<1x64xi32, #tpu.memory_space<vmem>> -> memref<64xi32, #tpu.memory_space<vmem>>
        %dma_wait3A_112 = arith.constant 0 : i32
        %dma_wait3A_113 = arith.constant 0 : i32
        %dma_wait3A_114 = tpu.memref_slice %arg2[%dma_wait3A_112, %dma_wait3A_113] : memref<10752x128xf32, #tpu.memory_space<hbm>> -> memref<10752x128xf32, #tpu.memory_space<hbm>>
        tpu.wait_indirect_dma semaphore(%arg15 : memref<!tpu.dma_semaphore, #tpu.memory_space<semaphore_mem>>) src(%dma_wait3A_114 : memref<10752x128xf32, #tpu.memory_space<hbm>>) dst(%arg11 : memref<64x128xf32, #tpu.memory_space<vmem>>)
        %add3A_115 = arith.constant 1 : i32
        %add3A_116 = arith.addi %add3A_90, %add3A_115 : i32
        %dma_start3A_117 = arith.constant 0 : i32
        %dma_start3A_118 = tpu.memref_slice %arg9[%add3A_116, %dma_start3A_117] : memref<40x64xi32, #tpu.memory_space<vmem>> -> memref<1x64xi32, #tpu.memory_space<vmem>>
        %dma_start3A_119 = tpu.memref_squeeze %dma_start3A_118 : memref<1x64xi32, #tpu.memory_space<vmem>> -> memref<64xi32, #tpu.memory_space<vmem>>
        %dma_start3A_120 = arith.constant 0 : i32
        %dma_start3A_121 = arith.constant 0 : i32
        %dma_start3A_122 = tpu.memref_slice %arg7[%dma_start3A_120, %dma_start3A_121] : memref<10752x128xf32, #tpu.memory_space<vmem_shared>> -> memref<10752x128xf32, #tpu.memory_space<vmem_shared>>
        tpu.enqueue_indirect_dma source(%arg11 : memref<64x128xf32, #tpu.memory_space<vmem>>) target(%dma_start3A_122 : memref<10752x128xf32, #tpu.memory_space<vmem_shared>>) offsets(%dma_start3A_119 : memref<64xi32, #tpu.memory_space<vmem>>) semaphore(%arg19 : memref<!tpu.dma_semaphore, #tpu.memory_space<semaphore_mem>>) {add = true}
        %add3A_123 = arith.constant 2 : i32
        %add3A_124 = arith.addi %add3A_90, %add3A_123 : i32
        %dma_wait3A_125 = arith.constant 0 : i32
        %dma_wait3A_126 = tpu.memref_slice %arg8[%add3A_124, %dma_wait3A_125] : memref<40x64xi32, #tpu.memory_space<vmem>> -> memref<1x64xi32, #tpu.memory_space<vmem>>
        %dma_wait3A_127 = tpu.memref_squeeze %dma_wait3A_126 : memref<1x64xi32, #tpu.memory_space<vmem>> -> memref<64xi32, #tpu.memory_space<vmem>>
        %dma_wait3A_128 = arith.constant 0 : i32
        %dma_wait3A_129 = arith.constant 0 : i32
        %dma_wait3A_130 = tpu.memref_slice %arg2[%dma_wait3A_128, %dma_wait3A_129] : memref<10752x128xf32, #tpu.memory_space<hbm>> -> memref<10752x128xf32, #tpu.memory_space<hbm>>
        tpu.wait_indirect_dma semaphore(%arg16 : memref<!tpu.dma_semaphore, #tpu.memory_space<semaphore_mem>>) src(%dma_wait3A_130 : memref<10752x128xf32, #tpu.memory_space<hbm>>) dst(%arg12 : memref<64x128xf32, #tpu.memory_space<vmem>>)
        %add3A_131 = arith.constant 2 : i32
        %add3A_132 = arith.addi %add3A_90, %add3A_131 : i32
        %dma_start3A_133 = arith.constant 0 : i32
        %dma_start3A_134 = tpu.memref_slice %arg9[%add3A_132, %dma_start3A_133] : memref<40x64xi32, #tpu.memory_space<vmem>> -> memref<1x64xi32, #tpu.memory_space<vmem>>
        %dma_start3A_135 = tpu.memref_squeeze %dma_start3A_134 : memref<1x64xi32, #tpu.memory_space<vmem>> -> memref<64xi32, #tpu.memory_space<vmem>>
        %dma_start3A_136 = arith.constant 0 : i32
        %dma_start3A_137 = arith.constant 0 : i32
        %dma_start3A_138 = tpu.memref_slice %arg7[%dma_start3A_136, %dma_start3A_137] : memref<10752x128xf32, #tpu.memory_space<vmem_shared>> -> memref<10752x128xf32, #tpu.memory_space<vmem_shared>>
        tpu.enqueue_indirect_dma source(%arg12 : memref<64x128xf32, #tpu.memory_space<vmem>>) target(%dma_start3A_138 : memref<10752x128xf32, #tpu.memory_space<vmem_shared>>) offsets(%dma_start3A_135 : memref<64xi32, #tpu.memory_space<vmem>>) semaphore(%arg20 : memref<!tpu.dma_semaphore, #tpu.memory_space<semaphore_mem>>) {add = true}
        %add3A_139 = arith.constant 3 : i32
        %add3A_140 = arith.addi %add3A_90, %add3A_139 : i32
        %dma_wait3A_141 = arith.constant 0 : i32
        %dma_wait3A_142 = tpu.memref_slice %arg8[%add3A_140, %dma_wait3A_141] : memref<40x64xi32, #tpu.memory_space<vmem>> -> memref<1x64xi32, #tpu.memory_space<vmem>>
        %dma_wait3A_143 = tpu.memref_squeeze %dma_wait3A_142 : memref<1x64xi32, #tpu.memory_space<vmem>> -> memref<64xi32, #tpu.memory_space<vmem>>
        %dma_wait3A_144 = arith.constant 0 : i32
        %dma_wait3A_145 = arith.constant 0 : i32
        %dma_wait3A_146 = tpu.memref_slice %arg2[%dma_wait3A_144, %dma_wait3A_145] : memref<10752x128xf32, #tpu.memory_space<hbm>> -> memref<10752x128xf32, #tpu.memory_space<hbm>>
        tpu.wait_indirect_dma semaphore(%arg17 : memref<!tpu.dma_semaphore, #tpu.memory_space<semaphore_mem>>) src(%dma_wait3A_146 : memref<10752x128xf32, #tpu.memory_space<hbm>>) dst(%arg13 : memref<64x128xf32, #tpu.memory_space<vmem>>)
        %add3A_147 = arith.constant 3 : i32
        %add3A_148 = arith.addi %add3A_90, %add3A_147 : i32
        %dma_start3A_149 = arith.constant 0 : i32
        %dma_start3A_150 = tpu.memref_slice %arg9[%add3A_148, %dma_start3A_149] : memref<40x64xi32, #tpu.memory_space<vmem>> -> memref<1x64xi32, #tpu.memory_space<vmem>>
        %dma_start3A_151 = tpu.memref_squeeze %dma_start3A_150 : memref<1x64xi32, #tpu.memory_space<vmem>> -> memref<64xi32, #tpu.memory_space<vmem>>
        %dma_start3A_152 = arith.constant 0 : i32
        %dma_start3A_153 = arith.constant 0 : i32
        %dma_start3A_154 = tpu.memref_slice %arg7[%dma_start3A_152, %dma_start3A_153] : memref<10752x128xf32, #tpu.memory_space<vmem_shared>> -> memref<10752x128xf32, #tpu.memory_space<vmem_shared>>
        tpu.enqueue_indirect_dma source(%arg13 : memref<64x128xf32, #tpu.memory_space<vmem>>) target(%dma_start3A_154 : memref<10752x128xf32, #tpu.memory_space<vmem_shared>>) offsets(%dma_start3A_151 : memref<64xi32, #tpu.memory_space<vmem>>) semaphore(%arg21 : memref<!tpu.dma_semaphore, #tpu.memory_space<semaphore_mem>>) {add = true}
        %add3A_155 = arith.constant 0 : i32
        %add3A_156 = arith.addi %add3A_90, %add3A_155 : i32
        %dma_wait3A_157 = arith.constant 0 : i32
        %dma_wait3A_158 = tpu.memref_slice %arg9[%add3A_156, %dma_wait3A_157] : memref<40x64xi32, #tpu.memory_space<vmem>> -> memref<1x64xi32, #tpu.memory_space<vmem>>
        %dma_wait3A_159 = tpu.memref_squeeze %dma_wait3A_158 : memref<1x64xi32, #tpu.memory_space<vmem>> -> memref<64xi32, #tpu.memory_space<vmem>>
        %dma_wait3A_160 = arith.constant 0 : i32
        %dma_wait3A_161 = arith.constant 0 : i32
        %dma_wait3A_162 = tpu.memref_slice %arg7[%dma_wait3A_160, %dma_wait3A_161] : memref<10752x128xf32, #tpu.memory_space<vmem_shared>> -> memref<10752x128xf32, #tpu.memory_space<vmem_shared>>
        tpu.wait_indirect_dma semaphore(%arg18 : memref<!tpu.dma_semaphore, #tpu.memory_space<semaphore_mem>>) src(%arg10 : memref<64x128xf32, #tpu.memory_space<vmem>>) dst(%dma_wait3A_162 : memref<10752x128xf32, #tpu.memory_space<vmem_shared>>)
        %add3A_163 = arith.constant 4 : i32
        %add3A_164 = arith.addi %add3A_90, %add3A_163 : i32
        %add3A_165 = arith.constant 0 : i32
        %add3A_166 = arith.addi %add3A_164, %add3A_165 : i32
        %dma_start3A_167 = arith.constant 0 : i32
        %dma_start3A_168 = tpu.memref_slice %arg8[%add3A_166, %dma_start3A_167] : memref<40x64xi32, #tpu.memory_space<vmem>> -> memref<1x64xi32, #tpu.memory_space<vmem>>
        %dma_start3A_169 = tpu.memref_squeeze %dma_start3A_168 : memref<1x64xi32, #tpu.memory_space<vmem>> -> memref<64xi32, #tpu.memory_space<vmem>>
        %dma_start3A_170 = arith.constant 0 : i32
        %dma_start3A_171 = arith.constant 0 : i32
        %dma_start3A_172 = tpu.memref_slice %arg2[%dma_start3A_170, %dma_start3A_171] : memref<10752x128xf32, #tpu.memory_space<hbm>> -> memref<10752x128xf32, #tpu.memory_space<hbm>>
        tpu.enqueue_indirect_dma source(%dma_start3A_172 : memref<10752x128xf32, #tpu.memory_space<hbm>>) target(%arg10 : memref<64x128xf32, #tpu.memory_space<vmem>>) offsets(%dma_start3A_169 : memref<64xi32, #tpu.memory_space<vmem>>) semaphore(%arg14 : memref<!tpu.dma_semaphore, #tpu.memory_space<semaphore_mem>>)
        %add3A_173 = arith.constant 1 : i32
        %add3A_174 = arith.addi %add3A_90, %add3A_173 : i32
        %dma_wait3A_175 = arith.constant 0 : i32
        %dma_wait3A_176 = tpu.memref_slice %arg9[%add3A_174, %dma_wait3A_175] : memref<40x64xi32, #tpu.memory_space<vmem>> -> memref<1x64xi32, #tpu.memory_space<vmem>>
        %dma_wait3A_177 = tpu.memref_squeeze %dma_wait3A_176 : memref<1x64xi32, #tpu.memory_space<vmem>> -> memref<64xi32, #tpu.memory_space<vmem>>
        %dma_wait3A_178 = arith.constant 0 : i32
        %dma_wait3A_179 = arith.constant 0 : i32
        %dma_wait3A_180 = tpu.memref_slice %arg7[%dma_wait3A_178, %dma_wait3A_179] : memref<10752x128xf32, #tpu.memory_space<vmem_shared>> -> memref<10752x128xf32, #tpu.memory_space<vmem_shared>>
        tpu.wait_indirect_dma semaphore(%arg19 : memref<!tpu.dma_semaphore, #tpu.memory_space<semaphore_mem>>) src(%arg11 : memref<64x128xf32, #tpu.memory_space<vmem>>) dst(%dma_wait3A_180 : memref<10752x128xf32, #tpu.memory_space<vmem_shared>>)
        %add3A_181 = arith.constant 4 : i32
        %add3A_182 = arith.addi %add3A_90, %add3A_181 : i32
        %add3A_183 = arith.constant 1 : i32
        %add3A_184 = arith.addi %add3A_182, %add3A_183 : i32
        %dma_start3A_185 = arith.constant 0 : i32
        %dma_start3A_186 = tpu.memref_slice %arg8[%add3A_184, %dma_start3A_185] : memref<40x64xi32, #tpu.memory_space<vmem>> -> memref<1x64xi32, #tpu.memory_space<vmem>>
        %dma_start3A_187 = tpu.memref_squeeze %dma_start3A_186 : memref<1x64xi32, #tpu.memory_space<vmem>> -> memref<64xi32, #tpu.memory_space<vmem>>
        %dma_start3A_188 = arith.constant 0 : i32
        %dma_start3A_189 = arith.constant 0 : i32
        %dma_start3A_190 = tpu.memref_slice %arg2[%dma_start3A_188, %dma_start3A_189] : memref<10752x128xf32, #tpu.memory_space<hbm>> -> memref<10752x128xf32, #tpu.memory_space<hbm>>
        tpu.enqueue_indirect_dma source(%dma_start3A_190 : memref<10752x128xf32, #tpu.memory_space<hbm>>) target(%arg11 : memref<64x128xf32, #tpu.memory_space<vmem>>) offsets(%dma_start3A_187 : memref<64xi32, #tpu.memory_space<vmem>>) semaphore(%arg15 : memref<!tpu.dma_semaphore, #tpu.memory_space<semaphore_mem>>)
        %add3A_191 = arith.constant 2 : i32
        %add3A_192 = arith.addi %add3A_90, %add3A_191 : i32
        %dma_wait3A_193 = arith.constant 0 : i32
        %dma_wait3A_194 = tpu.memref_slice %arg9[%add3A_192, %dma_wait3A_193] : memref<40x64xi32, #tpu.memory_space<vmem>> -> memref<1x64xi32, #tpu.memory_space<vmem>>
        %dma_wait3A_195 = tpu.memref_squeeze %dma_wait3A_194 : memref<1x64xi32, #tpu.memory_space<vmem>> -> memref<64xi32, #tpu.memory_space<vmem>>
        %dma_wait3A_196 = arith.constant 0 : i32
        %dma_wait3A_197 = arith.constant 0 : i32
        %dma_wait3A_198 = tpu.memref_slice %arg7[%dma_wait3A_196, %dma_wait3A_197] : memref<10752x128xf32, #tpu.memory_space<vmem_shared>> -> memref<10752x128xf32, #tpu.memory_space<vmem_shared>>
        tpu.wait_indirect_dma semaphore(%arg20 : memref<!tpu.dma_semaphore, #tpu.memory_space<semaphore_mem>>) src(%arg12 : memref<64x128xf32, #tpu.memory_space<vmem>>) dst(%dma_wait3A_198 : memref<10752x128xf32, #tpu.memory_space<vmem_shared>>)
        %add3A_199 = arith.constant 4 : i32
        %add3A_200 = arith.addi %add3A_90, %add3A_199 : i32
        %add3A_201 = arith.constant 2 : i32
        %add3A_202 = arith.addi %add3A_200, %add3A_201 : i32
        %dma_start3A_203 = arith.constant 0 : i32
        %dma_start3A_204 = tpu.memref_slice %arg8[%add3A_202, %dma_start3A_203] : memref<40x64xi32, #tpu.memory_space<vmem>> -> memref<1x64xi32, #tpu.memory_space<vmem>>
        %dma_start3A_205 = tpu.memref_squeeze %dma_start3A_204 : memref<1x64xi32, #tpu.memory_space<vmem>> -> memref<64xi32, #tpu.memory_space<vmem>>
        %dma_start3A_206 = arith.constant 0 : i32
        %dma_start3A_207 = arith.constant 0 : i32
        %dma_start3A_208 = tpu.memref_slice %arg2[%dma_start3A_206, %dma_start3A_207] : memref<10752x128xf32, #tpu.memory_space<hbm>> -> memref<10752x128xf32, #tpu.memory_space<hbm>>
        tpu.enqueue_indirect_dma source(%dma_start3A_208 : memref<10752x128xf32, #tpu.memory_space<hbm>>) target(%arg12 : memref<64x128xf32, #tpu.memory_space<vmem>>) offsets(%dma_start3A_205 : memref<64xi32, #tpu.memory_space<vmem>>) semaphore(%arg16 : memref<!tpu.dma_semaphore, #tpu.memory_space<semaphore_mem>>)
        %add3A_209 = arith.constant 3 : i32
        %add3A_210 = arith.addi %add3A_90, %add3A_209 : i32
        %dma_wait3A_211 = arith.constant 0 : i32
        %dma_wait3A_212 = tpu.memref_slice %arg9[%add3A_210, %dma_wait3A_211] : memref<40x64xi32, #tpu.memory_space<vmem>> -> memref<1x64xi32, #tpu.memory_space<vmem>>
        %dma_wait3A_213 = tpu.memref_squeeze %dma_wait3A_212 : memref<1x64xi32, #tpu.memory_space<vmem>> -> memref<64xi32, #tpu.memory_space<vmem>>
        %dma_wait3A_214 = arith.constant 0 : i32
        %dma_wait3A_215 = arith.constant 0 : i32
        %dma_wait3A_216 = tpu.memref_slice %arg7[%dma_wait3A_214, %dma_wait3A_215] : memref<10752x128xf32, #tpu.memory_space<vmem_shared>> -> memref<10752x128xf32, #tpu.memory_space<vmem_shared>>
        tpu.wait_indirect_dma semaphore(%arg21 : memref<!tpu.dma_semaphore, #tpu.memory_space<semaphore_mem>>) src(%arg13 : memref<64x128xf32, #tpu.memory_space<vmem>>) dst(%dma_wait3A_216 : memref<10752x128xf32, #tpu.memory_space<vmem_shared>>)
        %add3A_217 = arith.constant 4 : i32
        %add3A_218 = arith.addi %add3A_90, %add3A_217 : i32
        %add3A_219 = arith.constant 3 : i32
        %add3A_220 = arith.addi %add3A_218, %add3A_219 : i32
        %dma_start3A_221 = arith.constant 0 : i32
        %dma_start3A_222 = tpu.memref_slice %arg8[%add3A_220, %dma_start3A_221] : memref<40x64xi32, #tpu.memory_space<vmem>> -> memref<1x64xi32, #tpu.memory_space<vmem>>
        %dma_start3A_223 = tpu.memref_squeeze %dma_start3A_222 : memref<1x64xi32, #tpu.memory_space<vmem>> -> memref<64xi32, #tpu.memory_space<vmem>>
        %dma_start3A_224 = arith.constant 0 : i32
        %dma_start3A_225 = arith.constant 0 : i32
        %dma_start3A_226 = tpu.memref_slice %arg2[%dma_start3A_224, %dma_start3A_225] : memref<10752x128xf32, #tpu.memory_space<hbm>> -> memref<10752x128xf32, #tpu.memory_space<hbm>>
        tpu.enqueue_indirect_dma source(%dma_start3A_226 : memref<10752x128xf32, #tpu.memory_space<hbm>>) target(%arg13 : memref<64x128xf32, #tpu.memory_space<vmem>>) offsets(%dma_start3A_223 : memref<64xi32, #tpu.memory_space<vmem>>) semaphore(%arg17 : memref<!tpu.dma_semaphore, #tpu.memory_space<semaphore_mem>>)
      }
      %scan3A_55 = arith.constant 9 : i32
      %dma_wait3A = arith.constant 36 : i32
      %dma_wait3A_56 = arith.constant 0 : i32
      %dma_wait3A_57 = tpu.memref_slice %arg8[%dma_wait3A, %dma_wait3A_56] : memref<40x64xi32, #tpu.memory_space<vmem>> -> memref<1x64xi32, #tpu.memory_space<vmem>>
      %dma_wait3A_58 = tpu.memref_squeeze %dma_wait3A_57 : memref<1x64xi32, #tpu.memory_space<vmem>> -> memref<64xi32, #tpu.memory_space<vmem>>
      %dma_wait3A_59 = arith.constant 0 : i32
      %dma_wait3A_60 = arith.constant 0 : i32
      %dma_wait3A_61 = tpu.memref_slice %arg2[%dma_wait3A_59, %dma_wait3A_60] : memref<10752x128xf32, #tpu.memory_space<hbm>> -> memref<10752x128xf32, #tpu.memory_space<hbm>>
      tpu.wait_indirect_dma semaphore(%arg14 : memref<!tpu.dma_semaphore, #tpu.memory_space<semaphore_mem>>) src(%dma_wait3A_61 : memref<10752x128xf32, #tpu.memory_space<hbm>>) dst(%arg10 : memref<64x128xf32, #tpu.memory_space<vmem>>)
      %run_scoped3A = arith.constant 36 : i32
      "tpu.region"() ({
        %run_scoped3A_86 = tpu.sem_alloc : memref<!tpu.dma_semaphore, #tpu.memory_space<semaphore_mem>>
        %dma_start3A_87 = arith.constant 0 : i32
        %dma_start3A_88 = tpu.memref_slice %arg9[%run_scoped3A, %dma_start3A_87] : memref<40x64xi32, #tpu.memory_space<vmem>> -> memref<1x64xi32, #tpu.memory_space<vmem>>
        %dma_start3A_89 = tpu.memref_squeeze %dma_start3A_88 : memref<1x64xi32, #tpu.memory_space<vmem>> -> memref<64xi32, #tpu.memory_space<vmem>>
        %dma_start3A_90 = arith.constant 0 : i32
        %dma_start3A_91 = arith.constant 0 : i32
        %dma_start3A_92 = tpu.memref_slice %arg7[%dma_start3A_90, %dma_start3A_91] : memref<10752x128xf32, #tpu.memory_space<vmem_shared>> -> memref<10752x128xf32, #tpu.memory_space<vmem_shared>>
        tpu.enqueue_indirect_dma source(%arg10 : memref<64x128xf32, #tpu.memory_space<vmem>>) target(%dma_start3A_92 : memref<10752x128xf32, #tpu.memory_space<vmem_shared>>) offsets(%dma_start3A_89 : memref<64xi32, #tpu.memory_space<vmem>>) semaphore(%run_scoped3A_86 : memref<!tpu.dma_semaphore, #tpu.memory_space<semaphore_mem>>) {add = true}
        %dma_wait3A_93 = arith.constant 0 : i32
        %dma_wait3A_94 = tpu.memref_slice %arg9[%run_scoped3A, %dma_wait3A_93] : memref<40x64xi32, #tpu.memory_space<vmem>> -> memref<1x64xi32, #tpu.memory_space<vmem>>
        %dma_wait3A_95 = tpu.memref_squeeze %dma_wait3A_94 : memref<1x64xi32, #tpu.memory_space<vmem>> -> memref<64xi32, #tpu.memory_space<vmem>>
        %dma_wait3A_96 = arith.constant 0 : i32
        %dma_wait3A_97 = arith.constant 0 : i32
        %dma_wait3A_98 = tpu.memref_slice %arg7[%dma_wait3A_96, %dma_wait3A_97] : memref<10752x128xf32, #tpu.memory_space<vmem_shared>> -> memref<10752x128xf32, #tpu.memory_space<vmem_shared>>
        tpu.wait_indirect_dma semaphore(%run_scoped3A_86 : memref<!tpu.dma_semaphore, #tpu.memory_space<semaphore_mem>>) src(%arg10 : memref<64x128xf32, #tpu.memory_space<vmem>>) dst(%dma_wait3A_98 : memref<10752x128xf32, #tpu.memory_space<vmem_shared>>)
        tpu.yield
      }) : () -> ()
      %dma_wait3A_62 = arith.constant 37 : i32
      %dma_wait3A_63 = arith.constant 0 : i32
      %dma_wait3A_64 = tpu.memref_slice %arg8[%dma_wait3A_62, %dma_wait3A_63] : memref<40x64xi32, #tpu.memory_space<vmem>> -> memref<1x64xi32, #tpu.memory_space<vmem>>
      %dma_wait3A_65 = tpu.memref_squeeze %dma_wait3A_64 : memref<1x64xi32, #tpu.memory_space<vmem>> -> memref<64xi32, #tpu.memory_space<vmem>>
      %dma_wait3A_66 = arith.constant 0 : i32
      %dma_wait3A_67 = arith.constant 0 : i32
      %dma_wait3A_68 = tpu.memref_slice %arg2[%dma_wait3A_66, %dma_wait3A_67] : memref<10752x128xf32, #tpu.memory_space<hbm>> -> memref<10752x128xf32, #tpu.memory_space<hbm>>
      tpu.wait_indirect_dma semaphore(%arg15 : memref<!tpu.dma_semaphore, #tpu.memory_space<semaphore_mem>>) src(%dma_wait3A_68 : memref<10752x128xf32, #tpu.memory_space<hbm>>) dst(%arg11 : memref<64x128xf32, #tpu.memory_space<vmem>>)
      %run_scoped3A_69 = arith.constant 37 : i32
      "tpu.region"() ({
        %run_scoped3A_86 = tpu.sem_alloc : memref<!tpu.dma_semaphore, #tpu.memory_space<semaphore_mem>>
        %dma_start3A_87 = arith.constant 0 : i32
        %dma_start3A_88 = tpu.memref_slice %arg9[%run_scoped3A_69, %dma_start3A_87] : memref<40x64xi32, #tpu.memory_space<vmem>> -> memref<1x64xi32, #tpu.memory_space<vmem>>
        %dma_start3A_89 = tpu.memref_squeeze %dma_start3A_88 : memref<1x64xi32, #tpu.memory_space<vmem>> -> memref<64xi32, #tpu.memory_space<vmem>>
        %dma_start3A_90 = arith.constant 0 : i32
        %dma_start3A_91 = arith.constant 0 : i32
        %dma_start3A_92 = tpu.memref_slice %arg7[%dma_start3A_90, %dma_start3A_91] : memref<10752x128xf32, #tpu.memory_space<vmem_shared>> -> memref<10752x128xf32, #tpu.memory_space<vmem_shared>>
        tpu.enqueue_indirect_dma source(%arg11 : memref<64x128xf32, #tpu.memory_space<vmem>>) target(%dma_start3A_92 : memref<10752x128xf32, #tpu.memory_space<vmem_shared>>) offsets(%dma_start3A_89 : memref<64xi32, #tpu.memory_space<vmem>>) semaphore(%run_scoped3A_86 : memref<!tpu.dma_semaphore, #tpu.memory_space<semaphore_mem>>) {add = true}
        %dma_wait3A_93 = arith.constant 0 : i32
        %dma_wait3A_94 = tpu.memref_slice %arg9[%run_scoped3A_69, %dma_wait3A_93] : memref<40x64xi32, #tpu.memory_space<vmem>> -> memref<1x64xi32, #tpu.memory_space<vmem>>
        %dma_wait3A_95 = tpu.memref_squeeze %dma_wait3A_94 : memref<1x64xi32, #tpu.memory_space<vmem>> -> memref<64xi32, #tpu.memory_space<vmem>>
        %dma_wait3A_96 = arith.constant 0 : i32
        %dma_wait3A_97 = arith.constant 0 : i32
        %dma_wait3A_98 = tpu.memref_slice %arg7[%dma_wait3A_96, %dma_wait3A_97] : memref<10752x128xf32, #tpu.memory_space<vmem_shared>> -> memref<10752x128xf32, #tpu.memory_space<vmem_shared>>
        tpu.wait_indirect_dma semaphore(%run_scoped3A_86 : memref<!tpu.dma_semaphore, #tpu.memory_space<semaphore_mem>>) src(%arg11 : memref<64x128xf32, #tpu.memory_space<vmem>>) dst(%dma_wait3A_98 : memref<10752x128xf32, #tpu.memory_space<vmem_shared>>)
        tpu.yield
      }) : () -> ()
      %dma_wait3A_70 = arith.constant 38 : i32
      %dma_wait3A_71 = arith.constant 0 : i32
      %dma_wait3A_72 = tpu.memref_slice %arg8[%dma_wait3A_70, %dma_wait3A_71] : memref<40x64xi32, #tpu.memory_space<vmem>> -> memref<1x64xi32, #tpu.memory_space<vmem>>
      %dma_wait3A_73 = tpu.memref_squeeze %dma_wait3A_72 : memref<1x64xi32, #tpu.memory_space<vmem>> -> memref<64xi32, #tpu.memory_space<vmem>>
      %dma_wait3A_74 = arith.constant 0 : i32
      %dma_wait3A_75 = arith.constant 0 : i32
      %dma_wait3A_76 = tpu.memref_slice %arg2[%dma_wait3A_74, %dma_wait3A_75] : memref<10752x128xf32, #tpu.memory_space<hbm>> -> memref<10752x128xf32, #tpu.memory_space<hbm>>
      tpu.wait_indirect_dma semaphore(%arg16 : memref<!tpu.dma_semaphore, #tpu.memory_space<semaphore_mem>>) src(%dma_wait3A_76 : memref<10752x128xf32, #tpu.memory_space<hbm>>) dst(%arg12 : memref<64x128xf32, #tpu.memory_space<vmem>>)
      %run_scoped3A_77 = arith.constant 38 : i32
      "tpu.region"() ({
        %run_scoped3A_86 = tpu.sem_alloc : memref<!tpu.dma_semaphore, #tpu.memory_space<semaphore_mem>>
        %dma_start3A_87 = arith.constant 0 : i32
        %dma_start3A_88 = tpu.memref_slice %arg9[%run_scoped3A_77, %dma_start3A_87] : memref<40x64xi32, #tpu.memory_space<vmem>> -> memref<1x64xi32, #tpu.memory_space<vmem>>
        %dma_start3A_89 = tpu.memref_squeeze %dma_start3A_88 : memref<1x64xi32, #tpu.memory_space<vmem>> -> memref<64xi32, #tpu.memory_space<vmem>>
        %dma_start3A_90 = arith.constant 0 : i32
        %dma_start3A_91 = arith.constant 0 : i32
        %dma_start3A_92 = tpu.memref_slice %arg7[%dma_start3A_90, %dma_start3A_91] : memref<10752x128xf32, #tpu.memory_space<vmem_shared>> -> memref<10752x128xf32, #tpu.memory_space<vmem_shared>>
        tpu.enqueue_indirect_dma source(%arg12 : memref<64x128xf32, #tpu.memory_space<vmem>>) target(%dma_start3A_92 : memref<10752x128xf32, #tpu.memory_space<vmem_shared>>) offsets(%dma_start3A_89 : memref<64xi32, #tpu.memory_space<vmem>>) semaphore(%run_scoped3A_86 : memref<!tpu.dma_semaphore, #tpu.memory_space<semaphore_mem>>) {add = true}
        %dma_wait3A_93 = arith.constant 0 : i32
        %dma_wait3A_94 = tpu.memref_slice %arg9[%run_scoped3A_77, %dma_wait3A_93] : memref<40x64xi32, #tpu.memory_space<vmem>> -> memref<1x64xi32, #tpu.memory_space<vmem>>
        %dma_wait3A_95 = tpu.memref_squeeze %dma_wait3A_94 : memref<1x64xi32, #tpu.memory_space<vmem>> -> memref<64xi32, #tpu.memory_space<vmem>>
        %dma_wait3A_96 = arith.constant 0 : i32
        %dma_wait3A_97 = arith.constant 0 : i32
        %dma_wait3A_98 = tpu.memref_slice %arg7[%dma_wait3A_96, %dma_wait3A_97] : memref<10752x128xf32, #tpu.memory_space<vmem_shared>> -> memref<10752x128xf32, #tpu.memory_space<vmem_shared>>
        tpu.wait_indirect_dma semaphore(%run_scoped3A_86 : memref<!tpu.dma_semaphore, #tpu.memory_space<semaphore_mem>>) src(%arg12 : memref<64x128xf32, #tpu.memory_space<vmem>>) dst(%dma_wait3A_98 : memref<10752x128xf32, #tpu.memory_space<vmem_shared>>)
        tpu.yield
      }) : () -> ()
      %dma_wait3A_78 = arith.constant 39 : i32
      %dma_wait3A_79 = arith.constant 0 : i32
      %dma_wait3A_80 = tpu.memref_slice %arg8[%dma_wait3A_78, %dma_wait3A_79] : memref<40x64xi32, #tpu.memory_space<vmem>> -> memref<1x64xi32, #tpu.memory_space<vmem>>
      %dma_wait3A_81 = tpu.memref_squeeze %dma_wait3A_80 : memref<1x64xi32, #tpu.memory_space<vmem>> -> memref<64xi32, #tpu.memory_space<vmem>>
      %dma_wait3A_82 = arith.constant 0 : i32
      %dma_wait3A_83 = arith.constant 0 : i32
      %dma_wait3A_84 = tpu.memref_slice %arg2[%dma_wait3A_82, %dma_wait3A_83] : memref<10752x128xf32, #tpu.memory_space<hbm>> -> memref<10752x128xf32, #tpu.memory_space<hbm>>
      tpu.wait_indirect_dma semaphore(%arg17 : memref<!tpu.dma_semaphore, #tpu.memory_space<semaphore_mem>>) src(%dma_wait3A_84 : memref<10752x128xf32, #tpu.memory_space<hbm>>) dst(%arg13 : memref<64x128xf32, #tpu.memory_space<vmem>>)
      %run_scoped3A_85 = arith.constant 39 : i32
      "tpu.region"() ({
        %run_scoped3A_86 = tpu.sem_alloc : memref<!tpu.dma_semaphore, #tpu.memory_space<semaphore_mem>>
        %dma_start3A_87 = arith.constant 0 : i32
        %dma_start3A_88 = tpu.memref_slice %arg9[%run_scoped3A_85, %dma_start3A_87] : memref<40x64xi32, #tpu.memory_space<vmem>> -> memref<1x64xi32, #tpu.memory_space<vmem>>
        %dma_start3A_89 = tpu.memref_squeeze %dma_start3A_88 : memref<1x64xi32, #tpu.memory_space<vmem>> -> memref<64xi32, #tpu.memory_space<vmem>>
        %dma_start3A_90 = arith.constant 0 : i32
        %dma_start3A_91 = arith.constant 0 : i32
        %dma_start3A_92 = tpu.memref_slice %arg7[%dma_start3A_90, %dma_start3A_91] : memref<10752x128xf32, #tpu.memory_space<vmem_shared>> -> memref<10752x128xf32, #tpu.memory_space<vmem_shared>>
        tpu.enqueue_indirect_dma source(%arg13 : memref<64x128xf32, #tpu.memory_space<vmem>>) target(%dma_start3A_92 : memref<10752x128xf32, #tpu.memory_space<vmem_shared>>) offsets(%dma_start3A_89 : memref<64xi32, #tpu.memory_space<vmem>>) semaphore(%run_scoped3A_86 : memref<!tpu.dma_semaphore, #tpu.memory_space<semaphore_mem>>) {add = true}
        %dma_wait3A_93 = arith.constant 0 : i32
        %dma_wait3A_94 = tpu.memref_slice %arg9[%run_scoped3A_85, %dma_wait3A_93] : memref<40x64xi32, #tpu.memory_space<vmem>> -> memref<1x64xi32, #tpu.memory_space<vmem>>
        %dma_wait3A_95 = tpu.memref_squeeze %dma_wait3A_94 : memref<1x64xi32, #tpu.memory_space<vmem>> -> memref<64xi32, #tpu.memory_space<vmem>>
        %dma_wait3A_96 = arith.constant 0 : i32
        %dma_wait3A_97 = arith.constant 0 : i32
        %dma_wait3A_98 = tpu.memref_slice %arg7[%dma_wait3A_96, %dma_wait3A_97] : memref<10752x128xf32, #tpu.memory_space<vmem_shared>> -> memref<10752x128xf32, #tpu.memory_space<vmem_shared>>
        tpu.wait_indirect_dma semaphore(%run_scoped3A_86 : memref<!tpu.dma_semaphore, #tpu.memory_space<semaphore_mem>>) src(%arg13 : memref<64x128xf32, #tpu.memory_space<vmem>>) dst(%dma_wait3A_98 : memref<10752x128xf32, #tpu.memory_space<vmem_shared>>)
        tpu.yield
      }) : () -> ()
    }
    %scan3A_8 = arith.constant 4 : i32
    %barrier3A_9 = arith.constant 0 : index
    tpu.barrier barrier_id(%barrier3A_9)
    "tpu.region"() ({
      %run_scoped3A = tpu.sem_alloc : memref<!tpu.dma_semaphore, #tpu.memory_space<semaphore_mem>>
      %dma_start3A = arith.constant 0 : i32
      %dma_start3A_10 = tpu.memref_slice %arg6[%arg0, %mul3A_0, %dma_start3A] : memref<2x10752x128xf32, #tpu.memory_space<hbm>> -> memref<1x672x128xf32, #tpu.memory_space<hbm>>
      %dma_start3A_11 = tpu.memref_squeeze %dma_start3A_10 : memref<1x672x128xf32, #tpu.memory_space<hbm>> -> memref<672x128xf32, #tpu.memory_space<hbm>>
      %dma_start3A_12 = arith.constant 0 : i32
      %dma_start3A_13 = tpu.memref_slice %arg7[%mul3A_0, %dma_start3A_12] : memref<10752x128xf32, #tpu.memory_space<vmem_shared>> -> memref<672x128xf32, #tpu.memory_space<vmem_shared>>
      tpu.enqueue_dma source(%dma_start3A_13 : memref<672x128xf32, #tpu.memory_space<vmem_shared>>) target(%dma_start3A_11 : memref<672x128xf32, #tpu.memory_space<hbm>>) target_semaphore(%run_scoped3A : memref<!tpu.dma_semaphore, #tpu.memory_space<semaphore_mem>>)
      %dma_wait3A = arith.constant 0 : i32
      %dma_wait3A_14 = tpu.memref_slice %arg6[%arg0, %mul3A_0, %dma_wait3A] : memref<2x10752x128xf32, #tpu.memory_space<hbm>> -> memref<1x672x128xf32, #tpu.memory_space<hbm>>
      %dma_wait3A_15 = tpu.memref_squeeze %dma_wait3A_14 : memref<1x672x128xf32, #tpu.memory_space<hbm>> -> memref<672x128xf32, #tpu.memory_space<hbm>>
      %dma_wait3A_16 = arith.constant 0 : i32
      %dma_wait3A_17 = tpu.memref_slice %arg7[%mul3A_0, %dma_wait3A_16] : memref<10752x128xf32, #tpu.memory_space<vmem_shared>> -> memref<672x128xf32, #tpu.memory_space<vmem_shared>>
      tpu.wait_dma2 semaphore(%run_scoped3A : memref<!tpu.dma_semaphore, #tpu.memory_space<semaphore_mem>>) src(%dma_wait3A_17 : memref<672x128xf32, #tpu.memory_space<vmem_shared>>) dst(%dma_wait3A_15 : memref<672x128xf32, #tpu.memory_space<hbm>>)
      tpu.yield
    }) : () -> ()
    return
  }
}

#map = affine_map<(d0, d1) -> (0, 0)>
#map1 = affine_map<(d0, d1) -> (0, 0, 0)>
module attributes {stable_mosaic.version = 14 : i64} {
  func.func @prop(%arg0: i32, %arg1: i32, %arg2: memref<10752x64xf32, #tpu.memory_space<hbm>>, %arg3: memref<2x5000x64xi32, #tpu.memory_space<hbm>>, %arg4: memref<120x64xi32, #tpu.memory_space<hbm>>, %arg5: memref<10752x64xf32, #tpu.memory_space<hbm>>, %arg6: memref<2x10752x128xf32, #tpu.memory_space<hbm>>, %arg7: memref<10752x64xf32, #tpu.memory_space<vmem_shared>>, %arg8: memref<40x64xi32, #tpu.memory_space<vmem>>, %arg9: memref<40x64xi32, #tpu.memory_space<vmem>>, %arg10: memref<64x64xf32, #tpu.memory_space<vmem>>, %arg11: memref<64x64xf32, #tpu.memory_space<vmem>>, %arg12: memref<64x64xf32, #tpu.memory_space<vmem>>, %arg13: memref<64x64xf32, #tpu.memory_space<vmem>>, %arg14: memref<!tpu.dma_semaphore, #tpu.memory_space<semaphore_mem>>, %arg15: memref<!tpu.dma_semaphore, #tpu.memory_space<semaphore_mem>>, %arg16: memref<!tpu.dma_semaphore, #tpu.memory_space<semaphore_mem>>, %arg17: memref<!tpu.dma_semaphore, #tpu.memory_space<semaphore_mem>>, %arg18: memref<!tpu.dma_semaphore, #tpu.memory_space<semaphore_mem>>, %arg19: memref<!tpu.dma_semaphore, #tpu.memory_space<semaphore_mem>>, %arg20: memref<!tpu.dma_semaphore, #tpu.memory_space<semaphore_mem>>, %arg21: memref<!tpu.dma_semaphore, #tpu.memory_space<semaphore_mem>>) attributes {dimension_semantics = [#tpu.dimension_semantics<core_parallel>, #tpu.dimension_semantics<subcore_parallel>], iteration_bounds = array<i64: 2, 16>, scalar_prefetch = 0 : i64, scratch_operands = 15 : i64, tpu.core_type = #tpu.core_type<sc_vector_subcore>, window_params = [{transform_indices = #map}, {transform_indices = #map1}, {transform_indices = #map}, {transform_indices = #map}, {transform_indices = #map1}]} {
    %mul3A = arith.constant 672 : i32
    %mul3A_0 = arith.muli %arg1, %mul3A : i32
    %mul3A_1 = arith.constant 2560 : i32
    %mul3A_2 = arith.muli %arg0, %mul3A_1 : i32
    %mul3A_3 = arith.constant 160 : i32
    %mul3A_4 = arith.muli %arg1, %mul3A_3 : i32
    %add3A = arith.addi %mul3A_2, %mul3A_4 : i32
    "tpu.region"() ({
      %run_scoped3A = tpu.sem_alloc : memref<!tpu.dma_semaphore, #tpu.memory_space<semaphore_mem>>
      %dma_start3A = arith.constant 0 : i32
      %dma_start3A_10 = tpu.memref_slice %arg7[%mul3A_0, %dma_start3A] : memref<10752x64xf32, #tpu.memory_space<vmem_shared>> -> memref<672x64xf32, #tpu.memory_space<vmem_shared>>
      %dma_start3A_11 = arith.constant 0 : i32
      %dma_start3A_12 = tpu.memref_slice %arg5[%mul3A_0, %dma_start3A_11] : memref<10752x64xf32, #tpu.memory_space<hbm>> -> memref<672x64xf32, #tpu.memory_space<hbm>>
      tpu.enqueue_dma source(%dma_start3A_12 : memref<672x64xf32, #tpu.memory_space<hbm>>) target(%dma_start3A_10 : memref<672x64xf32, #tpu.memory_space<vmem_shared>>) target_semaphore(%run_scoped3A : memref<!tpu.dma_semaphore, #tpu.memory_space<semaphore_mem>>)
      %dma_wait3A = arith.constant 0 : i32
      %dma_wait3A_13 = tpu.memref_slice %arg7[%mul3A_0, %dma_wait3A] : memref<10752x64xf32, #tpu.memory_space<vmem_shared>> -> memref<672x64xf32, #tpu.memory_space<vmem_shared>>
      %dma_wait3A_14 = arith.constant 0 : i32
      %dma_wait3A_15 = tpu.memref_slice %arg5[%mul3A_0, %dma_wait3A_14] : memref<10752x64xf32, #tpu.memory_space<hbm>> -> memref<672x64xf32, #tpu.memory_space<hbm>>
      tpu.wait_dma2 semaphore(%run_scoped3A : memref<!tpu.dma_semaphore, #tpu.memory_space<semaphore_mem>>) src(%dma_wait3A_15 : memref<672x64xf32, #tpu.memory_space<hbm>>) dst(%dma_wait3A_13 : memref<672x64xf32, #tpu.memory_space<vmem_shared>>)
      tpu.yield
    }) : () -> ()
    %barrier3A = arith.constant 0 : index
    tpu.barrier barrier_id(%barrier3A)
    %scan3A = arith.constant 0 : i32
    %scan3A_5 = arith.constant 4 : i32
    %scan3A_6 = arith.addi %scan3A, %scan3A_5 : i32
    %scan3A_7 = arith.constant 1 : i32
    scf.for %scan3A_10 = %scan3A to %scan3A_6 step %scan3A_7  : i32 {
      %mul3A_11 = arith.constant 1 : i32
      %mul3A_12 = arith.muli %scan3A_10, %mul3A_11 : i32
      %add3A_13 = arith.constant 0 : i32
      %add3A_14 = arith.addi %add3A_13, %mul3A_12 : i32
      %mul3A_15 = arith.constant 40 : i32
      %mul3A_16 = arith.muli %add3A_14, %mul3A_15 : i32
      %add3A_17 = arith.addi %add3A, %mul3A_16 : i32
      %lt3A = arith.constant 5000 : i32
      %lt3A_18 = arith.cmpi slt, %add3A_17, %lt3A : i32
      %convert_element_type3A = arith.extui %lt3A_18 : i1 to i32
      %cond3A = arith.constant 0 : i32
      %cond3A_19 = arith.cmpi ne, %convert_element_type3A, %cond3A : i32
      scf.if %cond3A_19 {
        %run_scoped3A_86 = arith.constant 1 : i32
        "tpu.region"() ({
          %run_scoped3A_88 = tpu.sem_alloc : memref<!tpu.dma_semaphore, #tpu.memory_space<semaphore_mem>>
          %dma_start3A_89 = arith.constant 0 : i32
          %dma_start3A_90 = tpu.memref_slice %arg3[%run_scoped3A_86, %add3A_17, %dma_start3A_89] : memref<2x5000x64xi32, #tpu.memory_space<hbm>> -> memref<1x40x64xi32, #tpu.memory_space<hbm>>
          %dma_start3A_91 = tpu.memref_squeeze %dma_start3A_90 : memref<1x40x64xi32, #tpu.memory_space<hbm>> -> memref<40x64xi32, #tpu.memory_space<hbm>>
          %dma_start3A_92 = arith.constant 0 : i32
          %dma_start3A_93 = tpu.memref_slice %arg3[%run_scoped3A_86, %add3A_17, %dma_start3A_92] : memref<2x5000x64xi32, #tpu.memory_space<hbm>> -> memref<1x40x64xi32, #tpu.memory_space<hbm>>
          %dma_start3A_94 = tpu.memref_squeeze %dma_start3A_93 : memref<1x40x64xi32, #tpu.memory_space<hbm>> -> memref<40x64xi32, #tpu.memory_space<hbm>>
          tpu.enqueue_dma source(%dma_start3A_94 : memref<40x64xi32, #tpu.memory_space<hbm>>) target(%arg9 : memref<40x64xi32, #tpu.memory_space<vmem>>) target_semaphore(%run_scoped3A_88 : memref<!tpu.dma_semaphore, #tpu.memory_space<semaphore_mem>>)
          %dma_wait3A_95 = arith.constant 0 : i32
          %dma_wait3A_96 = tpu.memref_slice %arg3[%run_scoped3A_86, %add3A_17, %dma_wait3A_95] : memref<2x5000x64xi32, #tpu.memory_space<hbm>> -> memref<1x40x64xi32, #tpu.memory_space<hbm>>
          %dma_wait3A_97 = tpu.memref_squeeze %dma_wait3A_96 : memref<1x40x64xi32, #tpu.memory_space<hbm>> -> memref<40x64xi32, #tpu.memory_space<hbm>>
          %dma_wait3A_98 = arith.constant 0 : i32
          %dma_wait3A_99 = tpu.memref_slice %arg3[%run_scoped3A_86, %add3A_17, %dma_wait3A_98] : memref<2x5000x64xi32, #tpu.memory_space<hbm>> -> memref<1x40x64xi32, #tpu.memory_space<hbm>>
          %dma_wait3A_100 = tpu.memref_squeeze %dma_wait3A_99 : memref<1x40x64xi32, #tpu.memory_space<hbm>> -> memref<40x64xi32, #tpu.memory_space<hbm>>
          tpu.wait_dma2 semaphore(%run_scoped3A_88 : memref<!tpu.dma_semaphore, #tpu.memory_space<semaphore_mem>>) src(%dma_wait3A_100 : memref<40x64xi32, #tpu.memory_space<hbm>>) dst(%arg9 : memref<40x64xi32, #tpu.memory_space<vmem>>)
          tpu.yield
        }) : () -> ()
        %run_scoped3A_87 = arith.constant 0 : i32
        "tpu.region"() ({
          %run_scoped3A_88 = tpu.sem_alloc : memref<!tpu.dma_semaphore, #tpu.memory_space<semaphore_mem>>
          %dma_start3A_89 = arith.constant 0 : i32
          %dma_start3A_90 = tpu.memref_slice %arg3[%run_scoped3A_87, %add3A_17, %dma_start3A_89] : memref<2x5000x64xi32, #tpu.memory_space<hbm>> -> memref<1x40x64xi32, #tpu.memory_space<hbm>>
          %dma_start3A_91 = tpu.memref_squeeze %dma_start3A_90 : memref<1x40x64xi32, #tpu.memory_space<hbm>> -> memref<40x64xi32, #tpu.memory_space<hbm>>
          %dma_start3A_92 = arith.constant 0 : i32
          %dma_start3A_93 = tpu.memref_slice %arg3[%run_scoped3A_87, %add3A_17, %dma_start3A_92] : memref<2x5000x64xi32, #tpu.memory_space<hbm>> -> memref<1x40x64xi32, #tpu.memory_space<hbm>>
          %dma_start3A_94 = tpu.memref_squeeze %dma_start3A_93 : memref<1x40x64xi32, #tpu.memory_space<hbm>> -> memref<40x64xi32, #tpu.memory_space<hbm>>
          tpu.enqueue_dma source(%dma_start3A_94 : memref<40x64xi32, #tpu.memory_space<hbm>>) target(%arg8 : memref<40x64xi32, #tpu.memory_space<vmem>>) target_semaphore(%run_scoped3A_88 : memref<!tpu.dma_semaphore, #tpu.memory_space<semaphore_mem>>)
          %dma_wait3A_95 = arith.constant 0 : i32
          %dma_wait3A_96 = tpu.memref_slice %arg3[%run_scoped3A_87, %add3A_17, %dma_wait3A_95] : memref<2x5000x64xi32, #tpu.memory_space<hbm>> -> memref<1x40x64xi32, #tpu.memory_space<hbm>>
          %dma_wait3A_97 = tpu.memref_squeeze %dma_wait3A_96 : memref<1x40x64xi32, #tpu.memory_space<hbm>> -> memref<40x64xi32, #tpu.memory_space<hbm>>
          %dma_wait3A_98 = arith.constant 0 : i32
          %dma_wait3A_99 = tpu.memref_slice %arg3[%run_scoped3A_87, %add3A_17, %dma_wait3A_98] : memref<2x5000x64xi32, #tpu.memory_space<hbm>> -> memref<1x40x64xi32, #tpu.memory_space<hbm>>
          %dma_wait3A_100 = tpu.memref_squeeze %dma_wait3A_99 : memref<1x40x64xi32, #tpu.memory_space<hbm>> -> memref<40x64xi32, #tpu.memory_space<hbm>>
          tpu.wait_dma2 semaphore(%run_scoped3A_88 : memref<!tpu.dma_semaphore, #tpu.memory_space<semaphore_mem>>) src(%dma_wait3A_100 : memref<40x64xi32, #tpu.memory_space<hbm>>) dst(%arg8 : memref<40x64xi32, #tpu.memory_space<vmem>>)
          tpu.yield
        }) : () -> ()
      } else {
      }
      %ge3A = arith.constant 5000 : i32
      %ge3A_20 = arith.cmpi sge, %add3A_17, %ge3A : i32
      %convert_element_type3A_21 = arith.extui %ge3A_20 : i1 to i32
      %cond3A_22 = arith.constant 0 : i32
      %cond3A_23 = arith.cmpi ne, %convert_element_type3A_21, %cond3A_22 : i32
      scf.if %cond3A_23 {
        %sub3A = arith.constant 5000 : i32
        %sub3A_86 = arith.subi %add3A_17, %sub3A : i32
        "tpu.region"() ({
          %run_scoped3A_89 = tpu.sem_alloc : memref<!tpu.dma_semaphore, #tpu.memory_space<semaphore_mem>>
          %dma_start3A_90 = arith.constant 0 : i32
          %dma_start3A_91 = tpu.memref_slice %arg4[%sub3A_86, %dma_start3A_90] : memref<120x64xi32, #tpu.memory_space<hbm>> -> memref<40x64xi32, #tpu.memory_space<hbm>>
          %dma_start3A_92 = arith.constant 0 : i32
          %dma_start3A_93 = tpu.memref_slice %arg4[%sub3A_86, %dma_start3A_92] : memref<120x64xi32, #tpu.memory_space<hbm>> -> memref<40x64xi32, #tpu.memory_space<hbm>>
          tpu.enqueue_dma source(%dma_start3A_93 : memref<40x64xi32, #tpu.memory_space<hbm>>) target(%arg9 : memref<40x64xi32, #tpu.memory_space<vmem>>) target_semaphore(%run_scoped3A_89 : memref<!tpu.dma_semaphore, #tpu.memory_space<semaphore_mem>>)
          %dma_wait3A_94 = arith.constant 0 : i32
          %dma_wait3A_95 = tpu.memref_slice %arg4[%sub3A_86, %dma_wait3A_94] : memref<120x64xi32, #tpu.memory_space<hbm>> -> memref<40x64xi32, #tpu.memory_space<hbm>>
          %dma_wait3A_96 = arith.constant 0 : i32
          %dma_wait3A_97 = tpu.memref_slice %arg4[%sub3A_86, %dma_wait3A_96] : memref<120x64xi32, #tpu.memory_space<hbm>> -> memref<40x64xi32, #tpu.memory_space<hbm>>
          tpu.wait_dma2 semaphore(%run_scoped3A_89 : memref<!tpu.dma_semaphore, #tpu.memory_space<semaphore_mem>>) src(%dma_wait3A_97 : memref<40x64xi32, #tpu.memory_space<hbm>>) dst(%arg9 : memref<40x64xi32, #tpu.memory_space<vmem>>)
          tpu.yield
        }) : () -> ()
        %sub3A_87 = arith.constant 5000 : i32
        %sub3A_88 = arith.subi %add3A_17, %sub3A_87 : i32
        "tpu.region"() ({
          %run_scoped3A_89 = tpu.sem_alloc : memref<!tpu.dma_semaphore, #tpu.memory_space<semaphore_mem>>
          %dma_start3A_90 = arith.constant 0 : i32
          %dma_start3A_91 = tpu.memref_slice %arg4[%sub3A_88, %dma_start3A_90] : memref<120x64xi32, #tpu.memory_space<hbm>> -> memref<40x64xi32, #tpu.memory_space<hbm>>
          %dma_start3A_92 = arith.constant 0 : i32
          %dma_start3A_93 = tpu.memref_slice %arg4[%sub3A_88, %dma_start3A_92] : memref<120x64xi32, #tpu.memory_space<hbm>> -> memref<40x64xi32, #tpu.memory_space<hbm>>
          tpu.enqueue_dma source(%dma_start3A_93 : memref<40x64xi32, #tpu.memory_space<hbm>>) target(%arg8 : memref<40x64xi32, #tpu.memory_space<vmem>>) target_semaphore(%run_scoped3A_89 : memref<!tpu.dma_semaphore, #tpu.memory_space<semaphore_mem>>)
          %dma_wait3A_94 = arith.constant 0 : i32
          %dma_wait3A_95 = tpu.memref_slice %arg4[%sub3A_88, %dma_wait3A_94] : memref<120x64xi32, #tpu.memory_space<hbm>> -> memref<40x64xi32, #tpu.memory_space<hbm>>
          %dma_wait3A_96 = arith.constant 0 : i32
          %dma_wait3A_97 = tpu.memref_slice %arg4[%sub3A_88, %dma_wait3A_96] : memref<120x64xi32, #tpu.memory_space<hbm>> -> memref<40x64xi32, #tpu.memory_space<hbm>>
          tpu.wait_dma2 semaphore(%run_scoped3A_89 : memref<!tpu.dma_semaphore, #tpu.memory_space<semaphore_mem>>) src(%dma_wait3A_97 : memref<40x64xi32, #tpu.memory_space<hbm>>) dst(%arg8 : memref<40x64xi32, #tpu.memory_space<vmem>>)
          tpu.yield
        }) : () -> ()
      } else {
      }
      %dma_start3A = arith.constant 0 : i32
      %dma_start3A_24 = arith.constant 0 : i32
      %dma_start3A_25 = tpu.memref_slice %arg8[%dma_start3A, %dma_start3A_24] : memref<40x64xi32, #tpu.memory_space<vmem>> -> memref<1x64xi32, #tpu.memory_space<vmem>>
      %dma_start3A_26 = tpu.memref_squeeze %dma_start3A_25 : memref<1x64xi32, #tpu.memory_space<vmem>> -> memref<64xi32, #tpu.memory_space<vmem>>
      %dma_start3A_27 = arith.constant 0 : i32
      %dma_start3A_28 = arith.constant 0 : i32
      %dma_start3A_29 = tpu.memref_slice %arg2[%dma_start3A_27, %dma_start3A_28] : memref<10752x64xf32, #tpu.memory_space<hbm>> -> memref<10752x64xf32, #tpu.memory_space<hbm>>
      tpu.enqueue_indirect_dma source(%dma_start3A_29 : memref<10752x64xf32, #tpu.memory_space<hbm>>) target(%arg10 : memref<64x64xf32, #tpu.memory_space<vmem>>) offsets(%dma_start3A_26 : memref<64xi32, #tpu.memory_space<vmem>>) semaphore(%arg14 : memref<!tpu.dma_semaphore, #tpu.memory_space<semaphore_mem>>)
      %dma_start3A_30 = arith.constant 1 : i32
      %dma_start3A_31 = arith.constant 0 : i32
      %dma_start3A_32 = tpu.memref_slice %arg8[%dma_start3A_30, %dma_start3A_31] : memref<40x64xi32, #tpu.memory_space<vmem>> -> memref<1x64xi32, #tpu.memory_space<vmem>>
      %dma_start3A_33 = tpu.memref_squeeze %dma_start3A_32 : memref<1x64xi32, #tpu.memory_space<vmem>> -> memref<64xi32, #tpu.memory_space<vmem>>
      %dma_start3A_34 = arith.constant 0 : i32
      %dma_start3A_35 = arith.constant 0 : i32
      %dma_start3A_36 = tpu.memref_slice %arg2[%dma_start3A_34, %dma_start3A_35] : memref<10752x64xf32, #tpu.memory_space<hbm>> -> memref<10752x64xf32, #tpu.memory_space<hbm>>
      tpu.enqueue_indirect_dma source(%dma_start3A_36 : memref<10752x64xf32, #tpu.memory_space<hbm>>) target(%arg11 : memref<64x64xf32, #tpu.memory_space<vmem>>) offsets(%dma_start3A_33 : memref<64xi32, #tpu.memory_space<vmem>>) semaphore(%arg15 : memref<!tpu.dma_semaphore, #tpu.memory_space<semaphore_mem>>)
      %dma_start3A_37 = arith.constant 2 : i32
      %dma_start3A_38 = arith.constant 0 : i32
      %dma_start3A_39 = tpu.memref_slice %arg8[%dma_start3A_37, %dma_start3A_38] : memref<40x64xi32, #tpu.memory_space<vmem>> -> memref<1x64xi32, #tpu.memory_space<vmem>>
      %dma_start3A_40 = tpu.memref_squeeze %dma_start3A_39 : memref<1x64xi32, #tpu.memory_space<vmem>> -> memref<64xi32, #tpu.memory_space<vmem>>
      %dma_start3A_41 = arith.constant 0 : i32
      %dma_start3A_42 = arith.constant 0 : i32
      %dma_start3A_43 = tpu.memref_slice %arg2[%dma_start3A_41, %dma_start3A_42] : memref<10752x64xf32, #tpu.memory_space<hbm>> -> memref<10752x64xf32, #tpu.memory_space<hbm>>
      tpu.enqueue_indirect_dma source(%dma_start3A_43 : memref<10752x64xf32, #tpu.memory_space<hbm>>) target(%arg12 : memref<64x64xf32, #tpu.memory_space<vmem>>) offsets(%dma_start3A_40 : memref<64xi32, #tpu.memory_space<vmem>>) semaphore(%arg16 : memref<!tpu.dma_semaphore, #tpu.memory_space<semaphore_mem>>)
      %dma_start3A_44 = arith.constant 3 : i32
      %dma_start3A_45 = arith.constant 0 : i32
      %dma_start3A_46 = tpu.memref_slice %arg8[%dma_start3A_44, %dma_start3A_45] : memref<40x64xi32, #tpu.memory_space<vmem>> -> memref<1x64xi32, #tpu.memory_space<vmem>>
      %dma_start3A_47 = tpu.memref_squeeze %dma_start3A_46 : memref<1x64xi32, #tpu.memory_space<vmem>> -> memref<64xi32, #tpu.memory_space<vmem>>
      %dma_start3A_48 = arith.constant 0 : i32
      %dma_start3A_49 = arith.constant 0 : i32
      %dma_start3A_50 = tpu.memref_slice %arg2[%dma_start3A_48, %dma_start3A_49] : memref<10752x64xf32, #tpu.memory_space<hbm>> -> memref<10752x64xf32, #tpu.memory_space<hbm>>
      tpu.enqueue_indirect_dma source(%dma_start3A_50 : memref<10752x64xf32, #tpu.memory_space<hbm>>) target(%arg13 : memref<64x64xf32, #tpu.memory_space<vmem>>) offsets(%dma_start3A_47 : memref<64xi32, #tpu.memory_space<vmem>>) semaphore(%arg17 : memref<!tpu.dma_semaphore, #tpu.memory_space<semaphore_mem>>)
      %scan3A_51 = arith.constant 0 : i32
      %scan3A_52 = arith.constant 9 : i32
      %scan3A_53 = arith.addi %scan3A_51, %scan3A_52 : i32
      %scan3A_54 = arith.constant 1 : i32
      scf.for %scan3A_86 = %scan3A_51 to %scan3A_53 step %scan3A_54  : i32 {
        %mul3A_87 = arith.constant 4 : i32
        %mul3A_88 = arith.muli %scan3A_86, %mul3A_87 : i32
        %add3A_89 = arith.constant 0 : i32
        %add3A_90 = arith.addi %add3A_89, %mul3A_88 : i32
        %add3A_91 = arith.constant 0 : i32
        %add3A_92 = arith.addi %add3A_90, %add3A_91 : i32
        %dma_wait3A_93 = arith.constant 0 : i32
        %dma_wait3A_94 = tpu.memref_slice %arg8[%add3A_92, %dma_wait3A_93] : memref<40x64xi32, #tpu.memory_space<vmem>> -> memref<1x64xi32, #tpu.memory_space<vmem>>
        %dma_wait3A_95 = tpu.memref_squeeze %dma_wait3A_94 : memref<1x64xi32, #tpu.memory_space<vmem>> -> memref<64xi32, #tpu.memory_space<vmem>>
        %dma_wait3A_96 = arith.constant 0 : i32
        %dma_wait3A_97 = arith.constant 0 : i32
        %dma_wait3A_98 = tpu.memref_slice %arg2[%dma_wait3A_96, %dma_wait3A_97] : memref<10752x64xf32, #tpu.memory_space<hbm>> -> memref<10752x64xf32, #tpu.memory_space<hbm>>
        tpu.wait_indirect_dma semaphore(%arg14 : memref<!tpu.dma_semaphore, #tpu.memory_space<semaphore_mem>>) src(%dma_wait3A_98 : memref<10752x64xf32, #tpu.memory_space<hbm>>) dst(%arg10 : memref<64x64xf32, #tpu.memory_space<vmem>>)
        %add3A_99 = arith.constant 0 : i32
        %add3A_100 = arith.addi %add3A_90, %add3A_99 : i32
        %dma_start3A_101 = arith.constant 0 : i32
        %dma_start3A_102 = tpu.memref_slice %arg9[%add3A_100, %dma_start3A_101] : memref<40x64xi32, #tpu.memory_space<vmem>> -> memref<1x64xi32, #tpu.memory_space<vmem>>
        %dma_start3A_103 = tpu.memref_squeeze %dma_start3A_102 : memref<1x64xi32, #tpu.memory_space<vmem>> -> memref<64xi32, #tpu.memory_space<vmem>>
        %dma_start3A_104 = arith.constant 0 : i32
        %dma_start3A_105 = arith.constant 0 : i32
        %dma_start3A_106 = tpu.memref_slice %arg7[%dma_start3A_104, %dma_start3A_105] : memref<10752x64xf32, #tpu.memory_space<vmem_shared>> -> memref<10752x64xf32, #tpu.memory_space<vmem_shared>>
        tpu.enqueue_indirect_dma source(%arg10 : memref<64x64xf32, #tpu.memory_space<vmem>>) target(%dma_start3A_106 : memref<10752x64xf32, #tpu.memory_space<vmem_shared>>) offsets(%dma_start3A_103 : memref<64xi32, #tpu.memory_space<vmem>>) semaphore(%arg18 : memref<!tpu.dma_semaphore, #tpu.memory_space<semaphore_mem>>) {add = true}
        %add3A_107 = arith.constant 1 : i32
        %add3A_108 = arith.addi %add3A_90, %add3A_107 : i32
        %dma_wait3A_109 = arith.constant 0 : i32
        %dma_wait3A_110 = tpu.memref_slice %arg8[%add3A_108, %dma_wait3A_109] : memref<40x64xi32, #tpu.memory_space<vmem>> -> memref<1x64xi32, #tpu.memory_space<vmem>>
        %dma_wait3A_111 = tpu.memref_squeeze %dma_wait3A_110 : memref<1x64xi32, #tpu.memory_space<vmem>> -> memref<64xi32, #tpu.memory_space<vmem>>
        %dma_wait3A_112 = arith.constant 0 : i32
        %dma_wait3A_113 = arith.constant 0 : i32
        %dma_wait3A_114 = tpu.memref_slice %arg2[%dma_wait3A_112, %dma_wait3A_113] : memref<10752x64xf32, #tpu.memory_space<hbm>> -> memref<10752x64xf32, #tpu.memory_space<hbm>>
        tpu.wait_indirect_dma semaphore(%arg15 : memref<!tpu.dma_semaphore, #tpu.memory_space<semaphore_mem>>) src(%dma_wait3A_114 : memref<10752x64xf32, #tpu.memory_space<hbm>>) dst(%arg11 : memref<64x64xf32, #tpu.memory_space<vmem>>)
        %add3A_115 = arith.constant 1 : i32
        %add3A_116 = arith.addi %add3A_90, %add3A_115 : i32
        %dma_start3A_117 = arith.constant 0 : i32
        %dma_start3A_118 = tpu.memref_slice %arg9[%add3A_116, %dma_start3A_117] : memref<40x64xi32, #tpu.memory_space<vmem>> -> memref<1x64xi32, #tpu.memory_space<vmem>>
        %dma_start3A_119 = tpu.memref_squeeze %dma_start3A_118 : memref<1x64xi32, #tpu.memory_space<vmem>> -> memref<64xi32, #tpu.memory_space<vmem>>
        %dma_start3A_120 = arith.constant 0 : i32
        %dma_start3A_121 = arith.constant 0 : i32
        %dma_start3A_122 = tpu.memref_slice %arg7[%dma_start3A_120, %dma_start3A_121] : memref<10752x64xf32, #tpu.memory_space<vmem_shared>> -> memref<10752x64xf32, #tpu.memory_space<vmem_shared>>
        tpu.enqueue_indirect_dma source(%arg11 : memref<64x64xf32, #tpu.memory_space<vmem>>) target(%dma_start3A_122 : memref<10752x64xf32, #tpu.memory_space<vmem_shared>>) offsets(%dma_start3A_119 : memref<64xi32, #tpu.memory_space<vmem>>) semaphore(%arg19 : memref<!tpu.dma_semaphore, #tpu.memory_space<semaphore_mem>>) {add = true}
        %add3A_123 = arith.constant 2 : i32
        %add3A_124 = arith.addi %add3A_90, %add3A_123 : i32
        %dma_wait3A_125 = arith.constant 0 : i32
        %dma_wait3A_126 = tpu.memref_slice %arg8[%add3A_124, %dma_wait3A_125] : memref<40x64xi32, #tpu.memory_space<vmem>> -> memref<1x64xi32, #tpu.memory_space<vmem>>
        %dma_wait3A_127 = tpu.memref_squeeze %dma_wait3A_126 : memref<1x64xi32, #tpu.memory_space<vmem>> -> memref<64xi32, #tpu.memory_space<vmem>>
        %dma_wait3A_128 = arith.constant 0 : i32
        %dma_wait3A_129 = arith.constant 0 : i32
        %dma_wait3A_130 = tpu.memref_slice %arg2[%dma_wait3A_128, %dma_wait3A_129] : memref<10752x64xf32, #tpu.memory_space<hbm>> -> memref<10752x64xf32, #tpu.memory_space<hbm>>
        tpu.wait_indirect_dma semaphore(%arg16 : memref<!tpu.dma_semaphore, #tpu.memory_space<semaphore_mem>>) src(%dma_wait3A_130 : memref<10752x64xf32, #tpu.memory_space<hbm>>) dst(%arg12 : memref<64x64xf32, #tpu.memory_space<vmem>>)
        %add3A_131 = arith.constant 2 : i32
        %add3A_132 = arith.addi %add3A_90, %add3A_131 : i32
        %dma_start3A_133 = arith.constant 0 : i32
        %dma_start3A_134 = tpu.memref_slice %arg9[%add3A_132, %dma_start3A_133] : memref<40x64xi32, #tpu.memory_space<vmem>> -> memref<1x64xi32, #tpu.memory_space<vmem>>
        %dma_start3A_135 = tpu.memref_squeeze %dma_start3A_134 : memref<1x64xi32, #tpu.memory_space<vmem>> -> memref<64xi32, #tpu.memory_space<vmem>>
        %dma_start3A_136 = arith.constant 0 : i32
        %dma_start3A_137 = arith.constant 0 : i32
        %dma_start3A_138 = tpu.memref_slice %arg7[%dma_start3A_136, %dma_start3A_137] : memref<10752x64xf32, #tpu.memory_space<vmem_shared>> -> memref<10752x64xf32, #tpu.memory_space<vmem_shared>>
        tpu.enqueue_indirect_dma source(%arg12 : memref<64x64xf32, #tpu.memory_space<vmem>>) target(%dma_start3A_138 : memref<10752x64xf32, #tpu.memory_space<vmem_shared>>) offsets(%dma_start3A_135 : memref<64xi32, #tpu.memory_space<vmem>>) semaphore(%arg20 : memref<!tpu.dma_semaphore, #tpu.memory_space<semaphore_mem>>) {add = true}
        %add3A_139 = arith.constant 3 : i32
        %add3A_140 = arith.addi %add3A_90, %add3A_139 : i32
        %dma_wait3A_141 = arith.constant 0 : i32
        %dma_wait3A_142 = tpu.memref_slice %arg8[%add3A_140, %dma_wait3A_141] : memref<40x64xi32, #tpu.memory_space<vmem>> -> memref<1x64xi32, #tpu.memory_space<vmem>>
        %dma_wait3A_143 = tpu.memref_squeeze %dma_wait3A_142 : memref<1x64xi32, #tpu.memory_space<vmem>> -> memref<64xi32, #tpu.memory_space<vmem>>
        %dma_wait3A_144 = arith.constant 0 : i32
        %dma_wait3A_145 = arith.constant 0 : i32
        %dma_wait3A_146 = tpu.memref_slice %arg2[%dma_wait3A_144, %dma_wait3A_145] : memref<10752x64xf32, #tpu.memory_space<hbm>> -> memref<10752x64xf32, #tpu.memory_space<hbm>>
        tpu.wait_indirect_dma semaphore(%arg17 : memref<!tpu.dma_semaphore, #tpu.memory_space<semaphore_mem>>) src(%dma_wait3A_146 : memref<10752x64xf32, #tpu.memory_space<hbm>>) dst(%arg13 : memref<64x64xf32, #tpu.memory_space<vmem>>)
        %add3A_147 = arith.constant 3 : i32
        %add3A_148 = arith.addi %add3A_90, %add3A_147 : i32
        %dma_start3A_149 = arith.constant 0 : i32
        %dma_start3A_150 = tpu.memref_slice %arg9[%add3A_148, %dma_start3A_149] : memref<40x64xi32, #tpu.memory_space<vmem>> -> memref<1x64xi32, #tpu.memory_space<vmem>>
        %dma_start3A_151 = tpu.memref_squeeze %dma_start3A_150 : memref<1x64xi32, #tpu.memory_space<vmem>> -> memref<64xi32, #tpu.memory_space<vmem>>
        %dma_start3A_152 = arith.constant 0 : i32
        %dma_start3A_153 = arith.constant 0 : i32
        %dma_start3A_154 = tpu.memref_slice %arg7[%dma_start3A_152, %dma_start3A_153] : memref<10752x64xf32, #tpu.memory_space<vmem_shared>> -> memref<10752x64xf32, #tpu.memory_space<vmem_shared>>
        tpu.enqueue_indirect_dma source(%arg13 : memref<64x64xf32, #tpu.memory_space<vmem>>) target(%dma_start3A_154 : memref<10752x64xf32, #tpu.memory_space<vmem_shared>>) offsets(%dma_start3A_151 : memref<64xi32, #tpu.memory_space<vmem>>) semaphore(%arg21 : memref<!tpu.dma_semaphore, #tpu.memory_space<semaphore_mem>>) {add = true}
        %add3A_155 = arith.constant 0 : i32
        %add3A_156 = arith.addi %add3A_90, %add3A_155 : i32
        %dma_wait3A_157 = arith.constant 0 : i32
        %dma_wait3A_158 = tpu.memref_slice %arg9[%add3A_156, %dma_wait3A_157] : memref<40x64xi32, #tpu.memory_space<vmem>> -> memref<1x64xi32, #tpu.memory_space<vmem>>
        %dma_wait3A_159 = tpu.memref_squeeze %dma_wait3A_158 : memref<1x64xi32, #tpu.memory_space<vmem>> -> memref<64xi32, #tpu.memory_space<vmem>>
        %dma_wait3A_160 = arith.constant 0 : i32
        %dma_wait3A_161 = arith.constant 0 : i32
        %dma_wait3A_162 = tpu.memref_slice %arg7[%dma_wait3A_160, %dma_wait3A_161] : memref<10752x64xf32, #tpu.memory_space<vmem_shared>> -> memref<10752x64xf32, #tpu.memory_space<vmem_shared>>
        tpu.wait_indirect_dma semaphore(%arg18 : memref<!tpu.dma_semaphore, #tpu.memory_space<semaphore_mem>>) src(%arg10 : memref<64x64xf32, #tpu.memory_space<vmem>>) dst(%dma_wait3A_162 : memref<10752x64xf32, #tpu.memory_space<vmem_shared>>)
        %add3A_163 = arith.constant 4 : i32
        %add3A_164 = arith.addi %add3A_90, %add3A_163 : i32
        %add3A_165 = arith.constant 0 : i32
        %add3A_166 = arith.addi %add3A_164, %add3A_165 : i32
        %dma_start3A_167 = arith.constant 0 : i32
        %dma_start3A_168 = tpu.memref_slice %arg8[%add3A_166, %dma_start3A_167] : memref<40x64xi32, #tpu.memory_space<vmem>> -> memref<1x64xi32, #tpu.memory_space<vmem>>
        %dma_start3A_169 = tpu.memref_squeeze %dma_start3A_168 : memref<1x64xi32, #tpu.memory_space<vmem>> -> memref<64xi32, #tpu.memory_space<vmem>>
        %dma_start3A_170 = arith.constant 0 : i32
        %dma_start3A_171 = arith.constant 0 : i32
        %dma_start3A_172 = tpu.memref_slice %arg2[%dma_start3A_170, %dma_start3A_171] : memref<10752x64xf32, #tpu.memory_space<hbm>> -> memref<10752x64xf32, #tpu.memory_space<hbm>>
        tpu.enqueue_indirect_dma source(%dma_start3A_172 : memref<10752x64xf32, #tpu.memory_space<hbm>>) target(%arg10 : memref<64x64xf32, #tpu.memory_space<vmem>>) offsets(%dma_start3A_169 : memref<64xi32, #tpu.memory_space<vmem>>) semaphore(%arg14 : memref<!tpu.dma_semaphore, #tpu.memory_space<semaphore_mem>>)
        %add3A_173 = arith.constant 1 : i32
        %add3A_174 = arith.addi %add3A_90, %add3A_173 : i32
        %dma_wait3A_175 = arith.constant 0 : i32
        %dma_wait3A_176 = tpu.memref_slice %arg9[%add3A_174, %dma_wait3A_175] : memref<40x64xi32, #tpu.memory_space<vmem>> -> memref<1x64xi32, #tpu.memory_space<vmem>>
        %dma_wait3A_177 = tpu.memref_squeeze %dma_wait3A_176 : memref<1x64xi32, #tpu.memory_space<vmem>> -> memref<64xi32, #tpu.memory_space<vmem>>
        %dma_wait3A_178 = arith.constant 0 : i32
        %dma_wait3A_179 = arith.constant 0 : i32
        %dma_wait3A_180 = tpu.memref_slice %arg7[%dma_wait3A_178, %dma_wait3A_179] : memref<10752x64xf32, #tpu.memory_space<vmem_shared>> -> memref<10752x64xf32, #tpu.memory_space<vmem_shared>>
        tpu.wait_indirect_dma semaphore(%arg19 : memref<!tpu.dma_semaphore, #tpu.memory_space<semaphore_mem>>) src(%arg11 : memref<64x64xf32, #tpu.memory_space<vmem>>) dst(%dma_wait3A_180 : memref<10752x64xf32, #tpu.memory_space<vmem_shared>>)
        %add3A_181 = arith.constant 4 : i32
        %add3A_182 = arith.addi %add3A_90, %add3A_181 : i32
        %add3A_183 = arith.constant 1 : i32
        %add3A_184 = arith.addi %add3A_182, %add3A_183 : i32
        %dma_start3A_185 = arith.constant 0 : i32
        %dma_start3A_186 = tpu.memref_slice %arg8[%add3A_184, %dma_start3A_185] : memref<40x64xi32, #tpu.memory_space<vmem>> -> memref<1x64xi32, #tpu.memory_space<vmem>>
        %dma_start3A_187 = tpu.memref_squeeze %dma_start3A_186 : memref<1x64xi32, #tpu.memory_space<vmem>> -> memref<64xi32, #tpu.memory_space<vmem>>
        %dma_start3A_188 = arith.constant 0 : i32
        %dma_start3A_189 = arith.constant 0 : i32
        %dma_start3A_190 = tpu.memref_slice %arg2[%dma_start3A_188, %dma_start3A_189] : memref<10752x64xf32, #tpu.memory_space<hbm>> -> memref<10752x64xf32, #tpu.memory_space<hbm>>
        tpu.enqueue_indirect_dma source(%dma_start3A_190 : memref<10752x64xf32, #tpu.memory_space<hbm>>) target(%arg11 : memref<64x64xf32, #tpu.memory_space<vmem>>) offsets(%dma_start3A_187 : memref<64xi32, #tpu.memory_space<vmem>>) semaphore(%arg15 : memref<!tpu.dma_semaphore, #tpu.memory_space<semaphore_mem>>)
        %add3A_191 = arith.constant 2 : i32
        %add3A_192 = arith.addi %add3A_90, %add3A_191 : i32
        %dma_wait3A_193 = arith.constant 0 : i32
        %dma_wait3A_194 = tpu.memref_slice %arg9[%add3A_192, %dma_wait3A_193] : memref<40x64xi32, #tpu.memory_space<vmem>> -> memref<1x64xi32, #tpu.memory_space<vmem>>
        %dma_wait3A_195 = tpu.memref_squeeze %dma_wait3A_194 : memref<1x64xi32, #tpu.memory_space<vmem>> -> memref<64xi32, #tpu.memory_space<vmem>>
        %dma_wait3A_196 = arith.constant 0 : i32
        %dma_wait3A_197 = arith.constant 0 : i32
        %dma_wait3A_198 = tpu.memref_slice %arg7[%dma_wait3A_196, %dma_wait3A_197] : memref<10752x64xf32, #tpu.memory_space<vmem_shared>> -> memref<10752x64xf32, #tpu.memory_space<vmem_shared>>
        tpu.wait_indirect_dma semaphore(%arg20 : memref<!tpu.dma_semaphore, #tpu.memory_space<semaphore_mem>>) src(%arg12 : memref<64x64xf32, #tpu.memory_space<vmem>>) dst(%dma_wait3A_198 : memref<10752x64xf32, #tpu.memory_space<vmem_shared>>)
        %add3A_199 = arith.constant 4 : i32
        %add3A_200 = arith.addi %add3A_90, %add3A_199 : i32
        %add3A_201 = arith.constant 2 : i32
        %add3A_202 = arith.addi %add3A_200, %add3A_201 : i32
        %dma_start3A_203 = arith.constant 0 : i32
        %dma_start3A_204 = tpu.memref_slice %arg8[%add3A_202, %dma_start3A_203] : memref<40x64xi32, #tpu.memory_space<vmem>> -> memref<1x64xi32, #tpu.memory_space<vmem>>
        %dma_start3A_205 = tpu.memref_squeeze %dma_start3A_204 : memref<1x64xi32, #tpu.memory_space<vmem>> -> memref<64xi32, #tpu.memory_space<vmem>>
        %dma_start3A_206 = arith.constant 0 : i32
        %dma_start3A_207 = arith.constant 0 : i32
        %dma_start3A_208 = tpu.memref_slice %arg2[%dma_start3A_206, %dma_start3A_207] : memref<10752x64xf32, #tpu.memory_space<hbm>> -> memref<10752x64xf32, #tpu.memory_space<hbm>>
        tpu.enqueue_indirect_dma source(%dma_start3A_208 : memref<10752x64xf32, #tpu.memory_space<hbm>>) target(%arg12 : memref<64x64xf32, #tpu.memory_space<vmem>>) offsets(%dma_start3A_205 : memref<64xi32, #tpu.memory_space<vmem>>) semaphore(%arg16 : memref<!tpu.dma_semaphore, #tpu.memory_space<semaphore_mem>>)
        %add3A_209 = arith.constant 3 : i32
        %add3A_210 = arith.addi %add3A_90, %add3A_209 : i32
        %dma_wait3A_211 = arith.constant 0 : i32
        %dma_wait3A_212 = tpu.memref_slice %arg9[%add3A_210, %dma_wait3A_211] : memref<40x64xi32, #tpu.memory_space<vmem>> -> memref<1x64xi32, #tpu.memory_space<vmem>>
        %dma_wait3A_213 = tpu.memref_squeeze %dma_wait3A_212 : memref<1x64xi32, #tpu.memory_space<vmem>> -> memref<64xi32, #tpu.memory_space<vmem>>
        %dma_wait3A_214 = arith.constant 0 : i32
        %dma_wait3A_215 = arith.constant 0 : i32
        %dma_wait3A_216 = tpu.memref_slice %arg7[%dma_wait3A_214, %dma_wait3A_215] : memref<10752x64xf32, #tpu.memory_space<vmem_shared>> -> memref<10752x64xf32, #tpu.memory_space<vmem_shared>>
        tpu.wait_indirect_dma semaphore(%arg21 : memref<!tpu.dma_semaphore, #tpu.memory_space<semaphore_mem>>) src(%arg13 : memref<64x64xf32, #tpu.memory_space<vmem>>) dst(%dma_wait3A_216 : memref<10752x64xf32, #tpu.memory_space<vmem_shared>>)
        %add3A_217 = arith.constant 4 : i32
        %add3A_218 = arith.addi %add3A_90, %add3A_217 : i32
        %add3A_219 = arith.constant 3 : i32
        %add3A_220 = arith.addi %add3A_218, %add3A_219 : i32
        %dma_start3A_221 = arith.constant 0 : i32
        %dma_start3A_222 = tpu.memref_slice %arg8[%add3A_220, %dma_start3A_221] : memref<40x64xi32, #tpu.memory_space<vmem>> -> memref<1x64xi32, #tpu.memory_space<vmem>>
        %dma_start3A_223 = tpu.memref_squeeze %dma_start3A_222 : memref<1x64xi32, #tpu.memory_space<vmem>> -> memref<64xi32, #tpu.memory_space<vmem>>
        %dma_start3A_224 = arith.constant 0 : i32
        %dma_start3A_225 = arith.constant 0 : i32
        %dma_start3A_226 = tpu.memref_slice %arg2[%dma_start3A_224, %dma_start3A_225] : memref<10752x64xf32, #tpu.memory_space<hbm>> -> memref<10752x64xf32, #tpu.memory_space<hbm>>
        tpu.enqueue_indirect_dma source(%dma_start3A_226 : memref<10752x64xf32, #tpu.memory_space<hbm>>) target(%arg13 : memref<64x64xf32, #tpu.memory_space<vmem>>) offsets(%dma_start3A_223 : memref<64xi32, #tpu.memory_space<vmem>>) semaphore(%arg17 : memref<!tpu.dma_semaphore, #tpu.memory_space<semaphore_mem>>)
      }
      %scan3A_55 = arith.constant 9 : i32
      %dma_wait3A = arith.constant 36 : i32
      %dma_wait3A_56 = arith.constant 0 : i32
      %dma_wait3A_57 = tpu.memref_slice %arg8[%dma_wait3A, %dma_wait3A_56] : memref<40x64xi32, #tpu.memory_space<vmem>> -> memref<1x64xi32, #tpu.memory_space<vmem>>
      %dma_wait3A_58 = tpu.memref_squeeze %dma_wait3A_57 : memref<1x64xi32, #tpu.memory_space<vmem>> -> memref<64xi32, #tpu.memory_space<vmem>>
      %dma_wait3A_59 = arith.constant 0 : i32
      %dma_wait3A_60 = arith.constant 0 : i32
      %dma_wait3A_61 = tpu.memref_slice %arg2[%dma_wait3A_59, %dma_wait3A_60] : memref<10752x64xf32, #tpu.memory_space<hbm>> -> memref<10752x64xf32, #tpu.memory_space<hbm>>
      tpu.wait_indirect_dma semaphore(%arg14 : memref<!tpu.dma_semaphore, #tpu.memory_space<semaphore_mem>>) src(%dma_wait3A_61 : memref<10752x64xf32, #tpu.memory_space<hbm>>) dst(%arg10 : memref<64x64xf32, #tpu.memory_space<vmem>>)
      %run_scoped3A = arith.constant 36 : i32
      "tpu.region"() ({
        %run_scoped3A_86 = tpu.sem_alloc : memref<!tpu.dma_semaphore, #tpu.memory_space<semaphore_mem>>
        %dma_start3A_87 = arith.constant 0 : i32
        %dma_start3A_88 = tpu.memref_slice %arg9[%run_scoped3A, %dma_start3A_87] : memref<40x64xi32, #tpu.memory_space<vmem>> -> memref<1x64xi32, #tpu.memory_space<vmem>>
        %dma_start3A_89 = tpu.memref_squeeze %dma_start3A_88 : memref<1x64xi32, #tpu.memory_space<vmem>> -> memref<64xi32, #tpu.memory_space<vmem>>
        %dma_start3A_90 = arith.constant 0 : i32
        %dma_start3A_91 = arith.constant 0 : i32
        %dma_start3A_92 = tpu.memref_slice %arg7[%dma_start3A_90, %dma_start3A_91] : memref<10752x64xf32, #tpu.memory_space<vmem_shared>> -> memref<10752x64xf32, #tpu.memory_space<vmem_shared>>
        tpu.enqueue_indirect_dma source(%arg10 : memref<64x64xf32, #tpu.memory_space<vmem>>) target(%dma_start3A_92 : memref<10752x64xf32, #tpu.memory_space<vmem_shared>>) offsets(%dma_start3A_89 : memref<64xi32, #tpu.memory_space<vmem>>) semaphore(%run_scoped3A_86 : memref<!tpu.dma_semaphore, #tpu.memory_space<semaphore_mem>>) {add = true}
        %dma_wait3A_93 = arith.constant 0 : i32
        %dma_wait3A_94 = tpu.memref_slice %arg9[%run_scoped3A, %dma_wait3A_93] : memref<40x64xi32, #tpu.memory_space<vmem>> -> memref<1x64xi32, #tpu.memory_space<vmem>>
        %dma_wait3A_95 = tpu.memref_squeeze %dma_wait3A_94 : memref<1x64xi32, #tpu.memory_space<vmem>> -> memref<64xi32, #tpu.memory_space<vmem>>
        %dma_wait3A_96 = arith.constant 0 : i32
        %dma_wait3A_97 = arith.constant 0 : i32
        %dma_wait3A_98 = tpu.memref_slice %arg7[%dma_wait3A_96, %dma_wait3A_97] : memref<10752x64xf32, #tpu.memory_space<vmem_shared>> -> memref<10752x64xf32, #tpu.memory_space<vmem_shared>>
        tpu.wait_indirect_dma semaphore(%run_scoped3A_86 : memref<!tpu.dma_semaphore, #tpu.memory_space<semaphore_mem>>) src(%arg10 : memref<64x64xf32, #tpu.memory_space<vmem>>) dst(%dma_wait3A_98 : memref<10752x64xf32, #tpu.memory_space<vmem_shared>>)
        tpu.yield
      }) : () -> ()
      %dma_wait3A_62 = arith.constant 37 : i32
      %dma_wait3A_63 = arith.constant 0 : i32
      %dma_wait3A_64 = tpu.memref_slice %arg8[%dma_wait3A_62, %dma_wait3A_63] : memref<40x64xi32, #tpu.memory_space<vmem>> -> memref<1x64xi32, #tpu.memory_space<vmem>>
      %dma_wait3A_65 = tpu.memref_squeeze %dma_wait3A_64 : memref<1x64xi32, #tpu.memory_space<vmem>> -> memref<64xi32, #tpu.memory_space<vmem>>
      %dma_wait3A_66 = arith.constant 0 : i32
      %dma_wait3A_67 = arith.constant 0 : i32
      %dma_wait3A_68 = tpu.memref_slice %arg2[%dma_wait3A_66, %dma_wait3A_67] : memref<10752x64xf32, #tpu.memory_space<hbm>> -> memref<10752x64xf32, #tpu.memory_space<hbm>>
      tpu.wait_indirect_dma semaphore(%arg15 : memref<!tpu.dma_semaphore, #tpu.memory_space<semaphore_mem>>) src(%dma_wait3A_68 : memref<10752x64xf32, #tpu.memory_space<hbm>>) dst(%arg11 : memref<64x64xf32, #tpu.memory_space<vmem>>)
      %run_scoped3A_69 = arith.constant 37 : i32
      "tpu.region"() ({
        %run_scoped3A_86 = tpu.sem_alloc : memref<!tpu.dma_semaphore, #tpu.memory_space<semaphore_mem>>
        %dma_start3A_87 = arith.constant 0 : i32
        %dma_start3A_88 = tpu.memref_slice %arg9[%run_scoped3A_69, %dma_start3A_87] : memref<40x64xi32, #tpu.memory_space<vmem>> -> memref<1x64xi32, #tpu.memory_space<vmem>>
        %dma_start3A_89 = tpu.memref_squeeze %dma_start3A_88 : memref<1x64xi32, #tpu.memory_space<vmem>> -> memref<64xi32, #tpu.memory_space<vmem>>
        %dma_start3A_90 = arith.constant 0 : i32
        %dma_start3A_91 = arith.constant 0 : i32
        %dma_start3A_92 = tpu.memref_slice %arg7[%dma_start3A_90, %dma_start3A_91] : memref<10752x64xf32, #tpu.memory_space<vmem_shared>> -> memref<10752x64xf32, #tpu.memory_space<vmem_shared>>
        tpu.enqueue_indirect_dma source(%arg11 : memref<64x64xf32, #tpu.memory_space<vmem>>) target(%dma_start3A_92 : memref<10752x64xf32, #tpu.memory_space<vmem_shared>>) offsets(%dma_start3A_89 : memref<64xi32, #tpu.memory_space<vmem>>) semaphore(%run_scoped3A_86 : memref<!tpu.dma_semaphore, #tpu.memory_space<semaphore_mem>>) {add = true}
        %dma_wait3A_93 = arith.constant 0 : i32
        %dma_wait3A_94 = tpu.memref_slice %arg9[%run_scoped3A_69, %dma_wait3A_93] : memref<40x64xi32, #tpu.memory_space<vmem>> -> memref<1x64xi32, #tpu.memory_space<vmem>>
        %dma_wait3A_95 = tpu.memref_squeeze %dma_wait3A_94 : memref<1x64xi32, #tpu.memory_space<vmem>> -> memref<64xi32, #tpu.memory_space<vmem>>
        %dma_wait3A_96 = arith.constant 0 : i32
        %dma_wait3A_97 = arith.constant 0 : i32
        %dma_wait3A_98 = tpu.memref_slice %arg7[%dma_wait3A_96, %dma_wait3A_97] : memref<10752x64xf32, #tpu.memory_space<vmem_shared>> -> memref<10752x64xf32, #tpu.memory_space<vmem_shared>>
        tpu.wait_indirect_dma semaphore(%run_scoped3A_86 : memref<!tpu.dma_semaphore, #tpu.memory_space<semaphore_mem>>) src(%arg11 : memref<64x64xf32, #tpu.memory_space<vmem>>) dst(%dma_wait3A_98 : memref<10752x64xf32, #tpu.memory_space<vmem_shared>>)
        tpu.yield
      }) : () -> ()
      %dma_wait3A_70 = arith.constant 38 : i32
      %dma_wait3A_71 = arith.constant 0 : i32
      %dma_wait3A_72 = tpu.memref_slice %arg8[%dma_wait3A_70, %dma_wait3A_71] : memref<40x64xi32, #tpu.memory_space<vmem>> -> memref<1x64xi32, #tpu.memory_space<vmem>>
      %dma_wait3A_73 = tpu.memref_squeeze %dma_wait3A_72 : memref<1x64xi32, #tpu.memory_space<vmem>> -> memref<64xi32, #tpu.memory_space<vmem>>
      %dma_wait3A_74 = arith.constant 0 : i32
      %dma_wait3A_75 = arith.constant 0 : i32
      %dma_wait3A_76 = tpu.memref_slice %arg2[%dma_wait3A_74, %dma_wait3A_75] : memref<10752x64xf32, #tpu.memory_space<hbm>> -> memref<10752x64xf32, #tpu.memory_space<hbm>>
      tpu.wait_indirect_dma semaphore(%arg16 : memref<!tpu.dma_semaphore, #tpu.memory_space<semaphore_mem>>) src(%dma_wait3A_76 : memref<10752x64xf32, #tpu.memory_space<hbm>>) dst(%arg12 : memref<64x64xf32, #tpu.memory_space<vmem>>)
      %run_scoped3A_77 = arith.constant 38 : i32
      "tpu.region"() ({
        %run_scoped3A_86 = tpu.sem_alloc : memref<!tpu.dma_semaphore, #tpu.memory_space<semaphore_mem>>
        %dma_start3A_87 = arith.constant 0 : i32
        %dma_start3A_88 = tpu.memref_slice %arg9[%run_scoped3A_77, %dma_start3A_87] : memref<40x64xi32, #tpu.memory_space<vmem>> -> memref<1x64xi32, #tpu.memory_space<vmem>>
        %dma_start3A_89 = tpu.memref_squeeze %dma_start3A_88 : memref<1x64xi32, #tpu.memory_space<vmem>> -> memref<64xi32, #tpu.memory_space<vmem>>
        %dma_start3A_90 = arith.constant 0 : i32
        %dma_start3A_91 = arith.constant 0 : i32
        %dma_start3A_92 = tpu.memref_slice %arg7[%dma_start3A_90, %dma_start3A_91] : memref<10752x64xf32, #tpu.memory_space<vmem_shared>> -> memref<10752x64xf32, #tpu.memory_space<vmem_shared>>
        tpu.enqueue_indirect_dma source(%arg12 : memref<64x64xf32, #tpu.memory_space<vmem>>) target(%dma_start3A_92 : memref<10752x64xf32, #tpu.memory_space<vmem_shared>>) offsets(%dma_start3A_89 : memref<64xi32, #tpu.memory_space<vmem>>) semaphore(%run_scoped3A_86 : memref<!tpu.dma_semaphore, #tpu.memory_space<semaphore_mem>>) {add = true}
        %dma_wait3A_93 = arith.constant 0 : i32
        %dma_wait3A_94 = tpu.memref_slice %arg9[%run_scoped3A_77, %dma_wait3A_93] : memref<40x64xi32, #tpu.memory_space<vmem>> -> memref<1x64xi32, #tpu.memory_space<vmem>>
        %dma_wait3A_95 = tpu.memref_squeeze %dma_wait3A_94 : memref<1x64xi32, #tpu.memory_space<vmem>> -> memref<64xi32, #tpu.memory_space<vmem>>
        %dma_wait3A_96 = arith.constant 0 : i32
        %dma_wait3A_97 = arith.constant 0 : i32
        %dma_wait3A_98 = tpu.memref_slice %arg7[%dma_wait3A_96, %dma_wait3A_97] : memref<10752x64xf32, #tpu.memory_space<vmem_shared>> -> memref<10752x64xf32, #tpu.memory_space<vmem_shared>>
        tpu.wait_indirect_dma semaphore(%run_scoped3A_86 : memref<!tpu.dma_semaphore, #tpu.memory_space<semaphore_mem>>) src(%arg12 : memref<64x64xf32, #tpu.memory_space<vmem>>) dst(%dma_wait3A_98 : memref<10752x64xf32, #tpu.memory_space<vmem_shared>>)
        tpu.yield
      }) : () -> ()
      %dma_wait3A_78 = arith.constant 39 : i32
      %dma_wait3A_79 = arith.constant 0 : i32
      %dma_wait3A_80 = tpu.memref_slice %arg8[%dma_wait3A_78, %dma_wait3A_79] : memref<40x64xi32, #tpu.memory_space<vmem>> -> memref<1x64xi32, #tpu.memory_space<vmem>>
      %dma_wait3A_81 = tpu.memref_squeeze %dma_wait3A_80 : memref<1x64xi32, #tpu.memory_space<vmem>> -> memref<64xi32, #tpu.memory_space<vmem>>
      %dma_wait3A_82 = arith.constant 0 : i32
      %dma_wait3A_83 = arith.constant 0 : i32
      %dma_wait3A_84 = tpu.memref_slice %arg2[%dma_wait3A_82, %dma_wait3A_83] : memref<10752x64xf32, #tpu.memory_space<hbm>> -> memref<10752x64xf32, #tpu.memory_space<hbm>>
      tpu.wait_indirect_dma semaphore(%arg17 : memref<!tpu.dma_semaphore, #tpu.memory_space<semaphore_mem>>) src(%dma_wait3A_84 : memref<10752x64xf32, #tpu.memory_space<hbm>>) dst(%arg13 : memref<64x64xf32, #tpu.memory_space<vmem>>)
      %run_scoped3A_85 = arith.constant 39 : i32
      "tpu.region"() ({
        %run_scoped3A_86 = tpu.sem_alloc : memref<!tpu.dma_semaphore, #tpu.memory_space<semaphore_mem>>
        %dma_start3A_87 = arith.constant 0 : i32
        %dma_start3A_88 = tpu.memref_slice %arg9[%run_scoped3A_85, %dma_start3A_87] : memref<40x64xi32, #tpu.memory_space<vmem>> -> memref<1x64xi32, #tpu.memory_space<vmem>>
        %dma_start3A_89 = tpu.memref_squeeze %dma_start3A_88 : memref<1x64xi32, #tpu.memory_space<vmem>> -> memref<64xi32, #tpu.memory_space<vmem>>
        %dma_start3A_90 = arith.constant 0 : i32
        %dma_start3A_91 = arith.constant 0 : i32
        %dma_start3A_92 = tpu.memref_slice %arg7[%dma_start3A_90, %dma_start3A_91] : memref<10752x64xf32, #tpu.memory_space<vmem_shared>> -> memref<10752x64xf32, #tpu.memory_space<vmem_shared>>
        tpu.enqueue_indirect_dma source(%arg13 : memref<64x64xf32, #tpu.memory_space<vmem>>) target(%dma_start3A_92 : memref<10752x64xf32, #tpu.memory_space<vmem_shared>>) offsets(%dma_start3A_89 : memref<64xi32, #tpu.memory_space<vmem>>) semaphore(%run_scoped3A_86 : memref<!tpu.dma_semaphore, #tpu.memory_space<semaphore_mem>>) {add = true}
        %dma_wait3A_93 = arith.constant 0 : i32
        %dma_wait3A_94 = tpu.memref_slice %arg9[%run_scoped3A_85, %dma_wait3A_93] : memref<40x64xi32, #tpu.memory_space<vmem>> -> memref<1x64xi32, #tpu.memory_space<vmem>>
        %dma_wait3A_95 = tpu.memref_squeeze %dma_wait3A_94 : memref<1x64xi32, #tpu.memory_space<vmem>> -> memref<64xi32, #tpu.memory_space<vmem>>
        %dma_wait3A_96 = arith.constant 0 : i32
        %dma_wait3A_97 = arith.constant 0 : i32
        %dma_wait3A_98 = tpu.memref_slice %arg7[%dma_wait3A_96, %dma_wait3A_97] : memref<10752x64xf32, #tpu.memory_space<vmem_shared>> -> memref<10752x64xf32, #tpu.memory_space<vmem_shared>>
        tpu.wait_indirect_dma semaphore(%run_scoped3A_86 : memref<!tpu.dma_semaphore, #tpu.memory_space<semaphore_mem>>) src(%arg13 : memref<64x64xf32, #tpu.memory_space<vmem>>) dst(%dma_wait3A_98 : memref<10752x64xf32, #tpu.memory_space<vmem_shared>>)
        tpu.yield
      }) : () -> ()
    }
    %scan3A_8 = arith.constant 4 : i32
    %barrier3A_9 = arith.constant 0 : index
    tpu.barrier barrier_id(%barrier3A_9)
    "tpu.region"() ({
      %run_scoped3A = tpu.sem_alloc : memref<!tpu.dma_semaphore, #tpu.memory_space<semaphore_mem>>
      %dma_start3A = arith.constant 0 : i32
      %dma_start3A_10 = tpu.memref_slice %arg6[%arg0, %mul3A_0, %dma_start3A] : memref<2x10752x128xf32, #tpu.memory_space<hbm>> -> memref<1x672x64xf32, #tpu.memory_space<hbm>>
      %dma_start3A_11 = tpu.memref_squeeze %dma_start3A_10 : memref<1x672x64xf32, #tpu.memory_space<hbm>> -> memref<672x64xf32, #tpu.memory_space<hbm>>
      %dma_start3A_12 = arith.constant 0 : i32
      %dma_start3A_13 = tpu.memref_slice %arg7[%mul3A_0, %dma_start3A_12] : memref<10752x64xf32, #tpu.memory_space<vmem_shared>> -> memref<672x64xf32, #tpu.memory_space<vmem_shared>>
      tpu.enqueue_dma source(%dma_start3A_13 : memref<672x64xf32, #tpu.memory_space<vmem_shared>>) target(%dma_start3A_11 : memref<672x64xf32, #tpu.memory_space<hbm>>) target_semaphore(%run_scoped3A : memref<!tpu.dma_semaphore, #tpu.memory_space<semaphore_mem>>)
      %dma_wait3A = arith.constant 0 : i32
      %dma_wait3A_14 = tpu.memref_slice %arg6[%arg0, %mul3A_0, %dma_wait3A] : memref<2x10752x128xf32, #tpu.memory_space<hbm>> -> memref<1x672x64xf32, #tpu.memory_space<hbm>>
      %dma_wait3A_15 = tpu.memref_squeeze %dma_wait3A_14 : memref<1x672x64xf32, #tpu.memory_space<hbm>> -> memref<672x64xf32, #tpu.memory_space<hbm>>
      %dma_wait3A_16 = arith.constant 0 : i32
      %dma_wait3A_17 = tpu.memref_slice %arg7[%mul3A_0, %dma_wait3A_16] : memref<10752x64xf32, #tpu.memory_space<vmem_shared>> -> memref<672x64xf32, #tpu.memory_space<vmem_shared>>
      tpu.wait_dma2 semaphore(%run_scoped3A : memref<!tpu.dma_semaphore, #tpu.memory_space<semaphore_mem>>) src(%dma_wait3A_17 : memref<672x64xf32, #tpu.memory_space<vmem_shared>>) dst(%dma_wait3A_15 : memref<672x64xf32, #tpu.memory_space<hbm>>)
      tpu.yield
    }) : () -> ()
    return
  }
}

module attributes {stable_mosaic.version = 14 : i64} {
  func.func @_tcB_body(%arg0: memref<2x10752x128xf32, #tpu.memory_space<vmem>>, %arg1: memref<10000x128xf32, #tpu.memory_space<vmem>>, %arg2: memref<10752x128xf32, #tpu.memory_space<vmem>>, %arg3: memref<10752x128xf32, #tpu.memory_space<vmem>>) attributes {dimension_semantics = [], scalar_prefetch = 0 : i64, scratch_operands = 0 : i64, tpu.core_type = #tpu.core_type<tc>} {
    %get3A = arith.constant 0 : index
    %get3A_0 = arith.constant 0 : index
    %get3A_1 = arith.constant 0 : index
    %get3A_2 = vector.load %arg0[%get3A, %get3A_0, %get3A_1] : memref<2x10752x128xf32, #tpu.memory_space<vmem>>, vector<1x10752x1xf32>
    %get3A_3 = vector.shape_cast %get3A_2 : vector<1x10752x1xf32> to vector<10752x1xf32>
    %get3A_4 = arith.constant 1 : index
    %get3A_5 = arith.constant 0 : index
    %get3A_6 = arith.constant 0 : index
    %get3A_7 = vector.load %arg0[%get3A_4, %get3A_5, %get3A_6] : memref<2x10752x128xf32, #tpu.memory_space<vmem>>, vector<1x10752x1xf32>
    %get3A_8 = vector.shape_cast %get3A_7 : vector<1x10752x1xf32> to vector<10752x1xf32>
    %add3A = arith.addf %get3A_3, %get3A_8 : vector<10752x1xf32>
    %add3A_9 = arith.constant 1.000000e+00 : f32
    %add3A_10 = vector.broadcast %add3A_9 : f32 to vector<10752x1xf32>
    %add3A_11 = arith.addf %add3A, %add3A_10 : vector<10752x1xf32>
    %rsqrt3A = math.rsqrt %add3A_11 : vector<10752x1xf32>
    %broadcast_in_dim3A = vector.shape_cast %rsqrt3A : vector<10752x1xf32> to vector<10752x1xf32>
    %broadcast_in_dim3A_12 = vector.broadcast %broadcast_in_dim3A : vector<10752x1xf32> to vector<10752x128xf32>
    %swap3A = arith.constant 0 : index
    %swap3A_13 = arith.constant 0 : index
    %swap3A_14 = vector.load %arg3[%swap3A, %swap3A_13] : memref<10752x128xf32, #tpu.memory_space<vmem>>, vector<10752x128xf32>
    tpu.vector_store %arg3[%swap3A, %swap3A_13], %broadcast_in_dim3A_12 {strides = array<i32>} : memref<10752x128xf32, #tpu.memory_space<vmem>>, vector<10752x128xf32>,
    %slice3A = vector.extract_strided_slice %broadcast_in_dim3A_12 {offsets = [0, 0], sizes = [10000, 128], strides = [1, 1]} : vector<10752x128xf32> to vector<10000x128xf32>
    %get3A_15 = arith.constant 0 : index
    %get3A_16 = arith.constant 0 : index
    %get3A_17 = vector.load %arg1[%get3A_15, %get3A_16] : memref<10000x128xf32, #tpu.memory_space<vmem>>, vector<10000x128xf32>
    %mul3A = arith.mulf %slice3A, %get3A_17 : vector<10000x128xf32>
    %swap3A_18 = arith.constant 0 : index
    %swap3A_19 = arith.constant 0 : index
    %swap3A_20 = vector.load %arg2[%swap3A_18, %swap3A_19] : memref<10752x128xf32, #tpu.memory_space<vmem>>, vector<10000x128xf32>
    tpu.vector_store %arg2[%swap3A_18, %swap3A_19], %mul3A {strides = array<i32>} : memref<10752x128xf32, #tpu.memory_space<vmem>>, vector<10000x128xf32>,
    %broadcast_in_dim3A_21 = arith.constant 0.000000e+00 : f32
    %broadcast_in_dim3A_22 = vector.broadcast %broadcast_in_dim3A_21 : f32 to vector<752x128xf32>
    %swap3A_23 = arith.constant 10000 : index
    %swap3A_24 = arith.constant 0 : index
    %swap3A_25 = vector.load %arg2[%swap3A_23, %swap3A_24] : memref<10752x128xf32, #tpu.memory_space<vmem>>, vector<752x128xf32>
    tpu.vector_store %arg2[%swap3A_23, %swap3A_24], %broadcast_in_dim3A_22 {strides = array<i32>} : memref<10752x128xf32, #tpu.memory_space<vmem>>, vector<752x128xf32>,
    return
  }
}

module attributes {stable_mosaic.version = 14 : i64} {
  func.func @_tcD_body(%arg0: i32, %arg1: memref<2x1344x128xf32, #tpu.memory_space<vmem>>, %arg2: memref<1344x128xf32, #tpu.memory_space<vmem>>, %arg3: memref<1344x128xf32, #tpu.memory_space<vmem>>, %arg4: memref<128x512xf32, #tpu.memory_space<vmem>>, %arg5: memref<1x512xf32, #tpu.memory_space<vmem>>, %arg6: memref<512x64xf32, #tpu.memory_space<vmem>>, %arg7: memref<1344x64xf32, #tpu.memory_space<vmem>>) attributes {dimension_semantics = [#tpu.dimension_semantics<arbitrary>], iteration_bounds = array<i64: 8>, scalar_prefetch = 0 : i64, scratch_operands = 0 : i64, tpu.core_type = #tpu.core_type<tc>, window_params = [{transform_indices = @transform_0, window_bounds = array<i64: 2, 1344, 128>}, {transform_indices = @transform_1, window_bounds = array<i64: 1344, 128>}, {transform_indices = @transform_2, window_bounds = array<i64: 1344, 128>}, {pipeline_mode = #tpu.pipeline_mode<synchronous>, transform_indices = @transform_3, window_bounds = array<i64: 128, 512>}, {pipeline_mode = #tpu.pipeline_mode<synchronous>, transform_indices = @transform_4, window_bounds = array<i64: 1, 512>}, {pipeline_mode = #tpu.pipeline_mode<synchronous>, transform_indices = @transform_5, window_bounds = array<i64: 512, 64>}, {transform_indices = @transform_6, window_bounds = array<i64: 1344, 64>}]} {
    %get3A = arith.constant 0 : index
    %get3A_0 = arith.constant 0 : index
    %get3A_1 = vector.load %arg3[%get3A, %get3A_0] : memref<1344x128xf32, #tpu.memory_space<vmem>>, vector<1344x128xf32>
    %get3A_2 = arith.constant 0 : index
    %get3A_3 = arith.constant 0 : index
    %get3A_4 = arith.constant 0 : index
    %get3A_5 = vector.load %arg1[%get3A_2, %get3A_3, %get3A_4] : memref<2x1344x128xf32, #tpu.memory_space<vmem>>, vector<1x1344x128xf32>
    %get3A_6 = vector.shape_cast %get3A_5 : vector<1x1344x128xf32> to vector<1344x128xf32>
    %get3A_7 = arith.constant 1 : index
    %get3A_8 = arith.constant 0 : index
    %get3A_9 = arith.constant 0 : index
    %get3A_10 = vector.load %arg1[%get3A_7, %get3A_8, %get3A_9] : memref<2x1344x128xf32, #tpu.memory_space<vmem>>, vector<1x1344x128xf32>
    %get3A_11 = vector.shape_cast %get3A_10 : vector<1x1344x128xf32> to vector<1344x128xf32>
    %add3A = arith.addf %get3A_6, %get3A_11 : vector<1344x128xf32>
    %get3A_12 = arith.constant 0 : index
    %get3A_13 = arith.constant 0 : index
    %get3A_14 = vector.load %arg2[%get3A_12, %get3A_13] : memref<1344x128xf32, #tpu.memory_space<vmem>>, vector<1344x128xf32>
    %add3A_15 = arith.addf %add3A, %get3A_14 : vector<1344x128xf32>
    %mul3A = arith.mulf %get3A_1, %add3A_15 : vector<1344x128xf32>
    %get3A_16 = arith.constant 0 : index
    %get3A_17 = arith.constant 0 : index
    %get3A_18 = vector.load %arg4[%get3A_16, %get3A_17] : memref<128x512xf32, #tpu.memory_space<vmem>>, vector<128x512xf32>
    %dot_general3A = arith.constant dense<0.000000e+00> : vector<1344x512xf32>
    %dot_general3A_19 = tpu.matmul %mul3A, %get3A_18, %dot_general3A {dimension_numbers = #tpu.dot_dimension_numbers<[1], [0], [0], [1], [0, 0, 1, 1], [], []>, transpose_lhs_hint = false} : vector<1344x128xf32>, vector<128x512xf32>, vector<1344x512xf32> -> vector<1344x512xf32>
    %get3A_20 = arith.constant 0 : index
    %get3A_21 = arith.constant 0 : index
    %get3A_22 = vector.load %arg5[%get3A_20, %get3A_21] : memref<1x512xf32, #tpu.memory_space<vmem>>, vector<1x512xf32>
    %add3A_23 = vector.broadcast %get3A_22 : vector<1x512xf32> to vector<1344x512xf32>
    %add3A_24 = arith.addf %dot_general3A_19, %add3A_23 : vector<1344x512xf32>
    %max3A = arith.constant 0.000000e+00 : f32
    %max3A_25 = vector.broadcast %max3A : f32 to vector<1344x512xf32>
    %max3A_26 = arith.maximumf %add3A_24, %max3A_25 : vector<1344x512xf32>
    %get3A_27 = arith.constant 0 : index
    %get3A_28 = arith.constant 0 : index
    %get3A_29 = vector.load %arg6[%get3A_27, %get3A_28] : memref<512x64xf32, #tpu.memory_space<vmem>>, vector<512x64xf32>
    %dot_general3A_30 = arith.constant dense<0.000000e+00> : vector<1344x64xf32>
    %dot_general3A_31 = tpu.matmul %max3A_26, %get3A_29, %dot_general3A_30 {dimension_numbers = #tpu.dot_dimension_numbers<[1], [0], [0], [1], [0, 0, 1, 1], [], []>, transpose_lhs_hint = false} : vector<1344x512xf32>, vector<512x64xf32>, vector<1344x64xf32> -> vector<1344x64xf32>
    %mul3A_32 = arith.constant 1344 : i32
    %mul3A_33 = arith.muli %arg0, %mul3A_32 : i32
    %iota3A = tpu.iota {dimensions = array<i32: 0>} : vector<1344x1xi32>
    %add3A_34 = vector.broadcast %mul3A_33 : i32 to vector<1344x1xi32>
    %add3A_35 = arith.addi %add3A_34, %iota3A : vector<1344x1xi32>
    %lt3A = arith.constant 10000 : i32
    %lt3A_36 = vector.broadcast %lt3A : i32 to vector<1344x1xi32>
    %lt3A_37 = arith.cmpi slt, %add3A_35, %lt3A_36 : vector<1344x1xi32>
    %slice3A = vector.extract_strided_slice %get3A_1 {offsets = [0, 0], sizes = [1344, 64], strides = [1, 1]} : vector<1344x128xf32> to vector<1344x64xf32>
    %mul3A_38 = arith.mulf %slice3A, %dot_general3A_31 : vector<1344x64xf32>
    %jit3A = arith.constant 0.000000e+00 : f32
    %broadcast_in_dim3A = vector.shape_cast %lt3A_37 : vector<1344x1xi1> to vector<1344x1xi1>
    %broadcast_in_dim3A_39 = vector.broadcast %broadcast_in_dim3A : vector<1344x1xi1> to vector<1344x64xi1>
    %broadcast_in_dim3A_40 = vector.broadcast %jit3A : f32 to vector<1344x64xf32>
    %select_n3A = arith.select %broadcast_in_dim3A_39, %mul3A_38, %broadcast_in_dim3A_40 : vector<1344x64xi1>, vector<1344x64xf32>
    %swap3A = arith.constant 0 : index
    %swap3A_41 = arith.constant 0 : index
    %swap3A_42 = vector.load %arg7[%swap3A, %swap3A_41] : memref<1344x64xf32, #tpu.memory_space<vmem>>, vector<1344x64xf32>
    tpu.vector_store %arg7[%swap3A, %swap3A_41], %select_n3A {strides = array<i32>} : memref<1344x64xf32, #tpu.memory_space<vmem>>, vector<1344x64xf32>,
    return
  }
  func.func @transform_0(%arg0: i32) -> (i32, i32, i32) {
    %c0_i32 = arith.constant 0 : i32
    %c0_i32_0 = arith.constant 0 : i32
    %c0_i32_1 = arith.constant 0 : i32
    return %c0_i32, %arg0, %c0_i32_0 : i32, i32, i32
  }
  func.func @transform_1(%arg0: i32) -> (i32, i32) {
    %c0_i32 = arith.constant 0 : i32
    %c0_i32_0 = arith.constant 0 : i32
    return %arg0, %c0_i32 : i32, i32
  }
  func.func @transform_2(%arg0: i32) -> (i32, i32) {
    %c0_i32 = arith.constant 0 : i32
    %c0_i32_0 = arith.constant 0 : i32
    return %arg0, %c0_i32 : i32, i32
  }
  func.func @transform_3(%arg0: i32) -> (i32, i32) {
    %c0_i32 = arith.constant 0 : i32
    %c0_i32_0 = arith.constant 0 : i32
    %c0_i32_1 = arith.constant 0 : i32
    return %c0_i32, %c0_i32_0 : i32, i32
  }
  func.func @transform_4(%arg0: i32) -> (i32, i32) {
    %c0_i32 = arith.constant 0 : i32
    %c0_i32_0 = arith.constant 0 : i32
    %c0_i32_1 = arith.constant 0 : i32
    return %c0_i32, %c0_i32_0 : i32, i32
  }
  func.func @transform_5(%arg0: i32) -> (i32, i32) {
    %c0_i32 = arith.constant 0 : i32
    %c0_i32_0 = arith.constant 0 : i32
    %c0_i32_1 = arith.constant 0 : i32
    return %c0_i32, %c0_i32_0 : i32, i32
  }
  func.func @transform_6(%arg0: i32) -> (i32, i32) {
    %c0_i32 = arith.constant 0 : i32
    %c0_i32_0 = arith.constant 0 : i32
    return %arg0, %c0_i32 : i32, i32
  }
}

module attributes {stable_mosaic.version = 14 : i64} {
  func.func @_tcF_body(%arg0: i32, %arg1: memref<2x1344x128xf32, #tpu.memory_space<vmem>>, %arg2: memref<1344x64xf32, #tpu.memory_space<vmem>>, %arg3: memref<1344x128xf32, #tpu.memory_space<vmem>>, %arg4: memref<1x64xf32, #tpu.memory_space<vmem>>, %arg5: memref<1x1x1344xi32, #tpu.memory_space<vmem>>, %arg6: memref<64x2xf32, #tpu.memory_space<vmem>>, %arg7: memref<1x2xf32, #tpu.memory_space<vmem>>, %arg8: memref<64x2xf32, #tpu.memory_space<vmem>>, %arg9: memref<64x128xf32, #tpu.memory_space<vmem>>) attributes {dimension_semantics = [#tpu.dimension_semantics<arbitrary>], iteration_bounds = array<i64: 8>, scalar_prefetch = 0 : i64, scratch_operands = 1 : i64, tpu.core_type = #tpu.core_type<tc>, window_params = [{transform_indices = @transform_0, window_bounds = array<i64: 2, 1344, 128>}, {transform_indices = @transform_1, window_bounds = array<i64: 1344, 64>}, {transform_indices = @transform_2, window_bounds = array<i64: 1344, 128>}, {pipeline_mode = #tpu.pipeline_mode<synchronous>, transform_indices = @transform_3, window_bounds = array<i64: 1, 64>}, {transform_indices = @transform_4, window_bounds = array<i64: 1, 1, 1344>}, {pipeline_mode = #tpu.pipeline_mode<synchronous>, transform_indices = @transform_5, window_bounds = array<i64: 64, 2>}, {pipeline_mode = #tpu.pipeline_mode<synchronous>, transform_indices = @transform_6, window_bounds = array<i64: 1, 2>}, {pipeline_mode = #tpu.pipeline_mode<synchronous>, transform_indices = @transform_7, window_bounds = array<i64: 64, 2>}]} {
    %eq3A = arith.constant 0 : i32
    %eq3A_0 = arith.cmpi eq, %arg0, %eq3A : i32
    %convert_element_type3A = arith.extui %eq3A_0 : i1 to i32
    %cond3A = arith.constant 0 : i32
    %cond3A_1 = arith.cmpi ne, %convert_element_type3A, %cond3A : i32
    scf.if %cond3A_1 {
      %broadcast_in_dim3A_49 = arith.constant 0.000000e+00 : f32
      %broadcast_in_dim3A_50 = vector.broadcast %broadcast_in_dim3A_49 : f32 to vector<64x128xf32>
      %swap3A_51 = arith.constant 0 : index
      %swap3A_52 = arith.constant 0 : index
      %swap3A_53 = vector.load %arg9[%swap3A_51, %swap3A_52] : memref<64x128xf32, #tpu.memory_space<vmem>>, vector<64x128xf32>
      tpu.vector_store %arg9[%swap3A_51, %swap3A_52], %broadcast_in_dim3A_50 {strides = array<i32>} : memref<64x128xf32, #tpu.memory_space<vmem>>, vector<64x128xf32>,
    } else {
    }
    %get3A = arith.constant 0 : index
    %get3A_2 = arith.constant 0 : index
    %get3A_3 = vector.load %arg3[%get3A, %get3A_2] : memref<1344x128xf32, #tpu.memory_space<vmem>>, vector<1344x64xf32>
    %get3A_4 = arith.constant 0 : index
    %get3A_5 = arith.constant 0 : index
    %get3A_6 = arith.constant 0 : index
    %get3A_7 = vector.load %arg1[%get3A_4, %get3A_5, %get3A_6] : memref<2x1344x128xf32, #tpu.memory_space<vmem>>, vector<1x1344x64xf32>
    %get3A_8 = vector.shape_cast %get3A_7 : vector<1x1344x64xf32> to vector<1344x64xf32>
    %get3A_9 = arith.constant 1 : index
    %get3A_10 = arith.constant 0 : index
    %get3A_11 = arith.constant 0 : index
    %get3A_12 = vector.load %arg1[%get3A_9, %get3A_10, %get3A_11] : memref<2x1344x128xf32, #tpu.memory_space<vmem>>, vector<1x1344x64xf32>
    %get3A_13 = vector.shape_cast %get3A_12 : vector<1x1344x64xf32> to vector<1344x64xf32>
    %add3A = arith.addf %get3A_8, %get3A_13 : vector<1344x64xf32>
    %get3A_14 = arith.constant 0 : index
    %get3A_15 = arith.constant 0 : index
    %get3A_16 = vector.load %arg2[%get3A_14, %get3A_15] : memref<1344x64xf32, #tpu.memory_space<vmem>>, vector<1344x64xf32>
    %add3A_17 = arith.addf %add3A, %get3A_16 : vector<1344x64xf32>
    %mul3A = arith.mulf %get3A_3, %add3A_17 : vector<1344x64xf32>
    %get3A_18 = arith.constant 0 : index
    %get3A_19 = arith.constant 0 : index
    %get3A_20 = vector.load %arg4[%get3A_18, %get3A_19] : memref<1x64xf32, #tpu.memory_space<vmem>>, vector<1x64xf32>
    %add3A_21 = vector.broadcast %get3A_20 : vector<1x64xf32> to vector<1344x64xf32>
    %add3A_22 = arith.addf %mul3A, %add3A_21 : vector<1344x64xf32>
    %max3A = arith.constant 0.000000e+00 : f32
    %max3A_23 = vector.broadcast %max3A : f32 to vector<1344x64xf32>
    %max3A_24 = arith.maximumf %add3A_22, %max3A_23 : vector<1344x64xf32>
    %get3A_25 = arith.constant 0 : index
    %get3A_26 = arith.constant 0 : index
    %get3A_27 = arith.constant 0 : index
    %get3A_28 = vector.load %arg5[%get3A_25, %get3A_26, %get3A_27] : memref<1x1x1344xi32, #tpu.memory_space<vmem>>, vector<1x1x1344xi32>
    %get3A_29 = vector.shape_cast %get3A_28 : vector<1x1x1344xi32> to vector<1344xi32>
    %broadcast_in_dim3A = vector.shape_cast %get3A_29 : vector<1344xi32> to vector<1344x1xi32>
    %iota3A = tpu.iota {dimensions = array<i32: 1>} : vector<1x64xi32>
    %eq3A_30 = vector.broadcast %broadcast_in_dim3A : vector<1344x1xi32> to vector<1344x64xi32>
    %eq3A_31 = vector.broadcast %iota3A : vector<1x64xi32> to vector<1344x64xi32>
    %eq3A_32 = arith.cmpi eq, %eq3A_30, %eq3A_31 : vector<1344x64xi32>
    %convert_element_type3A_33 = arith.extui %eq3A_32 : vector<1344x64xi1> to vector<1344x64xi32>
    %convert_element_type3A_34 = arith.sitofp %convert_element_type3A_33 : vector<1344x64xi32> to vector<1344x64xf32>
    %broadcast_in_dim3A_35 = arith.constant 1.000000e+00 : f32
    %broadcast_in_dim3A_36 = vector.broadcast %broadcast_in_dim3A_35 : f32 to vector<1344x64xf32>
    %concatenate3A = tpu.concatenate %max3A_24, %broadcast_in_dim3A_36 in 1 : vector<1344x64xf32>, vector<1344x64xf32> -> vector<1344x128xf32>
    %get3A_37 = arith.constant 0 : index
    %get3A_38 = arith.constant 0 : index
    %get3A_39 = vector.load %arg9[%get3A_37, %get3A_38] : memref<64x128xf32, #tpu.memory_space<vmem>>, vector<64x128xf32>
    %dot_general3A = arith.constant dense<0.000000e+00> : vector<64x128xf32>
    %dot_general3A_40 = tpu.matmul %convert_element_type3A_34, %concatenate3A, %dot_general3A {dimension_numbers = #tpu.dot_dimension_numbers<[0], [0], [1], [1], [0, 1, 1, 1], [], []>, transpose_lhs_hint = false} : vector<1344x64xf32>, vector<1344x128xf32>, vector<64x128xf32> -> vector<64x128xf32>
    %add3A_41 = arith.addf %get3A_39, %dot_general3A_40 : vector<64x128xf32>
    %swap3A = arith.constant 0 : index
    %swap3A_42 = arith.constant 0 : index
    %swap3A_43 = vector.load %arg9[%swap3A, %swap3A_42] : memref<64x128xf32, #tpu.memory_space<vmem>>, vector<64x128xf32>
    tpu.vector_store %arg9[%swap3A, %swap3A_42], %add3A_41 {strides = array<i32>} : memref<64x128xf32, #tpu.memory_space<vmem>>, vector<64x128xf32>,
    %eq3A_44 = arith.constant 7 : i32
    %eq3A_45 = arith.cmpi eq, %arg0, %eq3A_44 : i32
    %convert_element_type3A_46 = arith.extui %eq3A_45 : i1 to i32
    %cond3A_47 = arith.constant 0 : i32
    %cond3A_48 = arith.cmpi ne, %convert_element_type3A_46, %cond3A_47 : i32
    scf.if %cond3A_48 {
      %get3A_49 = arith.constant 0 : index
      %get3A_50 = arith.constant 0 : index
      %get3A_51 = vector.load %arg9[%get3A_49, %get3A_50] : memref<64x128xf32, #tpu.memory_space<vmem>>, vector<64x128xf32>
      %slice3A = vector.extract_strided_slice %get3A_51 {offsets = [0, 0], sizes = [64, 64], strides = [1, 1]} : vector<64x128xf32> to vector<64x64xf32>
      %slice3A_52 = vector.extract_strided_slice %get3A_51 {offsets = [0, 64], sizes = [64, 1], strides = [1, 1]} : vector<64x128xf32> to vector<64x1xf32>
      %max3A_53 = arith.constant 1.000000e+00 : f32
      %max3A_54 = vector.broadcast %max3A_53 : f32 to vector<64x1xf32>
      %max3A_55 = arith.maximumf %slice3A_52, %max3A_54 : vector<64x1xf32>
      %div3A = vector.broadcast %max3A_55 : vector<64x1xf32> to vector<64x64xf32>
      %div3A_56 = arith.divf %slice3A, %div3A : vector<64x64xf32>
      %get3A_57 = arith.constant 0 : index
      %get3A_58 = arith.constant 0 : index
      %get3A_59 = vector.load %arg6[%get3A_57, %get3A_58] : memref<64x2xf32, #tpu.memory_space<vmem>>, vector<64x2xf32>
      %dot_general3A_60 = arith.constant dense<0.000000e+00> : vector<64x2xf32>
      %dot_general3A_61 = tpu.matmul %div3A_56, %get3A_59, %dot_general3A_60 {dimension_numbers = #tpu.dot_dimension_numbers<[1], [0], [0], [1], [0, 0, 1, 1], [], []>, transpose_lhs_hint = false} : vector<64x64xf32>, vector<64x2xf32>, vector<64x2xf32> -> vector<64x2xf32>
      %get3A_62 = arith.constant 0 : index
      %get3A_63 = arith.constant 0 : index
      %get3A_64 = vector.load %arg7[%get3A_62, %get3A_63] : memref<1x2xf32, #tpu.memory_space<vmem>>, vector<1x2xf32>
      %add3A_65 = vector.broadcast %get3A_64 : vector<1x2xf32> to vector<64x2xf32>
      %add3A_66 = arith.addf %dot_general3A_61, %add3A_65 : vector<64x2xf32>
      %swap3A_67 = arith.constant 0 : index
      %swap3A_68 = arith.constant 0 : index
      %swap3A_69 = vector.load %arg8[%swap3A_67, %swap3A_68] : memref<64x2xf32, #tpu.memory_space<vmem>>, vector<64x2xf32>
      tpu.vector_store %arg8[%swap3A_67, %swap3A_68], %add3A_66 {strides = array<i32>} : memref<64x2xf32, #tpu.memory_space<vmem>>, vector<64x2xf32>,
    } else {
    }
    return
  }
  func.func @transform_0(%arg0: i32) -> (i32, i32, i32) {
    %c0_i32 = arith.constant 0 : i32
    %c0_i32_0 = arith.constant 0 : i32
    %c0_i32_1 = arith.constant 0 : i32
    return %c0_i32, %arg0, %c0_i32_0 : i32, i32, i32
  }
  func.func @transform_1(%arg0: i32) -> (i32, i32) {
    %c0_i32 = arith.constant 0 : i32
    %c0_i32_0 = arith.constant 0 : i32
    return %arg0, %c0_i32 : i32, i32
  }
  func.func @transform_2(%arg0: i32) -> (i32, i32) {
    %c0_i32 = arith.constant 0 : i32
    %c0_i32_0 = arith.constant 0 : i32
    return %arg0, %c0_i32 : i32, i32
  }
  func.func @transform_3(%arg0: i32) -> (i32, i32) {
    %c0_i32 = arith.constant 0 : i32
    %c0_i32_0 = arith.constant 0 : i32
    %c0_i32_1 = arith.constant 0 : i32
    return %c0_i32, %c0_i32_0 : i32, i32
  }
  func.func @transform_4(%arg0: i32) -> (i32, i32, i32) {
    %c0_i32 = arith.constant 0 : i32
    %c0_i32_0 = arith.constant 0 : i32
    %c0_i32_1 = arith.constant 0 : i32
    return %arg0, %c0_i32, %c0_i32_0 : i32, i32, i32
  }
  func.func @transform_5(%arg0: i32) -> (i32, i32) {
    %c0_i32 = arith.constant 0 : i32
    %c0_i32_0 = arith.constant 0 : i32
    %c0_i32_1 = arith.constant 0 : i32
    return %c0_i32, %c0_i32_0 : i32, i32
  }
  func.func @transform_6(%arg0: i32) -> (i32, i32) {
    %c0_i32 = arith.constant 0 : i32
    %c0_i32_0 = arith.constant 0 : i32
    %c0_i32_1 = arith.constant 0 : i32
    return %c0_i32, %c0_i32_0 : i32, i32
  }
  func.func @transform_7(%arg0: i32) -> (i32, i32) {
    %c0_i32 = arith.constant 0 : i32
    %c0_i32_0 = arith.constant 0 : i32
    %c0_i32_1 = arith.constant 0 : i32
    return %c0_i32, %c0_i32_0 : i32, i32
  }
}

</mosaic_0001>

<sc_bundles>
// kernel: kernel.11.cloned.1.call-start
scs
__scs_entry_jumppad:
0x0: {  	(pc) =	sbr.rel $0x88, $3  }
0x1: {  	(tag) =	ssettag $0x0;
	lr =	simm.s32 $0x1  }
0x2: {  	[smem:$0x3F98] =	sst lr;
	_ =	strace $0xD0000000  }
0x3: {  	_ = 	snop  }
0x4: {  	_ = 	snop  }
0x5: {  	_ = 	snop  }
0x6: {  	_ = 	snop  }
0x7: {  	_ = 	snop  }
__scs_overlays_trampoline_lowered:
0x8: {  	[smem:$0x3FA7] =	sst s0  }
0x9: {  	[smem:$0x3FA8] =	sst s1  }
0xa: {  	[smem:$0x3FA9] =	sst s2  }
0xb: {  	[smem:$0x3FAA] =	sst s3  }
0xc: {  	[smem:$0x3FAB] =	sst s4  }
0xd: {  	[smem:$0x3FAC] =	sst s5  }
0xe: {  	[smem:$0x3FAD] =	sst s6  }
0xf: {  	[smem:$0x3FAE] =	sst s7  }
0x10: {  	[smem:$0x3FAF] =	sst s8  }
0x11: {  	[smem:$0x3FB0] =	sst s9;
	s0 =	simm.s32 @!p0 $0x0  }
0x12: {  	s1 =	sld [smem:$0x3F96];
	s0 =	simm.s32 @p0 $0x1  }
0x13: {  	[smem:$0x3FB1] =	sst s0;
	s0 =	simm.s32 @!p1 $0x0  }
0x14: {  	s2 =	sld [smem:$0x3F95];
	s0 =	simm.s32 @p1 $0x1  }
0x15: {  	[smem:$0x3FB2] =	sst s0;
	s0 =	simm.s32 @!p2 $0x0  }
0x16: {  	s3 =	sld [smem:$0x3FDB];
	s0 =	simm.s32 @p2 $0x1  }
0x17: {  	s4 =	simm.s32 $0x1BF5;
	[smem:$0x3FB4] =	sst s0  }
0x18: {  	s0 =	sld [smem:$0x3F97];
	_ =	swait.ge [sflag:s4], $0x0  }
0x19: {  	s7 =	sld [smem:$0x3F98]  }
0x1a: {  	s8 =	sadd.s32 $0xFFFFE003, lr  }
0x1b: {  	s9 =	sadd.s32 $0xFFFFFEF7, lr;
	s5 =	simm.s32 $0xFFFFFFFF;
	p2 =	slt.u32 s8, $0xFFFFF086  }
0x1c: {  	p1 =	slt.u32 s9, $0xF7A;
	s5 =	simm.s32 @!p2 $0x0  }
0x1d: {  	s5 =	simm.s32 @p1 $0x1;
	p0 =	seq.s32 s7, s2  }
0x1e: {  	s7 =	smul.u32 @!p0 $0xF7A, s2;
	p2 =	seq.s32 @!p0 s5, $0x0  }
0x1f: {  	s9 =	smul.u32 $0xF7A, s1;
	s8 =	simm.s32 @!p0 $0x1BF5;
	p2 =	por !p2, p0  }
0x20: {  	[sflag:s8] =	ssyncset.s32 @!p0 $0xFFFFF086;
	s6 =	sadd.s32 @!p0 s3, s7;
	s7 =	simm.s32 @!p0 $0x108  }
0x21: {  	s3 =	sadd.s32 s3, s9;
	s6 =	sadd.s32 @!p0 $0x88, s6;
	s7 =	simm.s32 @p2 $0x1082  }
0x22: {  	[simem:s7], [sflag:s8] =	dma.local @!p0 [hbm:s6], $0xF7A  }
0x23: {  	s9 =	sor.u32 $0xD0000000, s2;
	s6 =	simm.s32 $0x108;
	_ =	swait.ge @!p0 [sflag:s8], $0x0  }
0x24: {  	s3 =	sadd.s32 $0x88, s3;
	s6 =	simm.s32 @!p1 $0x1082;
	[sflag:s4] =	ssyncset.s32 $0xFFFFF086  }
0x25: {  	[simem:s6], [sflag:s4] =	dma.local [hbm:s3], $0xF7A  }
0x26: {  	[smem:$0x3F98] =	sst s1;
	(tag) =	ssettag s2;
	_ =	strace s9  }
0x27: {  	s1 =	sld [smem:$0x3FA8]  }
0x28: {  	s2 =	sld [smem:$0x3FA9]  }
0x29: {  	s4 =	sld [smem:$0x3FAB]  }
0x2a: {  	p0 =	seq.s32 s5, $0x0;
	s5 =	sld [smem:$0x3FAC]  }
0x2b: {  	s6 =	sld [smem:$0x3FAD]  }
0x2c: {  	s7 =	sld [smem:$0x3FAE]  }
0x2d: {  	s3 =	simm.s32 $0x108;
	s8 =	sld [smem:$0x3FAF]  }
0x2e: {  	s3 =	simm.s32 @!p0 $0x1082;
	s9 =	sld [smem:$0x3FB0]  }
0x2f: {  	lr =	sadd.s32 s0, s3;
	s0 =	sld [smem:$0x3FA7]  }
0x30: {  	s3 =	sld [smem:$0x3FAA]  }
0x31: {  	[smem:$0x3FB3] =	sst s10  }
0x32: {  	s10 =	sld [smem:$0x3FB1];
	_ =	sdelay $0x3  }
0x33: {  	p0 =	seq.s32 s10, $0x1;
	s10 =	sld [smem:$0x3FB3];
	_ =	sdelay $0x3  }
0x34: {  	[smem:$0x3FB3] =	sst s10  }
0x35: {  	s10 =	sld [smem:$0x3FB2];
	_ =	sdelay $0x3  }
0x36: {  	p1 =	seq.s32 s10, $0x1;
	s10 =	sld [smem:$0x3FB3];
	_ =	sdelay $0x3  }
0x37: {  	[smem:$0x3FB3] =	sst s10  }
0x38: {  	s10 =	sld [smem:$0x3FB4]  }
0x39: {  	_ = 	snop;
	(pc) =	sbr.ind lr, $3  }
0x3a: {  	_ = 	snop  }
0x3b: {  	_ = 	snop  }
0x3c: {  	p2 =	seq.s32 s10, $0x1;
	s10 =	sld [smem:$0x3FB3]  }
0x3d: {  	_ =	shalt  }
0x3e: {  	_ =	shalt  }
0x3f: {  	_ =	shalt  }
0x40: {  	_ =	shalt  }
0x41: {  	_ =	shalt  }
0x42: {  	_ =	shalt  }
0x43: {  	_ =	shalt  }
0x44: {  	_ =	shalt  }
0x45: {  	_ =	shalt  }
0x46: {  	_ =	shalt  }
0x47: {  	_ =	shalt  }
0x48: {  	_ =	shalt  }
0x49: {  	_ =	shalt  }
0x4a: {  	_ =	shalt  }
0x4b: {  	_ =	shalt  }
0x4c: {  	_ =	shalt  }
0x4d: {  	_ =	shalt  }
0x4e: {  	_ =	shalt  }
0x4f: {  	_ =	shalt  }
0x50: {  	_ =	shalt  }
0x51: {  	_ =	shalt  }
0x52: {  	_ =	shalt  }
0x53: {  	_ =	shalt  }
0x54: {  	_ =	shalt  }
0x55: {  	_ =	shalt  }
0x56: {  	_ =	shalt  }
0x57: {  	_ =	shalt  }
0x58: {  	_ =	shalt  }
0x59: {  	_ =	shalt  }
0x5a: {  	_ =	shalt  }
0x5b: {  	_ =	shalt  }
0x5c: {  	_ =	shalt  }
0x5d: {  	_ =	shalt  }
0x5e: {  	_ =	shalt  }
0x5f: {  	_ =	shalt  }
0x60: {  	_ =	shalt  }
0x61: {  	_ =	shalt  }
0x62: {  	_ =	shalt  }
0x63: {  	_ =	shalt  }
0x64: {  	_ =	shalt  }
0x65: {  	_ =	shalt  }
0x66: {  	_ =	shalt  }
0x67: {  	_ =	shalt  }
0x68: {  	_ =	shalt  }
0x69: {  	_ =	shalt  }
0x6a: {  	_ =	shalt  }
0x6b: {  	_ =	shalt  }
0x6c: {  	_ =	shalt  }
0x6d: {  	_ =	shalt  }
0x6e: {  	_ =	shalt  }
0x6f: {  	_ =	shalt  }
0x70: {  	_ =	shalt  }
0x71: {  	_ =	shalt  }
0x72: {  	_ =	shalt  }
0x73: {  	_ =	shalt  }
0x74: {  	_ =	shalt  }
0x75: {  	_ =	shalt  }
0x76: {  	_ =	shalt  }
0x77: {  	_ =	shalt  }
0x78: {  	_ =	shalt  }
0x79: {  	_ =	shalt  }
0x7a: {  	_ =	shalt  }
0x7b: {  	_ =	shalt  }
0x7c: {  	_ =	shalt  }
0x7d: {  	_ =	shalt  }
0x7e: {  	_ =	shalt  }
0x7f: {  	_ =	shalt  }
0x80: {  	_ =	shalt  }
0x81: {  	_ =	shalt  }
0x82: {  	_ =	shalt  }
0x83: {  	_ =	shalt  }
0x84: {  	_ =	shalt  }
0x85: {  	_ =	shalt  }
0x86: {  	_ =	shalt  }
0x87: {  	_ =	shalt  }
.Lfunc_end0:
.L_simem_size_0:
called_computation.1_lowered:
.L_overlay_start_0:
0x88: {  	s2 =	sld [smem:$0x3FD9]  }
0x89: {  	s3 =	sld [smem:$0x3FFE];
	_ =	sdelay $0x1  }
0x8a: {  	s1 =	srdreg.scid  }
0x8b: {  	s0 =	sand.u32 $0x1, s1  }
0x8c: {  	s16 =	sshll.u32 s0, $0xA;
	s2 =	sadd.s32 s3, s2  }
0x8d: {  	s2 =	sadd.s32 s2, s16  }
0x8e: {  	[smem:$0x3FBF] =	sst s2  }
0x8f: {  	_ = 	snop  }
0x90: {  	(tm) =	ssettm $0x1  }
0x91: {  	s17 =	sld [smem:$0x3FFB];
	_ =	sdelay $0x3  }
0x92: {  	_ =	strace s17  }
0x93: {  	s2 =	sld [smem:$0x3FFC];
	_ =	sdelay $0x3  }
0x94: {  	_ =	strace s2  }
0x95: {  	s2 =	sld [smem:$0x3FFD];
	_ =	sdelay $0x3  }
0x96: {  	_ =	strace s2  }
0x97: {  	_ =	strace $0x8FFFFFFF  }
0x98: {  	s18 =	sld [smem:$0x3FDB];
	_ =	sdelay $0x1  }
0x99: {  	s19 =	simm.s32 $_scs_section_size  }
0x9a: {  	s4 =	simm.s32 $_size__tile_overlayer_lowered;
	s5 =	simm.s32 $_tile_overlayer_lowered  }
0x9b: {  	s22 =	simm.s32 $0x1BFF;
	s21 =	sshll.u32 s5, $0x1;
	s2 =	sadd.s32 s19, s18  }
0x9c: {  	s6 =	simm.s32 $0x0;
	s20 =	sshll.u32 s4, $0x1;
	s4 =	sadd.s32 s21, s2  }
0x9d: {  	[timem:s6], [sflag:s22] =	dma.local [hbm:s4], s20  }
0x9e: {  	_ =	swait.ge [sflag:s22], s20  }
0x9f: {  	s3 =	ssub.s32 $0x0, s20;
	[sflag:s22] =	ssyncset.done $0x0  }
0xa0: {  	[sflag:s22] =	ssyncadd.s32 s3;
	_ =	sdelay $0x1  }
0xa1: {  	s23 =	simm.s32 $0x1B8B  }
0xa2: {  	_ =	swait.ge [sflag:s23], $0x1  }
0xa3: {  	[sflag:s23] =	ssyncset.done $0x0  }
0xa4: {  	s25 =	simm.s32 $0x1B8E;
	s24 =	sld [smem:$0x3FFE];
	[sflag:s23] =	ssyncadd.s32 $0xFFFFFFFF  }
0xa5: {  	s26 =	simm.s32 $execute0_lowered;
	[smem:$0x3FD2] =	sst s25  }
0xa6: {  	s4 =	sshll.u32 s26, $0x1;
	_ =	strace $0x80000049;
	[dreg:$0x1] =	wrdreg $0xFFFFFFFF  }
0xa7: {  	s28 =	simm.s32 $_size_execute0_lowered;
	s2 =	sadd.s32 s2, s4;
	[dreg:$0x0] =	wrdreg $0x0  }
0xa8: {  	s4 =	sshll.u32 s28, $0x1;
	[dreg:$0x2] =	wrdreg s2  }
0xa9: {  	[dreg:$0x3] =	wrdreg s4  }
0xaa: {  	[dreg:$0x4] =	wrdreg $0xC0  }
0xab: {  	_ =	task [dreg:s6], $0x5FFFF  }
0xac: {  	[dreg:$0x1] =	wrdreg $0xFFFFFFFF  }
0xad: {  	[dreg:$0x0] =	wrdreg $0x60  }
0xae: {  	[dreg:$0x2] =	wrdreg s24  }
0xaf: {  	[dreg:$0x3] =	wrdreg $0x0  }
0xb0: {  	[dreg:$0x4] =	wrdreg $0x9  }
0xb1: {  	_ =	task.clear_ibuf [dreg:s6], $0x5FFFF;
	_ =	strace $0x90000049  }
0xb2: {  	s29 =	simm.s32 $0x9;
	_ =	strace $0x8000004B  }
0xb3: {  	_ =	swait.ge [sflag:s29], $0x1  }
0xb4: {  	[sflag:s29] =	ssyncadd.s32 $0xFFFFFFFF  }
0xb5: {  	_ =	strace $0x9000004B  }
0xb6: {  	_ =	sfence  }
0xb7: {  	s30 =	sld [smem:$0x0];
	_ =	sdelay $0x2  }
0xb8: {  	s31 =	sshll.u32 s1, $0xD;
	s1 =	sshrl.u32 s1, $0x2  }
0xb9: {  	s3 =	sand.u32 $0x4000, s31;
	s1 =	sadd.s32 s1, s30  }
0xba: {  	s0 =	sor.u32 s3, s0;
	s1 =	sshll.u32 s1, $0x11  }
0xbb: {  	s0 =	sor.u32 s1, s0  }
0xbc: {  	s0 =	sadd.s32 $0x8F2B, s0  }
0xbd: {  	[sflag:s0] =	ssyncadd.remote.s32 $0x1  }
0xbe: {  	_ =	sfence.sel $0xFFFF  }
0xbf: {  	[dreg:$0x0] =	wrdreg $0xFFFFFFFF;
	(pc) =	sbr.abs _section_cstart, $3  }
0xc0: {  	[dreg:$0x1] =	wrdreg $0xFFFFFFFF  }
0xc1: {  	_ =	task.clear_ibuf [dreg:s6], $0x2FFFF;
	_ =	strace $0x9FFFFFFF  }
0xc2: {  	(tm) =	ssettm $0x7FFFFFFF  }
0xc3: {  	_ =	shalt  }
tec
execute0_lowered:
.L_overlay_start_1:
0x0: {  	(tag) =	ssettag $0x1  }
0x1: {  	s0 =	rddreg [dreg:$0x0]  }
0x2: {  	s2 =	rddreg [dreg:$0x1]  }
0x3: {  	s18 =	simm.s32 $0x0;
	s13 =	stileid.u32;
	s1 =	srdreg.scid  }
0x4: {  	s14 =	simm.s32 $0x9;
	s15 =	simm.s32 $0x15000;
	s16 =	simm.s32 $0x40  }
0x5: {  	s17 =	simm.s32 $0x16400;
	s19 =	simm.s32 $0x18400;
	s21 =	simm.s32 $0x1A400  }
0x6: {  	s23 =	simm.s32 $0x1C400;
	s28 =	simm.s32 $0x4;
	s29 =	simm.s32 $0x5  }
0x7: {  	s30 =	simm.s32 $0x6;
	s31 =	simm.s32 $0x7;
	[smem:$0x7FF] =	sst s18  }
0x8: {  	s3 =	smul.u32 $0x15000, s13;
	s1 =	sand.u32 $0x1, s1;
	s4 =	sadd.s32 $0x16800, s0  }
0x9: {  	s5 =	sadd.s32 $0x2A00, s0;
	s6 =	sadd.s32 $0x16400, s0;
	s10 =	smul.u32 $0xA0, s13  }
0xa: {  	s24 =	sshll.u32 s13, $0x6;
	_ =	strace $0x8000004A;
	s7 =	smul.u32 $0x150000, s1  }
0xb: {  	s9 =	smul.u32 $0xA00, s1;
	s1 =	ssub.s32 $0x2, s1;
	s8 =	sshrl.u32 s3, $0x3  }
0xc: {  	s11 =	sshrl.u32 s1, $0x1;
	s7 =	sadd.s32 s3, s7;
	s8 =	sadd.s32 s8, s0  }
0xd: {  	s1 =	ssub.s32 s1, s11;
	s3 =	sadd.s32 s3, s2;
	s11 =	simm.s32 $0x16380  }
0xe: {  	s7 =	sshrl.u32 s7, $0x3;
	s8 =	sadd.s32 $0x40800, s8;
	s26 =	smax.u32 s1, $0x1  }
0xf: {  	s13 =	sshrl.u32 s3, $0x3;
	s1 =	simm.s32 $0x16300;
	s12 =	sadd.s32 s7, s0  }
0x10: {  	s7 =	sadd.s32 s10, s9;
	[dreg:$0x4] =	wrdreg s8;
	s9 =	sor.u32 $0x1C09, s24  }
0x11: {  	s10 =	sadd.s32 $0xC640, s0;
	[dreg:$0x7] =	wrdreg s26;
	s24 =	simm.s32 $0x1  }
0x12: {  	s26 =	simm.s32 $0x3;
	s0 =	simm.s32 $0x8;
	[dreg:$0x8] =	wrdreg s13  }
0x13: {  	s8 =	simm.s32 $0x16340;
	s25 =	sadd.s32 $0x6A800, s12;
	[dreg:$0x5] =	wrdreg s9  }
0x14: {  	s12 =	simm.s32 $0x163C0;
	[dreg:$0x6] =	wrdreg s25;
	s25 =	simm.s32 $0x2  }
.LBB2_1:
0x15: {  	[dreg:$0x3] =	wrdreg s18  }
0x16: {  	s3 =	rddreg [dreg:$0x4]  }
0x17: {  	[spmem:s13], [sflag:s9] =	dma.local [hbm:s3], $0x2A00  }
0x18: {  	_ =	swait.ge [sflag:s14], $0x2A00  }
0x19: {  	[sflag:s14] =	ssyncset.done $0x0  }
0x1a: {  	[sflag:s14] =	ssyncadd.s32 $0xFFFFD600  }
0x1b: {  	s9 =	simm.s32 $0x0;
	[bflag:$0x0] =	sbarrier.arrive $0xFFFF  }
.LBB2_2:
0x1c: {  	s3 =	smul.u32 $0x28, s9;
	_ =	sdelay $0x1  }
0x1d: {  	s3 =	sadd.s32 s3, s7  }
0x1e: {  	p0 =	sgt.u32 s3, $0x1387  }
0x1f: {  	s13 =	sshll.u32 @p0 s3, $0x6  }
0x20: {  	s13 =	sadd.s32 @p0 $0xFFFB1E00, s13  }
0x21: {  	s13 =	sshrl.u32 @p0 s13, $0x3  }
0x22: {  	s18 =	simm.s32 @p0 $0x0;
	s20 =	simm.s32 @p0 $0x15A00;
	s13 =	sadd.s32 @p0 s6, s13  }
0x23: {  	[tilespmem:s20], [sflag:$0x9] =	stream.linear.gather @p0 [hbm4b:s13+s18], $0xA00, $0x38;
	[tilespmem:$0x1E400] =	vst v63  }
0x24: {  	s18 =	simm.s32 @p0 $0x9  }
0x25: {  	_ =	swait.ge @p0 [sflag:s18], $0xA00  }
0x26: {  	s3 =	sshll.u32 @!p0 s3, $0x3;
	s22 =	simm.s32 @!p0 $0x15A00;
	[sflag:s18] =	ssyncset.done @p0 $0x0  }
0x27: {  	s20 =	simm.s32 @!p0 $0x0;
	[sflag:s18] =	ssyncadd.s32 @p0 $0xFFFFF600;
	s18 =	sadd.s32 @!p0 s3, s10  }
0x28: {  	[tilespmem:s22], [sflag:$0x9] =	stream.linear.gather @!p0 [hbm4b:s18+s20], $0xA00, $0x38;
	[tilespmem:$0x1E400] =	vst v63  }
0x29: {  	s18 =	simm.s32 @!p0 $0x9  }
0x2a: {  	_ =	swait.ge @!p0 [sflag:s18], $0xA00  }
0x2b: {  	s3 =	sadd.s32 @!p0 s5, s3;
	[sflag:s18] =	ssyncset.done @!p0 $0x0  }
0x2c: {  	s3 =	smov.u32 @p0 s13;
	[sflag:s18] =	ssyncadd.s32 @!p0 $0xFFFFF600;
	s18 =	simm.s32 $0x0  }
0x2d: {  	[tilespmem:s15], [sflag:$0x9] =	stream.linear.gather [hbm4b:s3+s18], $0xA00, $0x38;
	[tilespmem:$0x1E400] =	vst v63  }
0x2e: {  	_ =	swait.ge [sflag:s14], $0xA00  }
0x2f: {  	[sflag:s14] =	ssyncset.done $0x0  }
0x30: {  	[sflag:s14] =	ssyncadd.s32 $0xFFFFF600  }
0x31: {  	[tilespmem:s17], [sflag:$0x1] =	stream.indirect.gather [hbm4b:s4+s16], $0x80, s15, s16, $0xb8;
	[tilespmem:$0x1E400] =	vst v63  }
0x32: {  	s20 =	simm.s32 $0x15040  }
0x33: {  	[tilespmem:s19], [sflag:$0x2] =	stream.indirect.gather [hbm4b:s4+s16], $0x80, s20, s16, $0xb8;
	[tilespmem:$0x1E400] =	vst v63  }
0x34: {  	s22 =	simm.s32 $0x15080  }
0x35: {  	[tilespmem:s21], [sflag:$0x3] =	stream.indirect.gather [hbm4b:s4+s16], $0x80, s22, s16, $0xb8;
	[tilespmem:$0x1E400] =	vst v63  }
0x36: {  	s13 =	simm.s32 $0x150C0  }
0x37: {  	[tilespmem:s23], [sflag:$0x4] =	stream.indirect.gather [hbm4b:s4+s16], $0x80, s13, s16, $0xb8;
	[tilespmem:$0x1E400] =	vst v63  }
0x38: {  	_ =	swait.ge [sflag:s24], $0x2000  }
0x39: {  	[sflag:s24] =	ssyncset.done $0x0  }
0x3a: {  	s18 =	simm.s32 $0x15A00;
	[sflag:s24] =	ssyncadd.s32 $0xFFFFE000  }
0x3b: {  	[spmem:s2] =	stream.indirect.scatter.add.f32 [tilespmem:s17], [sflag:$0x5], $0x80, s18, s16, $0xb8;
	[tilespmem:$0x1E400] =	vst v63  }
0x3c: {  	_ =	swait.ge [sflag:s25], $0x2000  }
0x3d: {  	[sflag:s25] =	ssyncset.done $0x0  }
0x3e: {  	s20 =	simm.s32 $0x15A40;
	[sflag:s25] =	ssyncadd.s32 $0xFFFFE000  }
0x3f: {  	[spmem:s2] =	stream.indirect.scatter.add.f32 [tilespmem:s19], [sflag:$0x6], $0x80, s20, s16, $0xb8;
	[tilespmem:$0x1E400] =	vst v63  }
0x40: {  	_ =	swait.ge [sflag:s26], $0x2000  }
0x41: {  	[sflag:s26] =	ssyncset.done $0x0  }
0x42: {  	s22 =	simm.s32 $0x15A80;
	[sflag:s26] =	ssyncadd.s32 $0xFFFFE000  }
0x43: {  	[spmem:s2] =	stream.indirect.scatter.add.f32 [tilespmem:s21], [sflag:$0x7], $0x80, s22, s16, $0xb8;
	[tilespmem:$0x1E400] =	vst v63  }
0x44: {  	_ =	swait.ge [sflag:s28], $0x2000  }
0x45: {  	[sflag:s28] =	ssyncset.done $0x0  }
0x46: {  	s13 =	simm.s32 $0x15AC0;
	[sflag:s28] =	ssyncadd.s32 $0xFFFFE000  }
0x47: {  	[spmem:s2] =	stream.indirect.scatter.add.f32 [tilespmem:s23], [sflag:$0x8], $0x80, s13, s16, $0xb8;
	[tilespmem:$0x1E400] =	vst v63  }
0x48: {  	_ =	swait.ge [sflag:s29], $0x2000  }
0x49: {  	[sflag:s29] =	ssyncset.done $0x0  }
0x4a: {  	s18 =	simm.s32 $0x15100;
	[sflag:s29] =	ssyncadd.s32 $0xFFFFE000  }
0x4b: {  	[tilespmem:s17], [sflag:$0x1] =	stream.indirect.gather [hbm4b:s4+s16], $0x80, s18, s16, $0xb8;
	[tilespmem:$0x1E400] =	vst v63  }
0x4c: {  	_ =	swait.ge [sflag:s30], $0x2000  }
0x4d: {  	[sflag:s30] =	ssyncset.done $0x0  }
0x4e: {  	s20 =	simm.s32 $0x15140;
	[sflag:s30] =	ssyncadd.s32 $0xFFFFE000  }
0x4f: {  	[tilespmem:s19], [sflag:$0x2] =	stream.indirect.gather [hbm4b:s4+s16], $0x80, s20, s16, $0xb8;
	[tilespmem:$0x1E400] =	vst v63  }
0x50: {  	_ =	swait.ge [sflag:s31], $0x2000  }
0x51: {  	[sflag:s31] =	ssyncset.done $0x0  }
0x52: {  	s22 =	simm.s32 $0x15180;
	[sflag:s31] =	ssyncadd.s32 $0xFFFFE000  }
0x53: {  	[tilespmem:s21], [sflag:$0x3] =	stream.indirect.gather [hbm4b:s4+s16], $0x80, s22, s16, $0xb8;
	[tilespmem:$0x1E400] =	vst v63  }
0x54: {  	_ =	swait.ge [sflag:s0], $0x2000  }
0x55: {  	[sflag:s0] =	ssyncset.done $0x0  }
0x56: {  	s3 =	simm.s32 $0x151C0;
	s13 =	simm.s32 $0x400;
	[sflag:s0] =	ssyncadd.s32 $0xFFFFE000  }
.LBB2_3:
0x57: {  	[tilespmem:s23], [sflag:$0x4] =	stream.indirect.gather [hbm4b:s4+s16], $0x80, s3, s16, $0xb8;
	[tilespmem:$0x1E400] =	vst v63  }
0x58: {  	s3 =	smov.u32 s13  }
0x59: {  	p0 =	sne.s32 s13, $0x2000;
	s13 =	sadd.s32 $0x400, s13;
	_ =	swait.ge [sflag:s24], $0x2000  }
0x5a: {  	s3 =	sshra.s32 s3, $0x2;
	[sflag:s24] =	ssyncset.done $0x0  }
0x5b: {  	s18 =	sadd.s32 $0x15A00, s3;
	[sflag:s24] =	ssyncadd.s32 $0xFFFFE000  }
0x5c: {  	[spmem:s2] =	stream.indirect.scatter.add.f32 [tilespmem:s17], [sflag:$0x5], $0x80, s18, s16, $0xb8;
	[tilespmem:$0x1E400] =	vst v63  }
0x5d: {  	_ =	swait.ge [sflag:s25], $0x2000  }
0x5e: {  	[sflag:s25] =	ssyncset.done $0x0  }
0x5f: {  	s18 =	sadd.s32 $0x15A40, s3;
	[sflag:s25] =	ssyncadd.s32 $0xFFFFE000  }
0x60: {  	[spmem:s2] =	stream.indirect.scatter.add.f32 [tilespmem:s19], [sflag:$0x6], $0x80, s18, s16, $0xb8;
	[tilespmem:$0x1E400] =	vst v63  }
0x61: {  	_ =	swait.ge [sflag:s26], $0x2000  }
0x62: {  	[sflag:s26] =	ssyncset.done $0x0  }
0x63: {  	s18 =	sadd.s32 $0x15A80, s3;
	[sflag:s26] =	ssyncadd.s32 $0xFFFFE000  }
0x64: {  	[spmem:s2] =	stream.indirect.scatter.add.f32 [tilespmem:s21], [sflag:$0x7], $0x80, s18, s16, $0xb8;
	[tilespmem:$0x1E400] =	vst v63  }
0x65: {  	_ =	swait.ge [sflag:s28], $0x2000  }
0x66: {  	[sflag:s28] =	ssyncset.done $0x0  }
0x67: {  	s18 =	sadd.s32 $0x15AC0, s3;
	[sflag:s28] =	ssyncadd.s32 $0xFFFFE000  }
0x68: {  	[spmem:s2] =	stream.indirect.scatter.add.f32 [tilespmem:s23], [sflag:$0x8], $0x80, s18, s16, $0xb8;
	[tilespmem:$0x1E400] =	vst v63  }
0x69: {  	_ =	swait.ge [sflag:s29], $0x2000  }
0x6a: {  	[sflag:s29] =	ssyncset.done $0x0  }
0x6b: {  	s18 =	sadd.s32 $0x15100, s3;
	[sflag:s29] =	ssyncadd.s32 $0xFFFFE000  }
0x6c: {  	[tilespmem:s17], [sflag:$0x1] =	stream.indirect.gather [hbm4b:s4+s16], $0x80, s18, s16, $0xb8;
	[tilespmem:$0x1E400] =	vst v63  }
0x6d: {  	_ =	swait.ge [sflag:s30], $0x2000  }
0x6e: {  	[sflag:s30] =	ssyncset.done $0x0  }
0x6f: {  	s18 =	sadd.s32 $0x15140, s3;
	[sflag:s30] =	ssyncadd.s32 $0xFFFFE000  }
0x70: {  	[tilespmem:s19], [sflag:$0x2] =	stream.indirect.gather [hbm4b:s4+s16], $0x80, s18, s16, $0xb8;
	[tilespmem:$0x1E400] =	vst v63  }
0x71: {  	_ =	swait.ge [sflag:s31], $0x2000  }
0x72: {  	[sflag:s31] =	ssyncset.done $0x0  }
.Ltmp0:
0x73: {  	s18 =	sadd.s32 $0x15180, s3;
	[sflag:s31] =	ssyncadd.s32 $0xFFFFE000;
	(pc) =	sbr.rel @p0 .LBB2_3-.Ltmp0, $4  }
0x74: {  	[tilespmem:s21], [sflag:$0x3] =	stream.indirect.gather [hbm4b:s4+s16], $0x80, s18, s16, $0xb8;
	[tilespmem:$0x1E400] =	vst v63  }
0x75: {  	_ =	swait.ge [sflag:s0], $0x2000  }
0x76: {  	[sflag:s0] =	ssyncset.done $0x0  }
0x77: {  	s3 =	sadd.s32 $0x151C0, s3;
	[sflag:s0] =	ssyncadd.s32 $0xFFFFE000  }
0x78: {  	[tilespmem:s23], [sflag:$0x4] =	stream.indirect.gather [hbm4b:s4+s16], $0x80, s3, s16, $0xb8;
	[tilespmem:$0x1E400] =	vst v63  }
0x79: {  	_ =	swait.ge [sflag:s24], $0x2000  }
0x7a: {  	[sflag:s24] =	ssyncset.done $0x0  }
0x7b: {  	[sflag:s24] =	ssyncadd.s32 $0xFFFFE000  }
0x7c: {  	[spmem:s2] =	stream.indirect.scatter.add.f32 [tilespmem:s17], [sflag:$0x9], $0x80, s1, s16, $0xb8;
	[tilespmem:$0x1E400] =	vst v63  }
0x7d: {  	_ =	swait.ge [sflag:s14], $0x2000  }
0x7e: {  	[sflag:s14] =	ssyncset.done $0x0  }
0x7f: {  	[sflag:s14] =	ssyncadd.s32 $0xFFFFE000  }
0x80: {  	_ =	swait.ge [sflag:s25], $0x2000  }
0x81: {  	[sflag:s25] =	ssyncset.done $0x0  }
0x82: {  	[sflag:s25] =	ssyncadd.s32 $0xFFFFE000  }
0x83: {  	[spmem:s2] =	stream.indirect.scatter.add.f32 [tilespmem:s19], [sflag:$0x9], $0x80, s8, s16, $0xb8;
	[tilespmem:$0x1E400] =	vst v63  }
0x84: {  	_ =	swait.ge [sflag:s14], $0x2000  }
0x85: {  	[sflag:s14] =	ssyncset.done $0x0  }
0x86: {  	[sflag:s14] =	ssyncadd.s32 $0xFFFFE000  }
0x87: {  	_ =	swait.ge [sflag:s26], $0x2000  }
0x88: {  	[sflag:s26] =	ssyncset.done $0x0  }
0x89: {  	[sflag:s26] =	ssyncadd.s32 $0xFFFFE000  }
0x8a: {  	[spmem:s2] =	stream.indirect.scatter.add.f32 [tilespmem:s21], [sflag:$0x9], $0x80, s11, s16, $0xb8;
	[tilespmem:$0x1E400] =	vst v63  }
0x8b: {  	_ =	swait.ge [sflag:s14], $0x2000  }
0x8c: {  	[sflag:s14] =	ssyncset.done $0x0  }
0x8d: {  	[sflag:s14] =	ssyncadd.s32 $0xFFFFE000  }
0x8e: {  	s9 =	sadd.s32 $0x1, s9;
	_ =	swait.ge [sflag:s28], $0x2000  }
0x8f: {  	p0 =	sne.s32 s9, $0x4;
	[sflag:s28] =	ssyncset.done $0x0  }
.Ltmp1:
0x90: {  	[sflag:s28] =	ssyncadd.s32 $0xFFFFE000;
	(pc) =	sbr.rel @p0 .LBB2_2-.Ltmp1, $4  }
0x91: {  	[spmem:s2] =	stream.indirect.scatter.add.f32 [tilespmem:s23], [sflag:$0x9], $0x80, s12, s16, $0xb8;
	[tilespmem:$0x1E400] =	vst v63  }
0x92: {  	_ =	swait.ge [sflag:s14], $0x2000  }
0x93: {  	[sflag:s14] =	ssyncset.done $0x0  }
0x94: {  	[sflag:s14] =	ssyncadd.s32 $0xFFFFE000  }
0x95: {  	[bflag:$0x0] =	sbarrier.arrive $0xFFFF  }
0x96: {  	s9 =	rddreg [dreg:$0x5]  }
0x97: {  	s3 =	rddreg [dreg:$0x6]  }
0x98: {  	s13 =	rddreg [dreg:$0x8]  }
0x99: {  	[hbm:s3], [sflag:s9] =	dma.local [spmem:s13], $0x2A00  }
0x9a: {  	_ =	swait.ge [sflag:s14], $0x2A00  }
0x9b: {  	s18 =	rddreg [dreg:$0x3]  }
0x9c: {  	s22 =	rddreg [dreg:$0x7];
	s18 =	sadd.s32 $0x1, s18  }
0x9d: {  	p0 =	sne.s32 s18, s22  }
.Ltmp2:
0x9e: {  	_ = 	snop;
	(pc) =	sbr.rel @p0 .LBB2_1-.Ltmp2, $3  }
0x9f: {  	_ =	sdelay $0x1  }
0xa0: {  	[sflag:s14] =	ssyncset.done $0x0  }
0xa1: {  	[sflag:s14] =	ssyncadd.s32 $0xFFFFD600  }
0xa2: {  	_ =	sfence.sel $0x180000  }
0xa3: {  	[bflag:$0x0] =	sbarrier.arrive $0xFFFF  }
0xa4: {  	_ =	strace $0x9000004A  }
0xa5: {  	s0 =	stileid.u32;
	[bflag:$0x2] =	sbarrier.arrive $0xFFFF  }
0xa6: {  	p0 =	sne.s32 s0, $0x0;
	s0 =	rddreg [dreg:$0x2]  }
0xa7: {  	s0 =	sadd.s32 @!p0 $0x100000, s0  }
0xa8: {  	[sflag:s0] =	ssyncadd.tile.s32 @!p0 $0x1;
	_ =	shalt  }
.Lfunc_end2:
_tile_overlayer_lowered:
.L_overlay_start_2:
0xa9: {  	(tag) =	ssettag $0x2  }
0xaa: {  	s0 =	rddreg [dreg:$0x0];
	s2 =	stileid.u32  }
0xab: {  	s1 =	rddreg [dreg:$0x1];
	p0 =	sne.s32 s2, $0x0  }
0xac: {  	s3 =	rddreg [dreg:$0x2];
	[bflag:$0x3] =	sbarrier.arrive $0xFFFF;
	s2 =	simm.s32 @!p0 $0x1C09  }
0xad: {  	[timem:s3], [sflag:s2] =	dma.local @!p0 [hbm:s0], s1  }
0xae: {  	s0 =	simm.s32 @!p0 $0x9  }
0xaf: {  	_ =	swait.ge @!p0 [sflag:s0], s1  }
0xb0: {  	s1 =	ssub.s32 @!p0 $0x0, s1;
	[sflag:s0] =	ssyncset.done @!p0 $0x0  }
0xb1: {  	[sflag:s0] =	ssyncadd.s32 @!p0 s1  }
0xb2: {  	[bflag:$0x3] =	sbarrier.arrive $0xFFFF  }
0xb3: {  	_ =	shalt  }

// kernel: kernel.14.cloned.1.call-start
scs
__scs_entry_jumppad:
0x0: {  	(pc) =	sbr.rel $0x88, $3  }
0x1: {  	(tag) =	ssettag $0x0;
	lr =	simm.s32 $0x1  }
0x2: {  	[smem:$0x3F98] =	sst lr;
	_ =	strace $0xD0000000  }
0x3: {  	_ = 	snop  }
0x4: {  	_ = 	snop  }
0x5: {  	_ = 	snop  }
0x6: {  	_ = 	snop  }
0x7: {  	_ = 	snop  }
__scs_overlays_trampoline_lowered:
0x8: {  	[smem:$0x3FA7] =	sst s0  }
0x9: {  	[smem:$0x3FA8] =	sst s1  }
0xa: {  	[smem:$0x3FA9] =	sst s2  }
0xb: {  	[smem:$0x3FAA] =	sst s3  }
0xc: {  	[smem:$0x3FAB] =	sst s4  }
0xd: {  	[smem:$0x3FAC] =	sst s5  }
0xe: {  	[smem:$0x3FAD] =	sst s6  }
0xf: {  	[smem:$0x3FAE] =	sst s7  }
0x10: {  	[smem:$0x3FAF] =	sst s8  }
0x11: {  	[smem:$0x3FB0] =	sst s9;
	s0 =	simm.s32 @!p0 $0x0  }
0x12: {  	s1 =	sld [smem:$0x3F96];
	s0 =	simm.s32 @p0 $0x1  }
0x13: {  	[smem:$0x3FB1] =	sst s0;
	s0 =	simm.s32 @!p1 $0x0  }
0x14: {  	s2 =	sld [smem:$0x3F95];
	s0 =	simm.s32 @p1 $0x1  }
0x15: {  	[smem:$0x3FB2] =	sst s0;
	s0 =	simm.s32 @!p2 $0x0  }
0x16: {  	s3 =	sld [smem:$0x3FDB];
	s0 =	simm.s32 @p2 $0x1  }
0x17: {  	s4 =	simm.s32 $0x1BF5;
	[smem:$0x3FB4] =	sst s0  }
0x18: {  	s0 =	sld [smem:$0x3F97];
	_ =	swait.ge [sflag:s4], $0x0  }
0x19: {  	s7 =	sld [smem:$0x3F98]  }
0x1a: {  	s8 =	sadd.s32 $0xFFFFE003, lr  }
0x1b: {  	s9 =	sadd.s32 $0xFFFFFEF7, lr;
	s5 =	simm.s32 $0xFFFFFFFF;
	p2 =	slt.u32 s8, $0xFFFFF086  }
0x1c: {  	p1 =	slt.u32 s9, $0xF7A;
	s5 =	simm.s32 @!p2 $0x0  }
0x1d: {  	s5 =	simm.s32 @p1 $0x1;
	p0 =	seq.s32 s7, s2  }
0x1e: {  	s7 =	smul.u32 @!p0 $0xF7A, s2;
	p2 =	seq.s32 @!p0 s5, $0x0  }
0x1f: {  	s9 =	smul.u32 $0xF7A, s1;
	s8 =	simm.s32 @!p0 $0x1BF5;
	p2 =	por !p2, p0  }
0x20: {  	[sflag:s8] =	ssyncset.s32 @!p0 $0xFFFFF086;
	s6 =	sadd.s32 @!p0 s3, s7;
	s7 =	simm.s32 @!p0 $0x108  }
0x21: {  	s3 =	sadd.s32 s3, s9;
	s6 =	sadd.s32 @!p0 $0x88, s6;
	s7 =	simm.s32 @p2 $0x1082  }
0x22: {  	[simem:s7], [sflag:s8] =	dma.local @!p0 [hbm:s6], $0xF7A  }
0x23: {  	s9 =	sor.u32 $0xD0000000, s2;
	s6 =	simm.s32 $0x108;
	_ =	swait.ge @!p0 [sflag:s8], $0x0  }
0x24: {  	s3 =	sadd.s32 $0x88, s3;
	s6 =	simm.s32 @!p1 $0x1082;
	[sflag:s4] =	ssyncset.s32 $0xFFFFF086  }
0x25: {  	[simem:s6], [sflag:s4] =	dma.local [hbm:s3], $0xF7A  }
0x26: {  	[smem:$0x3F98] =	sst s1;
	(tag) =	ssettag s2;
	_ =	strace s9  }
0x27: {  	s1 =	sld [smem:$0x3FA8]  }
0x28: {  	s2 =	sld [smem:$0x3FA9]  }
0x29: {  	s4 =	sld [smem:$0x3FAB]  }
0x2a: {  	p0 =	seq.s32 s5, $0x0;
	s5 =	sld [smem:$0x3FAC]  }
0x2b: {  	s6 =	sld [smem:$0x3FAD]  }
0x2c: {  	s7 =	sld [smem:$0x3FAE]  }
0x2d: {  	s3 =	simm.s32 $0x108;
	s8 =	sld [smem:$0x3FAF]  }
0x2e: {  	s3 =	simm.s32 @!p0 $0x1082;
	s9 =	sld [smem:$0x3FB0]  }
0x2f: {  	lr =	sadd.s32 s0, s3;
	s0 =	sld [smem:$0x3FA7]  }
0x30: {  	s3 =	sld [smem:$0x3FAA]  }
0x31: {  	[smem:$0x3FB3] =	sst s10  }
0x32: {  	s10 =	sld [smem:$0x3FB1];
	_ =	sdelay $0x3  }
0x33: {  	p0 =	seq.s32 s10, $0x1;
	s10 =	sld [smem:$0x3FB3];
	_ =	sdelay $0x3  }
0x34: {  	[smem:$0x3FB3] =	sst s10  }
0x35: {  	s10 =	sld [smem:$0x3FB2];
	_ =	sdelay $0x3  }
0x36: {  	p1 =	seq.s32 s10, $0x1;
	s10 =	sld [smem:$0x3FB3];
	_ =	sdelay $0x3  }
0x37: {  	[smem:$0x3FB3] =	sst s10  }
0x38: {  	s10 =	sld [smem:$0x3FB4]  }
0x39: {  	_ = 	snop;
	(pc) =	sbr.ind lr, $3  }
0x3a: {  	_ = 	snop  }
0x3b: {  	_ = 	snop  }
0x3c: {  	p2 =	seq.s32 s10, $0x1;
	s10 =	sld [smem:$0x3FB3]  }
0x3d: {  	_ =	shalt  }
0x3e: {  	_ =	shalt  }
0x3f: {  	_ =	shalt  }
0x40: {  	_ =	shalt  }
0x41: {  	_ =	shalt  }
0x42: {  	_ =	shalt  }
0x43: {  	_ =	shalt  }
0x44: {  	_ =	shalt  }
0x45: {  	_ =	shalt  }
0x46: {  	_ =	shalt  }
0x47: {  	_ =	shalt  }
0x48: {  	_ =	shalt  }
0x49: {  	_ =	shalt  }
0x4a: {  	_ =	shalt  }
0x4b: {  	_ =	shalt  }
0x4c: {  	_ =	shalt  }
0x4d: {  	_ =	shalt  }
0x4e: {  	_ =	shalt  }
0x4f: {  	_ =	shalt  }
0x50: {  	_ =	shalt  }
0x51: {  	_ =	shalt  }
0x52: {  	_ =	shalt  }
0x53: {  	_ =	shalt  }
0x54: {  	_ =	shalt  }
0x55: {  	_ =	shalt  }
0x56: {  	_ =	shalt  }
0x57: {  	_ =	shalt  }
0x58: {  	_ =	shalt  }
0x59: {  	_ =	shalt  }
0x5a: {  	_ =	shalt  }
0x5b: {  	_ =	shalt  }
0x5c: {  	_ =	shalt  }
0x5d: {  	_ =	shalt  }
0x5e: {  	_ =	shalt  }
0x5f: {  	_ =	shalt  }
0x60: {  	_ =	shalt  }
0x61: {  	_ =	shalt  }
0x62: {  	_ =	shalt  }
0x63: {  	_ =	shalt  }
0x64: {  	_ =	shalt  }
0x65: {  	_ =	shalt  }
0x66: {  	_ =	shalt  }
0x67: {  	_ =	shalt  }
0x68: {  	_ =	shalt  }
0x69: {  	_ =	shalt  }
0x6a: {  	_ =	shalt  }
0x6b: {  	_ =	shalt  }
0x6c: {  	_ =	shalt  }
0x6d: {  	_ =	shalt  }
0x6e: {  	_ =	shalt  }
0x6f: {  	_ =	shalt  }
0x70: {  	_ =	shalt  }
0x71: {  	_ =	shalt  }
0x72: {  	_ =	shalt  }
0x73: {  	_ =	shalt  }
0x74: {  	_ =	shalt  }
0x75: {  	_ =	shalt  }
0x76: {  	_ =	shalt  }
0x77: {  	_ =	shalt  }
0x78: {  	_ =	shalt  }
0x79: {  	_ =	shalt  }
0x7a: {  	_ =	shalt  }
0x7b: {  	_ =	shalt  }
0x7c: {  	_ =	shalt  }
0x7d: {  	_ =	shalt  }
0x7e: {  	_ =	shalt  }
0x7f: {  	_ =	shalt  }
0x80: {  	_ =	shalt  }
0x81: {  	_ =	shalt  }
0x82: {  	_ =	shalt  }
0x83: {  	_ =	shalt  }
0x84: {  	_ =	shalt  }
0x85: {  	_ =	shalt  }
0x86: {  	_ =	shalt  }
0x87: {  	_ =	shalt  }
.Lfunc_end0:
.L_simem_size_0:
called_computation.2_lowered:
.L_overlay_start_0:
0x88: {  	s2 =	sld [smem:$0x3FD9]  }
0x89: {  	s3 =	sld [smem:$0x3FFE];
	_ =	sdelay $0x1  }
0x8a: {  	s1 =	srdreg.scid  }
0x8b: {  	s0 =	sand.u32 $0x1, s1  }
0x8c: {  	s16 =	sshll.u32 s0, $0xA;
	s2 =	sadd.s32 s3, s2  }
0x8d: {  	s2 =	sadd.s32 s2, s16  }
0x8e: {  	[smem:$0x3FBF] =	sst s2  }
0x8f: {  	_ = 	snop  }
0x90: {  	(tm) =	ssettm $0x1  }
0x91: {  	s17 =	sld [smem:$0x3FFB];
	_ =	sdelay $0x3  }
0x92: {  	_ =	strace s17  }
0x93: {  	s2 =	sld [smem:$0x3FFC];
	_ =	sdelay $0x3  }
0x94: {  	_ =	strace s2  }
0x95: {  	s2 =	sld [smem:$0x3FFD];
	_ =	sdelay $0x3  }
0x96: {  	_ =	strace s2  }
0x97: {  	_ =	strace $0x8FFFFFFF  }
0x98: {  	s18 =	sld [smem:$0x3FDB];
	_ =	sdelay $0x1  }
0x99: {  	s19 =	simm.s32 $_scs_section_size  }
0x9a: {  	s4 =	simm.s32 $_size__tile_overlayer_lowered;
	s5 =	simm.s32 $_tile_overlayer_lowered  }
0x9b: {  	s22 =	simm.s32 $0x1BFF;
	s21 =	sshll.u32 s5, $0x1;
	s2 =	sadd.s32 s19, s18  }
0x9c: {  	s6 =	simm.s32 $0x0;
	s20 =	sshll.u32 s4, $0x1;
	s4 =	sadd.s32 s21, s2  }
0x9d: {  	[timem:s6], [sflag:s22] =	dma.local [hbm:s4], s20  }
0x9e: {  	_ =	swait.ge [sflag:s22], s20  }
0x9f: {  	s3 =	ssub.s32 $0x0, s20;
	[sflag:s22] =	ssyncset.done $0x0  }
0xa0: {  	[sflag:s22] =	ssyncadd.s32 s3;
	_ =	sdelay $0x1  }
0xa1: {  	s23 =	simm.s32 $0x1B8B  }
0xa2: {  	_ =	swait.ge [sflag:s23], $0x1  }
0xa3: {  	[sflag:s23] =	ssyncset.done $0x0  }
0xa4: {  	s25 =	simm.s32 $0x1B8E;
	s24 =	sld [smem:$0x3FFE];
	[sflag:s23] =	ssyncadd.s32 $0xFFFFFFFF  }
0xa5: {  	s26 =	simm.s32 $execute0_lowered;
	[smem:$0x3FD2] =	sst s25  }
0xa6: {  	s4 =	sshll.u32 s26, $0x1;
	_ =	strace $0x8000004C;
	[dreg:$0x1] =	wrdreg $0xFFFFFFFF  }
0xa7: {  	s28 =	simm.s32 $_size_execute0_lowered;
	s2 =	sadd.s32 s2, s4;
	[dreg:$0x0] =	wrdreg $0x0  }
0xa8: {  	s4 =	sshll.u32 s28, $0x1;
	[dreg:$0x2] =	wrdreg s2  }
0xa9: {  	[dreg:$0x3] =	wrdreg s4  }
0xaa: {  	[dreg:$0x4] =	wrdreg $0xC0  }
0xab: {  	_ =	task [dreg:s6], $0x5FFFF  }
0xac: {  	[dreg:$0x1] =	wrdreg $0xFFFFFFFF  }
0xad: {  	[dreg:$0x0] =	wrdreg $0x60  }
0xae: {  	[dreg:$0x2] =	wrdreg s24  }
0xaf: {  	[dreg:$0x3] =	wrdreg $0x0  }
0xb0: {  	[dreg:$0x4] =	wrdreg $0x9  }
0xb1: {  	_ =	task.clear_ibuf [dreg:s6], $0x5FFFF;
	_ =	strace $0x9000004C  }
0xb2: {  	s29 =	simm.s32 $0x9;
	_ =	strace $0x8000004E  }
0xb3: {  	_ =	swait.ge [sflag:s29], $0x1  }
0xb4: {  	[sflag:s29] =	ssyncadd.s32 $0xFFFFFFFF  }
0xb5: {  	_ =	strace $0x9000004E  }
0xb6: {  	_ =	sfence  }
0xb7: {  	s30 =	sld [smem:$0x0];
	_ =	sdelay $0x2  }
0xb8: {  	s31 =	sshll.u32 s1, $0xD;
	s1 =	sshrl.u32 s1, $0x2  }
0xb9: {  	s3 =	sand.u32 $0x4000, s31;
	s1 =	sadd.s32 s1, s30  }
0xba: {  	s0 =	sor.u32 s3, s0;
	s1 =	sshll.u32 s1, $0x11  }
0xbb: {  	s0 =	sor.u32 s1, s0  }
0xbc: {  	s0 =	sadd.s32 $0x8F2B, s0  }
0xbd: {  	[sflag:s0] =	ssyncadd.remote.s32 $0x1  }
0xbe: {  	_ =	sfence.sel $0xFFFF  }
0xbf: {  	[dreg:$0x0] =	wrdreg $0xFFFFFFFF;
	(pc) =	sbr.abs _section_cstart, $3  }
0xc0: {  	[dreg:$0x1] =	wrdreg $0xFFFFFFFF  }
0xc1: {  	_ =	task.clear_ibuf [dreg:s6], $0x2FFFF;
	_ =	strace $0x9FFFFFFF  }
0xc2: {  	(tm) =	ssettm $0x7FFFFFFF  }
0xc3: {  	_ =	shalt  }
tec
execute0_lowered:
.L_overlay_start_1:
0x0: {  	(tag) =	ssettag $0x1  }
0x1: {  	s0 =	rddreg [dreg:$0x0]  }
0x2: {  	s2 =	rddreg [dreg:$0x1];
	s12 =	stileid.u32  }
0x3: {  	s1 =	srdreg.scid;
	s13 =	simm.s32 $0x0;
	s14 =	simm.s32 $0x9  }
0x4: {  	s15 =	simm.s32 $0xA800;
	s16 =	simm.s32 $0x40;
	s17 =	simm.s32 $0xBC00  }
0x5: {  	s19 =	simm.s32 $0xCC00;
	s21 =	simm.s32 $0xDC00;
	s28 =	simm.s32 $0x4  }
0x6: {  	s29 =	simm.s32 $0x5;
	s30 =	simm.s32 $0x6;
	s31 =	simm.s32 $0x7  }
0x7: {  	s3 =	smul.u32 $0xA800, s12;
	s1 =	sand.u32 $0x1, s1;
	[smem:$0x7FF] =	sst s13  }
0x8: {  	s8 =	smul.u32 $0x15000, s12;
	s4 =	sadd.s32 $0x16800, s0;
	s5 =	sadd.s32 $0x2A00, s0  }
0x9: {  	s6 =	sadd.s32 $0x16400, s0;
	s10 =	smul.u32 $0xA0, s12;
	s24 =	sshll.u32 s12, $0x6  }
0xa: {  	s12 =	simm.s32 $0xBBC0;
	s7 =	smul.u32 $0x150000, s1;
	_ =	strace $0x8000004D  }
0xb: {  	s22 =	smul.u32 $0xA00, s1;
	s1 =	ssub.s32 $0x2, s1;
	s9 =	sshrl.u32 s3, $0x3  }
0xc: {  	s23 =	sshrl.u32 s1, $0x1;
	s3 =	sadd.s32 s3, s2;
	s7 =	sadd.s32 s8, s7  }
0xd: {  	s9 =	sadd.s32 s9, s0;
	s1 =	ssub.s32 s1, s23;
	s18 =	sshrl.u32 s3, $0x3  }
0xe: {  	s23 =	simm.s32 $0xEC00;
	s8 =	simm.s32 $0xBB40;
	s7 =	sshrl.u32 s7, $0x3  }
0xf: {  	s9 =	sadd.s32 $0x2B800, s9;
	s26 =	smax.u32 s1, $0x1;
	s1 =	simm.s32 $0xBB00  }
0x10: {  	[dreg:$0x8] =	wrdreg s18;
	s11 =	sadd.s32 s7, s0;
	s7 =	sadd.s32 s10, s22  }
0x11: {  	[dreg:$0x4] =	wrdreg s9;
	s9 =	sor.u32 $0x1C09, s24;
	s10 =	sadd.s32 $0xC640, s0  }
0x12: {  	[dreg:$0x7] =	wrdreg s26;
	s24 =	simm.s32 $0x1;
	s26 =	simm.s32 $0x3  }
0x13: {  	s0 =	simm.s32 $0x8;
	s25 =	sadd.s32 $0x40800, s11;
	[dreg:$0x5] =	wrdreg s9  }
0x14: {  	s11 =	simm.s32 $0xBB80;
	[dreg:$0x6] =	wrdreg s25;
	s25 =	simm.s32 $0x2  }
.LBB2_1:
0x15: {  	[dreg:$0x3] =	wrdreg s13  }
0x16: {  	s3 =	rddreg [dreg:$0x4]  }
0x17: {  	[spmem:s18], [sflag:s9] =	dma.local [hbm:s3], $0x1500  }
0x18: {  	_ =	swait.ge [sflag:s14], $0x1500  }
0x19: {  	[sflag:s14] =	ssyncset.done $0x0  }
0x1a: {  	[sflag:s14] =	ssyncadd.s32 $0xFFFFEB00  }
0x1b: {  	s9 =	simm.s32 $0x0;
	[bflag:$0x0] =	sbarrier.arrive $0xFFFF  }
.LBB2_2:
0x1c: {  	s3 =	smul.u32 $0x28, s9;
	_ =	sdelay $0x1  }
0x1d: {  	s3 =	sadd.s32 s3, s7  }
0x1e: {  	p0 =	sgt.u32 s3, $0x1387  }
0x1f: {  	s13 =	sshll.u32 @p0 s3, $0x6  }
0x20: {  	s13 =	sadd.s32 @p0 $0xFFFB1E00, s13  }
0x21: {  	s13 =	sshrl.u32 @p0 s13, $0x3  }
0x22: {  	s18 =	simm.s32 @p0 $0x0;
	s20 =	simm.s32 @p0 $0xB200;
	s13 =	sadd.s32 @p0 s6, s13  }
0x23: {  	[tilespmem:s20], [sflag:$0x9] =	stream.linear.gather @p0 [hbm4b:s13+s18], $0xA00, $0x38;
	[tilespmem:$0xFC00] =	vst v63  }
0x24: {  	s18 =	simm.s32 @p0 $0x9  }
0x25: {  	_ =	swait.ge @p0 [sflag:s18], $0xA00  }
0x26: {  	s3 =	sshll.u32 @!p0 s3, $0x3;
	s22 =	simm.s32 @!p0 $0xB200;
	[sflag:s18] =	ssyncset.done @p0 $0x0  }
0x27: {  	s20 =	simm.s32 @!p0 $0x0;
	[sflag:s18] =	ssyncadd.s32 @p0 $0xFFFFF600;
	s18 =	sadd.s32 @!p0 s3, s10  }
0x28: {  	[tilespmem:s22], [sflag:$0x9] =	stream.linear.gather @!p0 [hbm4b:s18+s20], $0xA00, $0x38;
	[tilespmem:$0xFC00] =	vst v63  }
0x29: {  	s18 =	simm.s32 @!p0 $0x9  }
0x2a: {  	_ =	swait.ge @!p0 [sflag:s18], $0xA00  }
0x2b: {  	s3 =	sadd.s32 @!p0 s5, s3;
	[sflag:s18] =	ssyncset.done @!p0 $0x0  }
0x2c: {  	s3 =	smov.u32 @p0 s13;
	[sflag:s18] =	ssyncadd.s32 @!p0 $0xFFFFF600;
	s18 =	simm.s32 $0x0  }
0x2d: {  	[tilespmem:s15], [sflag:$0x9] =	stream.linear.gather [hbm4b:s3+s18], $0xA00, $0x38;
	[tilespmem:$0xFC00] =	vst v63  }
0x2e: {  	_ =	swait.ge [sflag:s14], $0xA00  }
0x2f: {  	[sflag:s14] =	ssyncset.done $0x0  }
0x30: {  	[sflag:s14] =	ssyncadd.s32 $0xFFFFF600  }
0x31: {  	[tilespmem:s17], [sflag:$0x1] =	stream.indirect.gather [hbm4b:s4+s16], $0x40, s15, s16, $0xb8;
	[tilespmem:$0xFC00] =	vst v63  }
0x32: {  	s20 =	simm.s32 $0xA840  }
0x33: {  	[tilespmem:s19], [sflag:$0x2] =	stream.indirect.gather [hbm4b:s4+s16], $0x40, s20, s16, $0xb8;
	[tilespmem:$0xFC00] =	vst v63  }
0x34: {  	s22 =	simm.s32 $0xA880  }
0x35: {  	[tilespmem:s21], [sflag:$0x3] =	stream.indirect.gather [hbm4b:s4+s16], $0x40, s22, s16, $0xb8;
	[tilespmem:$0xFC00] =	vst v63  }
0x36: {  	s13 =	simm.s32 $0xA8C0  }
0x37: {  	[tilespmem:s23], [sflag:$0x4] =	stream.indirect.gather [hbm4b:s4+s16], $0x40, s13, s16, $0xb8;
	[tilespmem:$0xFC00] =	vst v63  }
0x38: {  	_ =	swait.ge [sflag:s24], $0x1000  }
0x39: {  	[sflag:s24] =	ssyncset.done $0x0  }
0x3a: {  	s18 =	simm.s32 $0xB200;
	[sflag:s24] =	ssyncadd.s32 $0xFFFFF000  }
0x3b: {  	[spmem:s2] =	stream.indirect.scatter.add.f32 [tilespmem:s17], [sflag:$0x5], $0x40, s18, s16, $0xb8;
	[tilespmem:$0xFC00] =	vst v63  }
0x3c: {  	_ =	swait.ge [sflag:s25], $0x1000  }
0x3d: {  	[sflag:s25] =	ssyncset.done $0x0  }
0x3e: {  	s20 =	simm.s32 $0xB240;
	[sflag:s25] =	ssyncadd.s32 $0xFFFFF000  }
0x3f: {  	[spmem:s2] =	stream.indirect.scatter.add.f32 [tilespmem:s19], [sflag:$0x6], $0x40, s20, s16, $0xb8;
	[tilespmem:$0xFC00] =	vst v63  }
0x40: {  	_ =	swait.ge [sflag:s26], $0x1000  }
0x41: {  	[sflag:s26] =	ssyncset.done $0x0  }
0x42: {  	s22 =	simm.s32 $0xB280;
	[sflag:s26] =	ssyncadd.s32 $0xFFFFF000  }
0x43: {  	[spmem:s2] =	stream.indirect.scatter.add.f32 [tilespmem:s21], [sflag:$0x7], $0x40, s22, s16, $0xb8;
	[tilespmem:$0xFC00] =	vst v63  }
0x44: {  	_ =	swait.ge [sflag:s28], $0x1000  }
0x45: {  	[sflag:s28] =	ssyncset.done $0x0  }
0x46: {  	s13 =	simm.s32 $0xB2C0;
	[sflag:s28] =	ssyncadd.s32 $0xFFFFF000  }
0x47: {  	[spmem:s2] =	stream.indirect.scatter.add.f32 [tilespmem:s23], [sflag:$0x8], $0x40, s13, s16, $0xb8;
	[tilespmem:$0xFC00] =	vst v63  }
0x48: {  	_ =	swait.ge [sflag:s29], $0x1000  }
0x49: {  	[sflag:s29] =	ssyncset.done $0x0  }
0x4a: {  	s18 =	simm.s32 $0xA900;
	[sflag:s29] =	ssyncadd.s32 $0xFFFFF000  }
0x4b: {  	[tilespmem:s17], [sflag:$0x1] =	stream.indirect.gather [hbm4b:s4+s16], $0x40, s18, s16, $0xb8;
	[tilespmem:$0xFC00] =	vst v63  }
0x4c: {  	_ =	swait.ge [sflag:s30], $0x1000  }
0x4d: {  	[sflag:s30] =	ssyncset.done $0x0  }
0x4e: {  	s20 =	simm.s32 $0xA940;
	[sflag:s30] =	ssyncadd.s32 $0xFFFFF000  }
0x4f: {  	[tilespmem:s19], [sflag:$0x2] =	stream.indirect.gather [hbm4b:s4+s16], $0x40, s20, s16, $0xb8;
	[tilespmem:$0xFC00] =	vst v63  }
0x50: {  	_ =	swait.ge [sflag:s31], $0x1000  }
0x51: {  	[sflag:s31] =	ssyncset.done $0x0  }
0x52: {  	s22 =	simm.s32 $0xA980;
	[sflag:s31] =	ssyncadd.s32 $0xFFFFF000  }
0x53: {  	[tilespmem:s21], [sflag:$0x3] =	stream.indirect.gather [hbm4b:s4+s16], $0x40, s22, s16, $0xb8;
	[tilespmem:$0xFC00] =	vst v63  }
0x54: {  	_ =	swait.ge [sflag:s0], $0x1000  }
0x55: {  	[sflag:s0] =	ssyncset.done $0x0  }
0x56: {  	s3 =	simm.s32 $0xA9C0;
	s13 =	simm.s32 $0x400;
	[sflag:s0] =	ssyncadd.s32 $0xFFFFF000  }
.LBB2_3:
0x57: {  	[tilespmem:s23], [sflag:$0x4] =	stream.indirect.gather [hbm4b:s4+s16], $0x40, s3, s16, $0xb8;
	[tilespmem:$0xFC00] =	vst v63  }
0x58: {  	s3 =	smov.u32 s13  }
0x59: {  	p0 =	sne.s32 s13, $0x2000;
	s13 =	sadd.s32 $0x400, s13;
	_ =	swait.ge [sflag:s24], $0x1000  }
0x5a: {  	s3 =	sshra.s32 s3, $0x2;
	[sflag:s24] =	ssyncset.done $0x0  }
0x5b: {  	s18 =	sadd.s32 $0xB200, s3;
	[sflag:s24] =	ssyncadd.s32 $0xFFFFF000  }
0x5c: {  	[spmem:s2] =	stream.indirect.scatter.add.f32 [tilespmem:s17], [sflag:$0x5], $0x40, s18, s16, $0xb8;
	[tilespmem:$0xFC00] =	vst v63  }
0x5d: {  	_ =	swait.ge [sflag:s25], $0x1000  }
0x5e: {  	[sflag:s25] =	ssyncset.done $0x0  }
0x5f: {  	s18 =	sadd.s32 $0xB240, s3;
	[sflag:s25] =	ssyncadd.s32 $0xFFFFF000  }
0x60: {  	[spmem:s2] =	stream.indirect.scatter.add.f32 [tilespmem:s19], [sflag:$0x6], $0x40, s18, s16, $0xb8;
	[tilespmem:$0xFC00] =	vst v63  }
0x61: {  	_ =	swait.ge [sflag:s26], $0x1000  }
0x62: {  	[sflag:s26] =	ssyncset.done $0x0  }
0x63: {  	s18 =	sadd.s32 $0xB280, s3;
	[sflag:s26] =	ssyncadd.s32 $0xFFFFF000  }
0x64: {  	[spmem:s2] =	stream.indirect.scatter.add.f32 [tilespmem:s21], [sflag:$0x7], $0x40, s18, s16, $0xb8;
	[tilespmem:$0xFC00] =	vst v63  }
0x65: {  	_ =	swait.ge [sflag:s28], $0x1000  }
0x66: {  	[sflag:s28] =	ssyncset.done $0x0  }
0x67: {  	s18 =	sadd.s32 $0xB2C0, s3;
	[sflag:s28] =	ssyncadd.s32 $0xFFFFF000  }
0x68: {  	[spmem:s2] =	stream.indirect.scatter.add.f32 [tilespmem:s23], [sflag:$0x8], $0x40, s18, s16, $0xb8;
	[tilespmem:$0xFC00] =	vst v63  }
0x69: {  	_ =	swait.ge [sflag:s29], $0x1000  }
0x6a: {  	[sflag:s29] =	ssyncset.done $0x0  }
0x6b: {  	s18 =	sadd.s32 $0xA900, s3;
	[sflag:s29] =	ssyncadd.s32 $0xFFFFF000  }
0x6c: {  	[tilespmem:s17], [sflag:$0x1] =	stream.indirect.gather [hbm4b:s4+s16], $0x40, s18, s16, $0xb8;
	[tilespmem:$0xFC00] =	vst v63  }
0x6d: {  	_ =	swait.ge [sflag:s30], $0x1000  }
0x6e: {  	[sflag:s30] =	ssyncset.done $0x0  }
0x6f: {  	s18 =	sadd.s32 $0xA940, s3;
	[sflag:s30] =	ssyncadd.s32 $0xFFFFF000  }
0x70: {  	[tilespmem:s19], [sflag:$0x2] =	stream.indirect.gather [hbm4b:s4+s16], $0x40, s18, s16, $0xb8;
	[tilespmem:$0xFC00] =	vst v63  }
0x71: {  	_ =	swait.ge [sflag:s31], $0x1000  }
0x72: {  	[sflag:s31] =	ssyncset.done $0x0  }
.Ltmp0:
0x73: {  	s18 =	sadd.s32 $0xA980, s3;
	[sflag:s31] =	ssyncadd.s32 $0xFFFFF000;
	(pc) =	sbr.rel @p0 .LBB2_3-.Ltmp0, $4  }
0x74: {  	[tilespmem:s21], [sflag:$0x3] =	stream.indirect.gather [hbm4b:s4+s16], $0x40, s18, s16, $0xb8;
	[tilespmem:$0xFC00] =	vst v63  }
0x75: {  	_ =	swait.ge [sflag:s0], $0x1000  }
0x76: {  	[sflag:s0] =	ssyncset.done $0x0  }
0x77: {  	s3 =	sadd.s32 $0xA9C0, s3;
	[sflag:s0] =	ssyncadd.s32 $0xFFFFF000  }
0x78: {  	[tilespmem:s23], [sflag:$0x4] =	stream.indirect.gather [hbm4b:s4+s16], $0x40, s3, s16, $0xb8;
	[tilespmem:$0xFC00] =	vst v63  }
0x79: {  	_ =	swait.ge [sflag:s24], $0x1000  }
0x7a: {  	[sflag:s24] =	ssyncset.done $0x0  }
0x7b: {  	[sflag:s24] =	ssyncadd.s32 $0xFFFFF000  }
0x7c: {  	[spmem:s2] =	stream.indirect.scatter.add.f32 [tilespmem:s17], [sflag:$0x9], $0x40, s1, s16, $0xb8;
	[tilespmem:$0xFC00] =	vst v63  }
0x7d: {  	_ =	swait.ge [sflag:s14], $0x1000  }
0x7e: {  	[sflag:s14] =	ssyncset.done $0x0  }
0x7f: {  	[sflag:s14] =	ssyncadd.s32 $0xFFFFF000  }
0x80: {  	_ =	swait.ge [sflag:s25], $0x1000  }
0x81: {  	[sflag:s25] =	ssyncset.done $0x0  }
0x82: {  	[sflag:s25] =	ssyncadd.s32 $0xFFFFF000  }
0x83: {  	[spmem:s2] =	stream.indirect.scatter.add.f32 [tilespmem:s19], [sflag:$0x9], $0x40, s8, s16, $0xb8;
	[tilespmem:$0xFC00] =	vst v63  }
0x84: {  	_ =	swait.ge [sflag:s14], $0x1000  }
0x85: {  	[sflag:s14] =	ssyncset.done $0x0  }
0x86: {  	[sflag:s14] =	ssyncadd.s32 $0xFFFFF000  }
0x87: {  	_ =	swait.ge [sflag:s26], $0x1000  }
0x88: {  	[sflag:s26] =	ssyncset.done $0x0  }
0x89: {  	[sflag:s26] =	ssyncadd.s32 $0xFFFFF000  }
0x8a: {  	[spmem:s2] =	stream.indirect.scatter.add.f32 [tilespmem:s21], [sflag:$0x9], $0x40, s11, s16, $0xb8;
	[tilespmem:$0xFC00] =	vst v63  }
0x8b: {  	_ =	swait.ge [sflag:s14], $0x1000  }
0x8c: {  	[sflag:s14] =	ssyncset.done $0x0  }
0x8d: {  	[sflag:s14] =	ssyncadd.s32 $0xFFFFF000  }
0x8e: {  	s9 =	sadd.s32 $0x1, s9;
	_ =	swait.ge [sflag:s28], $0x1000  }
0x8f: {  	p0 =	sne.s32 s9, $0x4;
	[sflag:s28] =	ssyncset.done $0x0  }
.Ltmp1:
0x90: {  	[sflag:s28] =	ssyncadd.s32 $0xFFFFF000;
	(pc) =	sbr.rel @p0 .LBB2_2-.Ltmp1, $4  }
0x91: {  	[spmem:s2] =	stream.indirect.scatter.add.f32 [tilespmem:s23], [sflag:$0x9], $0x40, s12, s16, $0xb8;
	[tilespmem:$0xFC00] =	vst v63  }
0x92: {  	_ =	swait.ge [sflag:s14], $0x1000  }
0x93: {  	[sflag:s14] =	ssyncset.done $0x0  }
0x94: {  	[sflag:s14] =	ssyncadd.s32 $0xFFFFF000  }
0x95: {  	[bflag:$0x0] =	sbarrier.arrive $0xFFFF  }
0x96: {  	s9 =	rddreg [dreg:$0x5]  }
0x97: {  	s3 =	rddreg [dreg:$0x6]  }
0x98: {  	s13 =	simm.s32 $0x10;
	s18 =	rddreg [dreg:$0x8]  }
0x99: {  	[hbm:s3@s13], [sflag:s9] =	dma.strided [spmem:s18@s0], $0x1500, s24, $0x8   }
0x9a: {  	_ =	swait.ge [sflag:s14], $0x1500  }
0x9b: {  	s20 =	rddreg [dreg:$0x3]  }
0x9c: {  	s22 =	rddreg [dreg:$0x7];
	s13 =	sadd.s32 $0x1, s20  }
0x9d: {  	p0 =	sne.s32 s13, s22  }
.Ltmp2:
0x9e: {  	_ = 	snop;
	(pc) =	sbr.rel @p0 .LBB2_1-.Ltmp2, $3  }
0x9f: {  	_ =	sdelay $0x1  }
0xa0: {  	[sflag:s14] =	ssyncset.done $0x0  }
0xa1: {  	[sflag:s14] =	ssyncadd.s32 $0xFFFFEB00  }
0xa2: {  	_ =	sfence.sel $0x180000  }
0xa3: {  	[bflag:$0x0] =	sbarrier.arrive $0xFFFF  }
0xa4: {  	_ =	strace $0x9000004D  }
0xa5: {  	s0 =	stileid.u32;
	[bflag:$0x2] =	sbarrier.arrive $0xFFFF  }
0xa6: {  	p0 =	sne.s32 s0, $0x0;
	s0 =	rddreg [dreg:$0x2]  }
0xa7: {  	s0 =	sadd.s32 @!p0 $0x100000, s0  }
0xa8: {  	[sflag:s0] =	ssyncadd.tile.s32 @!p0 $0x1;
	_ =	shalt  }
.Lfunc_end2:
_tile_overlayer_lowered:
.L_overlay_start_2:
0xa9: {  	(tag) =	ssettag $0x2  }
0xaa: {  	s0 =	rddreg [dreg:$0x0];
	s2 =	stileid.u32  }
0xab: {  	s1 =	rddreg [dreg:$0x1];
	p0 =	sne.s32 s2, $0x0  }
0xac: {  	s3 =	rddreg [dreg:$0x2];
	[bflag:$0x3] =	sbarrier.arrive $0xFFFF;
	s2 =	simm.s32 @!p0 $0x1C09  }
0xad: {  	[timem:s3], [sflag:s2] =	dma.local @!p0 [hbm:s0], s1  }
0xae: {  	s0 =	simm.s32 @!p0 $0x9  }
0xaf: {  	_ =	swait.ge @!p0 [sflag:s0], s1  }
0xb0: {  	s1 =	ssub.s32 @!p0 $0x0, s1;
	[sflag:s0] =	ssyncset.done @!p0 $0x0  }
0xb1: {  	[sflag:s0] =	ssyncadd.s32 @!p0 s1  }
0xb2: {  	[bflag:$0x3] =	sbarrier.arrive $0xFFFF  }
0xb3: {  	_ =	shalt  }

// kernel: kernel.8.cloned.1.call-start
scs
__scs_entry_jumppad:
0x0: {  	(pc) =	sbr.rel $0x88, $3  }
0x1: {  	(tag) =	ssettag $0x0;
	lr =	simm.s32 $0x1  }
0x2: {  	[smem:$0x3F98] =	sst lr;
	_ =	strace $0xD0000000  }
0x3: {  	_ = 	snop  }
0x4: {  	_ = 	snop  }
0x5: {  	_ = 	snop  }
0x6: {  	_ = 	snop  }
0x7: {  	_ = 	snop  }
__scs_overlays_trampoline_lowered:
0x8: {  	[smem:$0x3FA7] =	sst s0  }
0x9: {  	[smem:$0x3FA8] =	sst s1  }
0xa: {  	[smem:$0x3FA9] =	sst s2  }
0xb: {  	[smem:$0x3FAA] =	sst s3  }
0xc: {  	[smem:$0x3FAB] =	sst s4  }
0xd: {  	[smem:$0x3FAC] =	sst s5  }
0xe: {  	[smem:$0x3FAD] =	sst s6  }
0xf: {  	[smem:$0x3FAE] =	sst s7  }
0x10: {  	[smem:$0x3FAF] =	sst s8  }
0x11: {  	[smem:$0x3FB0] =	sst s9;
	s0 =	simm.s32 @!p0 $0x0  }
0x12: {  	s1 =	sld [smem:$0x3F96];
	s0 =	simm.s32 @p0 $0x1  }
0x13: {  	[smem:$0x3FB1] =	sst s0;
	s0 =	simm.s32 @!p1 $0x0  }
0x14: {  	s2 =	sld [smem:$0x3F95];
	s0 =	simm.s32 @p1 $0x1  }
0x15: {  	[smem:$0x3FB2] =	sst s0;
	s0 =	simm.s32 @!p2 $0x0  }
0x16: {  	s3 =	sld [smem:$0x3FDB];
	s0 =	simm.s32 @p2 $0x1  }
0x17: {  	s4 =	simm.s32 $0x1BF5;
	[smem:$0x3FB4] =	sst s0  }
0x18: {  	s0 =	sld [smem:$0x3F97];
	_ =	swait.ge [sflag:s4], $0x0  }
0x19: {  	s7 =	sld [smem:$0x3F98]  }
0x1a: {  	s8 =	sadd.s32 $0xFFFFE003, lr  }
0x1b: {  	s9 =	sadd.s32 $0xFFFFFEF7, lr;
	s5 =	simm.s32 $0xFFFFFFFF;
	p2 =	slt.u32 s8, $0xFFFFF086  }
0x1c: {  	p1 =	slt.u32 s9, $0xF7A;
	s5 =	simm.s32 @!p2 $0x0  }
0x1d: {  	s5 =	simm.s32 @p1 $0x1;
	p0 =	seq.s32 s7, s2  }
0x1e: {  	s7 =	smul.u32 @!p0 $0xF7A, s2;
	p2 =	seq.s32 @!p0 s5, $0x0  }
0x1f: {  	s9 =	smul.u32 $0xF7A, s1;
	s8 =	simm.s32 @!p0 $0x1BF5;
	p2 =	por !p2, p0  }
0x20: {  	[sflag:s8] =	ssyncset.s32 @!p0 $0xFFFFF086;
	s6 =	sadd.s32 @!p0 s3, s7;
	s7 =	simm.s32 @!p0 $0x108  }
0x21: {  	s3 =	sadd.s32 s3, s9;
	s6 =	sadd.s32 @!p0 $0x88, s6;
	s7 =	simm.s32 @p2 $0x1082  }
0x22: {  	[simem:s7], [sflag:s8] =	dma.local @!p0 [hbm:s6], $0xF7A  }
0x23: {  	s9 =	sor.u32 $0xD0000000, s2;
	s6 =	simm.s32 $0x108;
	_ =	swait.ge @!p0 [sflag:s8], $0x0  }
0x24: {  	s3 =	sadd.s32 $0x88, s3;
	s6 =	simm.s32 @!p1 $0x1082;
	[sflag:s4] =	ssyncset.s32 $0xFFFFF086  }
0x25: {  	[simem:s6], [sflag:s4] =	dma.local [hbm:s3], $0xF7A  }
0x26: {  	[smem:$0x3F98] =	sst s1;
	(tag) =	ssettag s2;
	_ =	strace s9  }
0x27: {  	s1 =	sld [smem:$0x3FA8]  }
0x28: {  	s2 =	sld [smem:$0x3FA9]  }
0x29: {  	s4 =	sld [smem:$0x3FAB]  }
0x2a: {  	p0 =	seq.s32 s5, $0x0;
	s5 =	sld [smem:$0x3FAC]  }
0x2b: {  	s6 =	sld [smem:$0x3FAD]  }
0x2c: {  	s7 =	sld [smem:$0x3FAE]  }
0x2d: {  	s3 =	simm.s32 $0x108;
	s8 =	sld [smem:$0x3FAF]  }
0x2e: {  	s3 =	simm.s32 @!p0 $0x1082;
	s9 =	sld [smem:$0x3FB0]  }
0x2f: {  	lr =	sadd.s32 s0, s3;
	s0 =	sld [smem:$0x3FA7]  }
0x30: {  	s3 =	sld [smem:$0x3FAA]  }
0x31: {  	[smem:$0x3FB3] =	sst s10  }
0x32: {  	s10 =	sld [smem:$0x3FB1];
	_ =	sdelay $0x3  }
0x33: {  	p0 =	seq.s32 s10, $0x1;
	s10 =	sld [smem:$0x3FB3];
	_ =	sdelay $0x3  }
0x34: {  	[smem:$0x3FB3] =	sst s10  }
0x35: {  	s10 =	sld [smem:$0x3FB2];
	_ =	sdelay $0x3  }
0x36: {  	p1 =	seq.s32 s10, $0x1;
	s10 =	sld [smem:$0x3FB3];
	_ =	sdelay $0x3  }
0x37: {  	[smem:$0x3FB3] =	sst s10  }
0x38: {  	s10 =	sld [smem:$0x3FB4]  }
0x39: {  	_ = 	snop;
	(pc) =	sbr.ind lr, $3  }
0x3a: {  	_ = 	snop  }
0x3b: {  	_ = 	snop  }
0x3c: {  	p2 =	seq.s32 s10, $0x1;
	s10 =	sld [smem:$0x3FB3]  }
0x3d: {  	_ =	shalt  }
0x3e: {  	_ =	shalt  }
0x3f: {  	_ =	shalt  }
0x40: {  	_ =	shalt  }
0x41: {  	_ =	shalt  }
0x42: {  	_ =	shalt  }
0x43: {  	_ =	shalt  }
0x44: {  	_ =	shalt  }
0x45: {  	_ =	shalt  }
0x46: {  	_ =	shalt  }
0x47: {  	_ =	shalt  }
0x48: {  	_ =	shalt  }
0x49: {  	_ =	shalt  }
0x4a: {  	_ =	shalt  }
0x4b: {  	_ =	shalt  }
0x4c: {  	_ =	shalt  }
0x4d: {  	_ =	shalt  }
0x4e: {  	_ =	shalt  }
0x4f: {  	_ =	shalt  }
0x50: {  	_ =	shalt  }
0x51: {  	_ =	shalt  }
0x52: {  	_ =	shalt  }
0x53: {  	_ =	shalt  }
0x54: {  	_ =	shalt  }
0x55: {  	_ =	shalt  }
0x56: {  	_ =	shalt  }
0x57: {  	_ =	shalt  }
0x58: {  	_ =	shalt  }
0x59: {  	_ =	shalt  }
0x5a: {  	_ =	shalt  }
0x5b: {  	_ =	shalt  }
0x5c: {  	_ =	shalt  }
0x5d: {  	_ =	shalt  }
0x5e: {  	_ =	shalt  }
0x5f: {  	_ =	shalt  }
0x60: {  	_ =	shalt  }
0x61: {  	_ =	shalt  }
0x62: {  	_ =	shalt  }
0x63: {  	_ =	shalt  }
0x64: {  	_ =	shalt  }
0x65: {  	_ =	shalt  }
0x66: {  	_ =	shalt  }
0x67: {  	_ =	shalt  }
0x68: {  	_ =	shalt  }
0x69: {  	_ =	shalt  }
0x6a: {  	_ =	shalt  }
0x6b: {  	_ =	shalt  }
0x6c: {  	_ =	shalt  }
0x6d: {  	_ =	shalt  }
0x6e: {  	_ =	shalt  }
0x6f: {  	_ =	shalt  }
0x70: {  	_ =	shalt  }
0x71: {  	_ =	shalt  }
0x72: {  	_ =	shalt  }
0x73: {  	_ =	shalt  }
0x74: {  	_ =	shalt  }
0x75: {  	_ =	shalt  }
0x76: {  	_ =	shalt  }
0x77: {  	_ =	shalt  }
0x78: {  	_ =	shalt  }
0x79: {  	_ =	shalt  }
0x7a: {  	_ =	shalt  }
0x7b: {  	_ =	shalt  }
0x7c: {  	_ =	shalt  }
0x7d: {  	_ =	shalt  }
0x7e: {  	_ =	shalt  }
0x7f: {  	_ =	shalt  }
0x80: {  	_ =	shalt  }
0x81: {  	_ =	shalt  }
0x82: {  	_ =	shalt  }
0x83: {  	_ =	shalt  }
0x84: {  	_ =	shalt  }
0x85: {  	_ =	shalt  }
0x86: {  	_ =	shalt  }
0x87: {  	_ =	shalt  }
.Lfunc_end0:
.L_simem_size_0:
called_computation_lowered:
.L_overlay_start_0:
0x88: {  	s2 =	sld [smem:$0x3FD9]  }
0x89: {  	s3 =	sld [smem:$0x3FFE];
	_ =	sdelay $0x1  }
0x8a: {  	s1 =	srdreg.scid  }
0x8b: {  	s0 =	sand.u32 $0x1, s1  }
0x8c: {  	s16 =	sshll.u32 s0, $0xA;
	s2 =	sadd.s32 s3, s2  }
0x8d: {  	s2 =	sadd.s32 s2, s16  }
0x8e: {  	[smem:$0x3FBF] =	sst s2  }
0x8f: {  	_ = 	snop  }
0x90: {  	(tm) =	ssettm $0x1  }
0x91: {  	s17 =	sld [smem:$0x3FFB];
	_ =	sdelay $0x3  }
0x92: {  	_ =	strace s17  }
0x93: {  	s2 =	sld [smem:$0x3FFC];
	_ =	sdelay $0x3  }
0x94: {  	_ =	strace s2  }
0x95: {  	s2 =	sld [smem:$0x3FFD];
	_ =	sdelay $0x3  }
0x96: {  	_ =	strace s2  }
0x97: {  	_ =	strace $0x8FFFFFFF  }
0x98: {  	s18 =	sld [smem:$0x3FDB];
	_ =	sdelay $0x1  }
0x99: {  	s19 =	simm.s32 $_scs_section_size  }
0x9a: {  	s4 =	simm.s32 $_size__tile_overlayer_lowered;
	s5 =	simm.s32 $_tile_overlayer_lowered  }
0x9b: {  	s22 =	simm.s32 $0x1BFF;
	s21 =	sshll.u32 s5, $0x1;
	s2 =	sadd.s32 s19, s18  }
0x9c: {  	s6 =	simm.s32 $0x0;
	s20 =	sshll.u32 s4, $0x1;
	s4 =	sadd.s32 s21, s2  }
0x9d: {  	[timem:s6], [sflag:s22] =	dma.local [hbm:s4], s20  }
0x9e: {  	_ =	swait.ge [sflag:s22], s20  }
0x9f: {  	s3 =	ssub.s32 $0x0, s20;
	[sflag:s22] =	ssyncset.done $0x0  }
0xa0: {  	[sflag:s22] =	ssyncadd.s32 s3;
	_ =	sdelay $0x1  }
0xa1: {  	s23 =	simm.s32 $0x1B8B  }
0xa2: {  	_ =	swait.ge [sflag:s23], $0x1  }
0xa3: {  	[sflag:s23] =	ssyncset.done $0x0  }
0xa4: {  	s25 =	simm.s32 $0x1B8E;
	s24 =	sld [smem:$0x3FFE];
	[sflag:s23] =	ssyncadd.s32 $0xFFFFFFFF  }
0xa5: {  	s26 =	simm.s32 $execute0_lowered;
	[smem:$0x3FD2] =	sst s25  }
0xa6: {  	s4 =	sshll.u32 s26, $0x1;
	_ =	strace $0x80000046;
	[dreg:$0x1] =	wrdreg $0xFFFFFFFF  }
0xa7: {  	s28 =	simm.s32 $_size_execute0_lowered;
	s2 =	sadd.s32 s2, s4;
	[dreg:$0x0] =	wrdreg $0x0  }
0xa8: {  	s4 =	sshll.u32 s28, $0x1;
	[dreg:$0x2] =	wrdreg s2  }
0xa9: {  	[dreg:$0x3] =	wrdreg s4  }
0xaa: {  	[dreg:$0x4] =	wrdreg $0xC0  }
0xab: {  	_ =	task [dreg:s6], $0x5FFFF  }
0xac: {  	[dreg:$0x1] =	wrdreg $0xFFFFFFFF  }
0xad: {  	[dreg:$0x0] =	wrdreg $0x60  }
0xae: {  	[dreg:$0x2] =	wrdreg s24  }
0xaf: {  	[dreg:$0x3] =	wrdreg $0x0  }
0xb0: {  	[dreg:$0x4] =	wrdreg $0x9  }
0xb1: {  	_ =	task.clear_ibuf [dreg:s6], $0x5FFFF;
	_ =	strace $0x90000046  }
0xb2: {  	s29 =	simm.s32 $0x9;
	_ =	strace $0x80000048  }
0xb3: {  	_ =	swait.ge [sflag:s29], $0x1  }
0xb4: {  	[sflag:s29] =	ssyncadd.s32 $0xFFFFFFFF  }
0xb5: {  	_ =	strace $0x90000048  }
0xb6: {  	_ =	sfence  }
0xb7: {  	s30 =	sld [smem:$0x0];
	_ =	sdelay $0x2  }
0xb8: {  	s31 =	sshll.u32 s1, $0xD;
	s1 =	sshrl.u32 s1, $0x2  }
0xb9: {  	s3 =	sand.u32 $0x4000, s31;
	s1 =	sadd.s32 s1, s30  }
0xba: {  	s0 =	sor.u32 s3, s0;
	s1 =	sshll.u32 s1, $0x11  }
0xbb: {  	s0 =	sor.u32 s1, s0  }
0xbc: {  	s0 =	sadd.s32 $0x8F2B, s0  }
0xbd: {  	[sflag:s0] =	ssyncadd.remote.s32 $0x1  }
0xbe: {  	_ =	sfence.sel $0xFFFF  }
0xbf: {  	[dreg:$0x0] =	wrdreg $0xFFFFFFFF;
	(pc) =	sbr.abs _section_cstart, $3  }
0xc0: {  	[dreg:$0x1] =	wrdreg $0xFFFFFFFF  }
0xc1: {  	_ =	task.clear_ibuf [dreg:s6], $0x2FFFF;
	_ =	strace $0x9FFFFFFF  }
0xc2: {  	(tm) =	ssettm $0x7FFFFFFF  }
0xc3: {  	_ =	shalt  }
tec
execute0_lowered:
.L_overlay_start_1:
0x0: {  	(tag) =	ssettag $0x1  }
0x1: {  	s0 =	srdreg.scid;
	s1 =	rddreg [dreg:$0x0]  }
0x2: {  	s11 =	stileid.u32;
	s2 =	rddreg [dreg:$0x1];
	s3 =	simm.s32 $0x0  }
0x3: {  	s13 =	simm.s32 $0x2AC0;
	s15 =	simm.s32 $0x2B00;
	s16 =	simm.s32 $0x2B40  }
0x4: {  	s17 =	simm.s32 $0x2B80;
	[smem:$0x7FF] =	sst s3;
	s9 =	sadd.s32 $0x1BC00, s1  }
0x5: {  	s24 =	sadd.s32 $0x16400, s1;
	_ =	strace $0x80000047;
	[smem:$0x7F6] =	sst s9  }
0x6: {  	s19 =	simm.s32 $0x2BC0;
	s21 =	simm.s32 $0x2C00;
	[dreg:$0x3] =	wrdreg s24  }
0x7: {  	s22 =	simm.s32 $0x2C40;
	s23 =	simm.s32 $0x2C80;
	[dreg:$0x7] =	wrdreg s13  }
0x8: {  	s28 =	simm.s32 $0x32C0;
	s5 =	smul.u32 $0x2A00, s11;
	[dreg:$0x8] =	wrdreg s15  }
0x9: {  	s29 =	simm.s32 $0x3300;
	s7 =	smul.u32 $0x15000, s11;
	[dreg:$0x9] =	wrdreg s16  }
0xa: {  	s0 =	sand.u32 $0x1, s0;
	s10 =	smul.u32 $0xA0, s11;
	[dreg:$0xa] =	wrdreg s17  }
0xb: {  	s30 =	simm.s32 $0x3340;
	s4 =	smul.u32 $0x5000, s0;
	[dreg:$0xb] =	wrdreg s19  }
0xc: {  	s31 =	simm.s32 $0x3380;
	s6 =	smul.u32 $0x150000, s0;
	[dreg:$0xc] =	wrdreg s21  }
0xd: {  	s20 =	sshll.u32 s11, $0x6;
	s8 =	smul.u32 $0xA00, s0;
	[dreg:$0xd] =	wrdreg s22  }
0xe: {  	s12 =	ssub.s32 $0x2, s0;
	[dreg:$0xe] =	wrdreg s23;
	s24 =	simm.s32 $0x2CC0  }
0xf: {  	s0 =	smul.u32 $0x28000, s0;
	s13 =	simm.s32 $0x2DC0;
	[dreg:$0xf] =	wrdreg s24  }
0x10: {  	s16 =	simm.s32 $0x2E40;
	s17 =	simm.s32 $0x2E80;
	[dreg:$0x13] =	wrdreg s13  }
0x11: {  	s19 =	simm.s32 $0x2F00;
	s21 =	simm.s32 $0x2F80;
	[dreg:$0x15] =	wrdreg s16  }
0x12: {  	s22 =	simm.s32 $0x2FC0;
	s23 =	simm.s32 $0x3000;
	[dreg:$0x16] =	wrdreg s17  }
0x13: {  	s25 =	sshrl.u32 s5, $0x3;
	s14 =	sshrl.u32 s12, $0x1;
	[dreg:$0x18] =	wrdreg s19  }
0x14: {  	s5 =	sadd.s32 s5, s2;
	s13 =	simm.s32 $0x3400;
	[dreg:$0x1a] =	wrdreg s21  }
0x15: {  	s16 =	simm.s32 $0x1;
	[dreg:$0x1b] =	wrdreg s22;
	s17 =	simm.s32 $0x2  }
0x16: {  	[dreg:$0x1c] =	wrdreg s23;
	s24 =	simm.s32 $0x3040;
	s19 =	simm.s32 $0x4  }
0x17: {  	s21 =	simm.s32 $0x3140;
	s22 =	simm.s32 $0x3180;
	s23 =	simm.s32 $0x31C0  }
0x18: {  	s4 =	sadd.s32 s4, s1;
	s26 =	sadd.s32 s10, s8;
	[dreg:$0x1d] =	wrdreg s24  }
0x19: {  	s9 =	sadd.s32 s25, s1;
	s8 =	simm.s32 $0x2A40;
	[dreg:$0x4] =	wrdreg s26  }
0x1a: {  	s6 =	sadd.s32 s7, s6;
	s10 =	simm.s32 $0x2A80;
	[dreg:$0x5] =	wrdreg s8  }
0x1b: {  	s7 =	ssub.s32 s12, s14;
	s14 =	simm.s32 $0x2E00;
	[dreg:$0x6] =	wrdreg s10  }
0x1c: {  	s25 =	smul.u32 $0x2800, s11;
	s5 =	sshrl.u32 s5, $0x3;
	[dreg:$0x14] =	wrdreg s14  }
0x1d: {  	s12 =	smul.u32 $0x500, s11;
	s18 =	sadd.s32 $0x16800, s9;
	[smem:$0x7FD] =	sst s5  }
0x1e: {  	s24 =	simm.s32 $0x3200;
	s7 =	smax.u32 s7, $0x1;
	[smem:$0x7F7] =	sst s18  }
0x1f: {  	s6 =	sshrl.u32 s6, $0x3;
	s26 =	simm.s32 $0x2D00;
	[smem:$0x7F9] =	sst s7  }
0x20: {  	s8 =	sor.u32 $0x1C05, s20;
	s9 =	simm.s32 $0x2D40;
	[dreg:$0x10] =	wrdreg s26  }
0x21: {  	s10 =	simm.s32 $0x2D80;
	s20 =	simm.s32 $0x2F40;
	[dreg:$0x11] =	wrdreg s9  }
0x22: {  	s14 =	simm.s32 $0x2A00;
	s1 =	sadd.s32 s6, s1;
	[dreg:$0x12] =	wrdreg s10  }
0x23: {  	s0 =	sadd.s32 s25, s0;
	s15 =	sadd.s32 s12, s4;
	[dreg:$0x19] =	wrdreg s20  }
0x24: {  	s18 =	simm.s32 $0x2EC0;
	s12 =	simm.s32 $0x5;
	[smem:$0x7FC] =	sst s8  }
0x25: {  	s25 =	simm.s32 $0x3080;
	s26 =	simm.s32 $0x30C0;
	[dreg:$0x17] =	wrdreg s18  }
0x26: {  	s20 =	simm.s32 $0x3100;
	s1 =	sadd.s32 $0x1BE00, s1;
	[dreg:$0x1e] =	wrdreg s25  }
0x27: {  	s0 =	sadd.s32 $0xFFFB1E00, s0;
	s18 =	simm.s32 $0x3;
	[dreg:$0x1f] =	wrdreg s26  }
0x28: {  	s25 =	simm.s32 $0x3240;
	s26 =	simm.s32 $0x3280;
	[smem:$0x7F8] =	sst s1  }
0x29: {  	[smem:$0x7FA] =	sst s0;
	s1 =	sadd.s32 $0xC640, s15;
	s15 =	simm.s32 $0x40  }
0x2a: {  	s0 =	simm.s32 $0x0;
	[smem:$0x7FB] =	sst s1;
	s1 =	simm.s32 $0x33C0  }
.LBB2_1:
0x2b: {  	s4 =	sld [smem:$0x7F7];
	_ =	sdelay $0x2  }
0x2c: {  	[spmem:s5], [sflag:s8] =	dma.local [hbm:s4], $0x540  }
0x2d: {  	_ =	swait.ge [sflag:s12], $0x540  }
0x2e: {  	s9 =	sld [smem:$0x7F6]  }
0x2f: {  	[sflag:s12] =	ssyncset.done $0x0  }
0x30: {  	[sflag:s12] =	ssyncadd.s32 $0xFFFFFAC0  }
0x31: {  	[tilespmem:s13], [sflag:$0x5] =	stream.linear.gather [hbm4b:s9+s3], $0x400, $0x38;
	[tilespmem:$0x3800] =	vst v63  }
0x32: {  	_ =	swait.ge [sflag:s12], $0x400  }
0x33: {  	[sflag:s12] =	ssyncset.done $0x0  }
0x34: {  	[sflag:s12] =	ssyncadd.s32 $0xFFFFFC00  }
0x35: {  	[bflag:$0x0] =	sbarrier.arrive $0xFFFF  }
0x36: {  	s9 =	sld [smem:$0x7FA]  }
0x37: {  	s10 =	rddreg [dreg:$0x4]  }
0x38: {  	s8 =	sld [smem:$0x7FB]  }
0x39: {  	s11 =	rddreg [dreg:$0x3];
	s4 =	sadd.s32 $0x0, s10;
	s6 =	sshrl.u32 s9, $0x3  }
0x3a: {  	p0 =	slt.u32 s4, $0x1388;
	s4 =	sadd.s32 s11, s6  }
0x3b: {  	s4 =	smov.u32 @p0 s8  }
0x3c: {  	[tilespmem:s14], [sflag:$0x5] =	stream.linear.gather [hbm4b:s4+s3], $0xA00, $0x38;
	[tilespmem:$0x3800] =	vst v63  }
0x3d: {  	_ =	swait.ge [sflag:s12], $0xA00  }
0x3e: {  	[sflag:s12] =	ssyncset.done $0x0  }
0x3f: {  	[sflag:s12] =	ssyncadd.s32 $0xFFFFF600  }
0x40: {  	[spmem:s2] =	stream.indirect.scatter.add.f32 [tilespmem:s13], [sflag:$0x1], $0x10, s14, s15, $0xb8;
	[tilespmem:$0x3800] =	vst v63  }
0x41: {  	s7 =	rddreg [dreg:$0x5]  }
0x42: {  	[spmem:s2] =	stream.indirect.scatter.add.f32 [tilespmem:s13], [sflag:$0x2], $0x10, s7, s15, $0xb8;
	[tilespmem:$0x3800] =	vst v63  }
0x43: {  	s10 =	rddreg [dreg:$0x6]  }
0x44: {  	[spmem:s2] =	stream.indirect.scatter.add.f32 [tilespmem:s13], [sflag:$0x3], $0x10, s10, s15, $0xb8;
	[tilespmem:$0x3800] =	vst v63  }
0x45: {  	s11 =	rddreg [dreg:$0x7]  }
0x46: {  	[spmem:s2] =	stream.indirect.scatter.add.f32 [tilespmem:s13], [sflag:$0x4], $0x10, s11, s15, $0xb8;
	[tilespmem:$0x3800] =	vst v63  }
0x47: {  	_ =	swait.ge [sflag:s16], $0x400  }
0x48: {  	[sflag:s16] =	ssyncset.done $0x0  }
0x49: {  	[sflag:s16] =	ssyncadd.s32 $0xFFFFFC00  }
0x4a: {  	_ =	swait.ge [sflag:s17], $0x400  }
0x4b: {  	[sflag:s17] =	ssyncset.done $0x0  }
0x4c: {  	[sflag:s17] =	ssyncadd.s32 $0xFFFFFC00  }
0x4d: {  	_ =	swait.ge [sflag:s18], $0x400  }
0x4e: {  	[sflag:s18] =	ssyncset.done $0x0  }
0x4f: {  	[sflag:s18] =	ssyncadd.s32 $0xFFFFFC00  }
0x50: {  	_ =	swait.ge [sflag:s19], $0x400  }
0x51: {  	[sflag:s19] =	ssyncset.done $0x0  }
0x52: {  	s6 =	rddreg [dreg:$0x8];
	[sflag:s19] =	ssyncadd.s32 $0xFFFFFC00  }
0x53: {  	[spmem:s2] =	stream.indirect.scatter.add.f32 [tilespmem:s13], [sflag:$0x1], $0x10, s6, s15, $0xb8;
	[tilespmem:$0x3800] =	vst v63  }
0x54: {  	s7 =	rddreg [dreg:$0x9]  }
0x55: {  	[spmem:s2] =	stream.indirect.scatter.add.f32 [tilespmem:s13], [sflag:$0x2], $0x10, s7, s15, $0xb8;
	[tilespmem:$0x3800] =	vst v63  }
0x56: {  	s10 =	rddreg [dreg:$0xa]  }
0x57: {  	[spmem:s2] =	stream.indirect.scatter.add.f32 [tilespmem:s13], [sflag:$0x3], $0x10, s10, s15, $0xb8;
	[tilespmem:$0x3800] =	vst v63  }
0x58: {  	s11 =	rddreg [dreg:$0xb]  }
0x59: {  	[spmem:s2] =	stream.indirect.scatter.add.f32 [tilespmem:s13], [sflag:$0x4], $0x10, s11, s15, $0xb8;
	[tilespmem:$0x3800] =	vst v63  }
0x5a: {  	_ =	swait.ge [sflag:s16], $0x400  }
0x5b: {  	[sflag:s16] =	ssyncset.done $0x0  }
0x5c: {  	[sflag:s16] =	ssyncadd.s32 $0xFFFFFC00  }
0x5d: {  	_ =	swait.ge [sflag:s17], $0x400  }
0x5e: {  	[sflag:s17] =	ssyncset.done $0x0  }
0x5f: {  	[sflag:s17] =	ssyncadd.s32 $0xFFFFFC00  }
0x60: {  	_ =	swait.ge [sflag:s18], $0x400  }
0x61: {  	[sflag:s18] =	ssyncset.done $0x0  }
0x62: {  	[sflag:s18] =	ssyncadd.s32 $0xFFFFFC00  }
0x63: {  	_ =	swait.ge [sflag:s19], $0x400  }
0x64: {  	[sflag:s19] =	ssyncset.done $0x0  }
0x65: {  	s6 =	rddreg [dreg:$0xc];
	[sflag:s19] =	ssyncadd.s32 $0xFFFFFC00  }
0x66: {  	[spmem:s2] =	stream.indirect.scatter.add.f32 [tilespmem:s13], [sflag:$0x1], $0x10, s6, s15, $0xb8;
	[tilespmem:$0x3800] =	vst v63  }
0x67: {  	s7 =	rddreg [dreg:$0xd]  }
0x68: {  	[spmem:s2] =	stream.indirect.scatter.add.f32 [tilespmem:s13], [sflag:$0x2], $0x10, s7, s15, $0xb8;
	[tilespmem:$0x3800] =	vst v63  }
0x69: {  	s10 =	rddreg [dreg:$0xe]  }
0x6a: {  	[spmem:s2] =	stream.indirect.scatter.add.f32 [tilespmem:s13], [sflag:$0x3], $0x10, s10, s15, $0xb8;
	[tilespmem:$0x3800] =	vst v63  }
0x6b: {  	s11 =	rddreg [dreg:$0xf]  }
0x6c: {  	[spmem:s2] =	stream.indirect.scatter.add.f32 [tilespmem:s13], [sflag:$0x4], $0x10, s11, s15, $0xb8;
	[tilespmem:$0x3800] =	vst v63  }
0x6d: {  	_ =	swait.ge [sflag:s16], $0x400  }
0x6e: {  	[sflag:s16] =	ssyncset.done $0x0  }
0x6f: {  	[sflag:s16] =	ssyncadd.s32 $0xFFFFFC00  }
0x70: {  	_ =	swait.ge [sflag:s17], $0x400  }
0x71: {  	[sflag:s17] =	ssyncset.done $0x0  }
0x72: {  	[sflag:s17] =	ssyncadd.s32 $0xFFFFFC00  }
0x73: {  	_ =	swait.ge [sflag:s18], $0x400  }
0x74: {  	[sflag:s18] =	ssyncset.done $0x0  }
0x75: {  	[sflag:s18] =	ssyncadd.s32 $0xFFFFFC00  }
0x76: {  	_ =	swait.ge [sflag:s19], $0x400  }
0x77: {  	[sflag:s19] =	ssyncset.done $0x0  }
0x78: {  	s6 =	rddreg [dreg:$0x10];
	[sflag:s19] =	ssyncadd.s32 $0xFFFFFC00  }
0x79: {  	[spmem:s2] =	stream.indirect.scatter.add.f32 [tilespmem:s13], [sflag:$0x1], $0x10, s6, s15, $0xb8;
	[tilespmem:$0x3800] =	vst v63  }
0x7a: {  	s7 =	rddreg [dreg:$0x11]  }
0x7b: {  	[spmem:s2] =	stream.indirect.scatter.add.f32 [tilespmem:s13], [sflag:$0x2], $0x10, s7, s15, $0xb8;
	[tilespmem:$0x3800] =	vst v63  }
0x7c: {  	s10 =	rddreg [dreg:$0x12]  }
0x7d: {  	[spmem:s2] =	stream.indirect.scatter.add.f32 [tilespmem:s13], [sflag:$0x3], $0x10, s10, s15, $0xb8;
	[tilespmem:$0x3800] =	vst v63  }
0x7e: {  	s11 =	rddreg [dreg:$0x13]  }
0x7f: {  	[spmem:s2] =	stream.indirect.scatter.add.f32 [tilespmem:s13], [sflag:$0x4], $0x10, s11, s15, $0xb8;
	[tilespmem:$0x3800] =	vst v63  }
0x80: {  	_ =	swait.ge [sflag:s16], $0x400  }
0x81: {  	[sflag:s16] =	ssyncset.done $0x0  }
0x82: {  	[sflag:s16] =	ssyncadd.s32 $0xFFFFFC00  }
0x83: {  	_ =	swait.ge [sflag:s17], $0x400  }
0x84: {  	[sflag:s17] =	ssyncset.done $0x0  }
0x85: {  	[sflag:s17] =	ssyncadd.s32 $0xFFFFFC00  }
0x86: {  	_ =	swait.ge [sflag:s18], $0x400  }
0x87: {  	[sflag:s18] =	ssyncset.done $0x0  }
0x88: {  	[sflag:s18] =	ssyncadd.s32 $0xFFFFFC00  }
0x89: {  	_ =	swait.ge [sflag:s19], $0x400  }
0x8a: {  	[sflag:s19] =	ssyncset.done $0x0  }
0x8b: {  	s6 =	rddreg [dreg:$0x14];
	[sflag:s19] =	ssyncadd.s32 $0xFFFFFC00  }
0x8c: {  	[spmem:s2] =	stream.indirect.scatter.add.f32 [tilespmem:s13], [sflag:$0x1], $0x10, s6, s15, $0xb8;
	[tilespmem:$0x3800] =	vst v63  }
0x8d: {  	s7 =	rddreg [dreg:$0x15]  }
0x8e: {  	[spmem:s2] =	stream.indirect.scatter.add.f32 [tilespmem:s13], [sflag:$0x2], $0x10, s7, s15, $0xb8;
	[tilespmem:$0x3800] =	vst v63  }
0x8f: {  	s10 =	rddreg [dreg:$0x16]  }
0x90: {  	[spmem:s2] =	stream.indirect.scatter.add.f32 [tilespmem:s13], [sflag:$0x3], $0x10, s10, s15, $0xb8;
	[tilespmem:$0x3800] =	vst v63  }
0x91: {  	s11 =	rddreg [dreg:$0x17]  }
0x92: {  	[spmem:s2] =	stream.indirect.scatter.add.f32 [tilespmem:s13], [sflag:$0x4], $0x10, s11, s15, $0xb8;
	[tilespmem:$0x3800] =	vst v63  }
0x93: {  	_ =	swait.ge [sflag:s16], $0x400  }
0x94: {  	[sflag:s16] =	ssyncset.done $0x0  }
0x95: {  	[sflag:s16] =	ssyncadd.s32 $0xFFFFFC00  }
0x96: {  	_ =	swait.ge [sflag:s17], $0x400  }
0x97: {  	[sflag:s17] =	ssyncset.done $0x0  }
0x98: {  	[sflag:s17] =	ssyncadd.s32 $0xFFFFFC00  }
0x99: {  	_ =	swait.ge [sflag:s18], $0x400  }
0x9a: {  	[sflag:s18] =	ssyncset.done $0x0  }
0x9b: {  	[sflag:s18] =	ssyncadd.s32 $0xFFFFFC00  }
0x9c: {  	_ =	swait.ge [sflag:s19], $0x400  }
0x9d: {  	[sflag:s19] =	ssyncset.done $0x0  }
0x9e: {  	s6 =	rddreg [dreg:$0x18];
	[sflag:s19] =	ssyncadd.s32 $0xFFFFFC00  }
0x9f: {  	[spmem:s2] =	stream.indirect.scatter.add.f32 [tilespmem:s13], [sflag:$0x1], $0x10, s6, s15, $0xb8;
	[tilespmem:$0x3800] =	vst v63  }
0xa0: {  	s7 =	rddreg [dreg:$0x19]  }
0xa1: {  	[spmem:s2] =	stream.indirect.scatter.add.f32 [tilespmem:s13], [sflag:$0x2], $0x10, s7, s15, $0xb8;
	[tilespmem:$0x3800] =	vst v63  }
0xa2: {  	s10 =	rddreg [dreg:$0x1a]  }
0xa3: {  	[spmem:s2] =	stream.indirect.scatter.add.f32 [tilespmem:s13], [sflag:$0x3], $0x10, s10, s15, $0xb8;
	[tilespmem:$0x3800] =	vst v63  }
0xa4: {  	s11 =	rddreg [dreg:$0x1b]  }
0xa5: {  	[spmem:s2] =	stream.indirect.scatter.add.f32 [tilespmem:s13], [sflag:$0x4], $0x10, s11, s15, $0xb8;
	[tilespmem:$0x3800] =	vst v63  }
0xa6: {  	_ =	swait.ge [sflag:s16], $0x400  }
0xa7: {  	[sflag:s16] =	ssyncset.done $0x0  }
0xa8: {  	[sflag:s16] =	ssyncadd.s32 $0xFFFFFC00  }
0xa9: {  	_ =	swait.ge [sflag:s17], $0x400  }
0xaa: {  	[sflag:s17] =	ssyncset.done $0x0  }
0xab: {  	[sflag:s17] =	ssyncadd.s32 $0xFFFFFC00  }
0xac: {  	_ =	swait.ge [sflag:s18], $0x400  }
0xad: {  	[sflag:s18] =	ssyncset.done $0x0  }
0xae: {  	[sflag:s18] =	ssyncadd.s32 $0xFFFFFC00  }
0xaf: {  	_ =	swait.ge [sflag:s19], $0x400  }
0xb0: {  	[sflag:s19] =	ssyncset.done $0x0  }
0xb1: {  	s6 =	rddreg [dreg:$0x1c];
	[sflag:s19] =	ssyncadd.s32 $0xFFFFFC00  }
0xb2: {  	[spmem:s2] =	stream.indirect.scatter.add.f32 [tilespmem:s13], [sflag:$0x1], $0x10, s6, s15, $0xb8;
	[tilespmem:$0x3800] =	vst v63  }
0xb3: {  	s7 =	rddreg [dreg:$0x1d]  }
0xb4: {  	[spmem:s2] =	stream.indirect.scatter.add.f32 [tilespmem:s13], [sflag:$0x2], $0x10, s7, s15, $0xb8;
	[tilespmem:$0x3800] =	vst v63  }
0xb5: {  	s10 =	rddreg [dreg:$0x1e]  }
0xb6: {  	[spmem:s2] =	stream.indirect.scatter.add.f32 [tilespmem:s13], [sflag:$0x3], $0x10, s10, s15, $0xb8;
	[tilespmem:$0x3800] =	vst v63  }
0xb7: {  	s11 =	rddreg [dreg:$0x1f]  }
0xb8: {  	[spmem:s2] =	stream.indirect.scatter.add.f32 [tilespmem:s13], [sflag:$0x4], $0x10, s11, s15, $0xb8;
	[tilespmem:$0x3800] =	vst v63  }
0xb9: {  	_ =	swait.ge [sflag:s16], $0x400  }
0xba: {  	[sflag:s16] =	ssyncset.done $0x0  }
0xbb: {  	[sflag:s16] =	ssyncadd.s32 $0xFFFFFC00  }
0xbc: {  	_ =	swait.ge [sflag:s17], $0x400  }
0xbd: {  	[sflag:s17] =	ssyncset.done $0x0  }
0xbe: {  	[sflag:s17] =	ssyncadd.s32 $0xFFFFFC00  }
0xbf: {  	_ =	swait.ge [sflag:s18], $0x400  }
0xc0: {  	[sflag:s18] =	ssyncset.done $0x0  }
0xc1: {  	[sflag:s18] =	ssyncadd.s32 $0xFFFFFC00  }
0xc2: {  	_ =	swait.ge [sflag:s19], $0x400  }
0xc3: {  	[sflag:s19] =	ssyncset.done $0x0  }
0xc4: {  	[sflag:s19] =	ssyncadd.s32 $0xFFFFFC00  }
0xc5: {  	[spmem:s2] =	stream.indirect.scatter.add.f32 [tilespmem:s13], [sflag:$0x1], $0x10, s20, s15, $0xb8;
	[tilespmem:$0x3800] =	vst v63  }
0xc6: {  	_ = 	snop  }
0xc7: {  	[spmem:s2] =	stream.indirect.scatter.add.f32 [tilespmem:s13], [sflag:$0x2], $0x10, s21, s15, $0xb8;
	[tilespmem:$0x3800] =	vst v63  }
0xc8: {  	_ = 	snop  }
0xc9: {  	[spmem:s2] =	stream.indirect.scatter.add.f32 [tilespmem:s13], [sflag:$0x3], $0x10, s22, s15, $0xb8;
	[tilespmem:$0x3800] =	vst v63  }
0xca: {  	_ = 	snop  }
0xcb: {  	[spmem:s2] =	stream.indirect.scatter.add.f32 [tilespmem:s13], [sflag:$0x4], $0x10, s23, s15, $0xb8;
	[tilespmem:$0x3800] =	vst v63  }
0xcc: {  	_ =	swait.ge [sflag:s16], $0x400  }
0xcd: {  	[sflag:s16] =	ssyncset.done $0x0  }
0xce: {  	[sflag:s16] =	ssyncadd.s32 $0xFFFFFC00  }
0xcf: {  	_ =	swait.ge [sflag:s17], $0x400  }
0xd0: {  	[sflag:s17] =	ssyncset.done $0x0  }
0xd1: {  	[sflag:s17] =	ssyncadd.s32 $0xFFFFFC00  }
0xd2: {  	_ =	swait.ge [sflag:s18], $0x400  }
0xd3: {  	[sflag:s18] =	ssyncset.done $0x0  }
0xd4: {  	[sflag:s18] =	ssyncadd.s32 $0xFFFFFC00  }
0xd5: {  	_ =	swait.ge [sflag:s19], $0x400  }
0xd6: {  	[sflag:s19] =	ssyncset.done $0x0  }
0xd7: {  	[sflag:s19] =	ssyncadd.s32 $0xFFFFFC00  }
0xd8: {  	[spmem:s2] =	stream.indirect.scatter.add.f32 [tilespmem:s13], [sflag:$0x1], $0x10, s24, s15, $0xb8;
	[tilespmem:$0x3800] =	vst v63  }
0xd9: {  	_ = 	snop  }
0xda: {  	[spmem:s2] =	stream.indirect.scatter.add.f32 [tilespmem:s13], [sflag:$0x2], $0x10, s25, s15, $0xb8;
	[tilespmem:$0x3800] =	vst v63  }
0xdb: {  	_ = 	snop  }
0xdc: {  	[spmem:s2] =	stream.indirect.scatter.add.f32 [tilespmem:s13], [sflag:$0x3], $0x10, s26, s15, $0xb8;
	[tilespmem:$0x3800] =	vst v63  }
0xdd: {  	_ = 	snop  }
0xde: {  	[spmem:s2] =	stream.indirect.scatter.add.f32 [tilespmem:s13], [sflag:$0x4], $0x10, s28, s15, $0xb8;
	[tilespmem:$0x3800] =	vst v63  }
0xdf: {  	_ =	swait.ge [sflag:s16], $0x400  }
0xe0: {  	[sflag:s16] =	ssyncset.done $0x0  }
0xe1: {  	[sflag:s16] =	ssyncadd.s32 $0xFFFFFC00  }
0xe2: {  	_ =	swait.ge [sflag:s17], $0x400  }
0xe3: {  	[sflag:s17] =	ssyncset.done $0x0  }
0xe4: {  	[sflag:s17] =	ssyncadd.s32 $0xFFFFFC00  }
0xe5: {  	_ =	swait.ge [sflag:s18], $0x400  }
0xe6: {  	[sflag:s18] =	ssyncset.done $0x0  }
0xe7: {  	[sflag:s18] =	ssyncadd.s32 $0xFFFFFC00  }
0xe8: {  	_ =	swait.ge [sflag:s19], $0x400  }
0xe9: {  	[sflag:s19] =	ssyncset.done $0x0  }
0xea: {  	[sflag:s19] =	ssyncadd.s32 $0xFFFFFC00  }
0xeb: {  	[spmem:s2] =	stream.indirect.scatter.add.f32 [tilespmem:s13], [sflag:$0x1], $0x10, s29, s15, $0xb8;
	[tilespmem:$0x3800] =	vst v63  }
0xec: {  	_ = 	snop  }
0xed: {  	[spmem:s2] =	stream.indirect.scatter.add.f32 [tilespmem:s13], [sflag:$0x2], $0x10, s30, s15, $0xb8;
	[tilespmem:$0x3800] =	vst v63  }
0xee: {  	_ = 	snop  }
0xef: {  	[spmem:s2] =	stream.indirect.scatter.add.f32 [tilespmem:s13], [sflag:$0x3], $0x10, s31, s15, $0xb8;
	[tilespmem:$0x3800] =	vst v63  }
0xf0: {  	_ = 	snop  }
0xf1: {  	[spmem:s2] =	stream.indirect.scatter.add.f32 [tilespmem:s13], [sflag:$0x4], $0x10, s1, s15, $0xb8;
	[tilespmem:$0x3800] =	vst v63  }
0xf2: {  	_ =	swait.ge [sflag:s16], $0x400  }
0xf3: {  	[sflag:s16] =	ssyncset.done $0x0  }
0xf4: {  	[sflag:s16] =	ssyncadd.s32 $0xFFFFFC00  }
0xf5: {  	_ =	swait.ge [sflag:s17], $0x400  }
0xf6: {  	[sflag:s17] =	ssyncset.done $0x0  }
0xf7: {  	[sflag:s17] =	ssyncadd.s32 $0xFFFFFC00  }
0xf8: {  	_ =	swait.ge [sflag:s18], $0x400  }
0xf9: {  	[sflag:s18] =	ssyncset.done $0x0  }
0xfa: {  	[sflag:s18] =	ssyncadd.s32 $0xFFFFFC00  }
0xfb: {  	s5 =	simm.s32 $0x28;
	s4 =	sadd.s32 $0x140, s8;
	_ =	swait.ge [sflag:s19], $0x400  }
0xfc: {  	s7 =	simm.s32 $0x50;
	s6 =	rddreg [dreg:$0x4];
	[sflag:s19] =	ssyncset.done $0x0  }
.LBB2_2:
0xfd: {  	s9 =	sadd.s32 $0xA00, s9  }
0xfe: {  	s10 =	rddreg [dreg:$0x3];
	s6 =	sadd.s32 s5, s6;
	s11 =	sshrl.u32 s9, $0x3  }
0xff: {  	p1 =	slt.u32 s6, $0x1388;
	s6 =	sadd.s32 s10, s11  }
0x100: {  	[sflag:s19] =	ssyncadd.s32 $0xFFFFFC00;
	s6 =	smov.u32 @p1 s4  }
0x101: {  	[tilespmem:s14], [sflag:$0x5] =	stream.linear.gather [hbm4b:s6+s3], $0xA00, $0x38;
	[tilespmem:$0x3800] =	vst v63  }
0x102: {  	_ =	swait.ge [sflag:s12], $0xA00  }
0x103: {  	[sflag:s12] =	ssyncset.done $0x0  }
0x104: {  	s8 =	smov.u32 s7;
	[sflag:s12] =	ssyncadd.s32 $0xFFFFF600  }
0x105: {  	[spmem:s2] =	stream.indirect.scatter.add.f32 [tilespmem:s13], [sflag:$0x1], $0x10, s14, s15, $0xb8;
	[tilespmem:$0x3800] =	vst v63  }
0x106: {  	s5 =	smov.u32 s8;
	s8 =	rddreg [dreg:$0x5]  }
0x107: {  	[spmem:s2] =	stream.indirect.scatter.add.f32 [tilespmem:s13], [sflag:$0x2], $0x10, s8, s15, $0xb8;
	[tilespmem:$0x3800] =	vst v63  }
0x108: {  	s10 =	rddreg [dreg:$0x6]  }
0x109: {  	[spmem:s2] =	stream.indirect.scatter.add.f32 [tilespmem:s13], [sflag:$0x3], $0x10, s10, s15, $0xb8;
	[tilespmem:$0x3800] =	vst v63  }
0x10a: {  	s11 =	rddreg [dreg:$0x7]  }
0x10b: {  	[spmem:s2] =	stream.indirect.scatter.add.f32 [tilespmem:s13], [sflag:$0x4], $0x10, s11, s15, $0xb8;
	[tilespmem:$0x3800] =	vst v63  }
0x10c: {  	_ =	swait.ge [sflag:s16], $0x400  }
0x10d: {  	[sflag:s16] =	ssyncset.done $0x0  }
0x10e: {  	[sflag:s16] =	ssyncadd.s32 $0xFFFFFC00  }
0x10f: {  	_ =	swait.ge [sflag:s17], $0x400  }
0x110: {  	[sflag:s17] =	ssyncset.done $0x0  }
0x111: {  	[sflag:s17] =	ssyncadd.s32 $0xFFFFFC00  }
0x112: {  	_ =	swait.ge [sflag:s18], $0x400  }
0x113: {  	[sflag:s18] =	ssyncset.done $0x0  }
0x114: {  	[sflag:s18] =	ssyncadd.s32 $0xFFFFFC00  }
0x115: {  	_ =	swait.ge [sflag:s19], $0x400  }
0x116: {  	[sflag:s19] =	ssyncset.done $0x0  }
0x117: {  	s10 =	rddreg [dreg:$0x8];
	[sflag:s19] =	ssyncadd.s32 $0xFFFFFC00  }
0x118: {  	[spmem:s2] =	stream.indirect.scatter.add.f32 [tilespmem:s13], [sflag:$0x1], $0x10, s10, s15, $0xb8;
	[tilespmem:$0x3800] =	vst v63  }
0x119: {  	s11 =	rddreg [dreg:$0x9]  }
0x11a: {  	[spmem:s2] =	stream.indirect.scatter.add.f32 [tilespmem:s13], [sflag:$0x2], $0x10, s11, s15, $0xb8;
	[tilespmem:$0x3800] =	vst v63  }
0x11b: {  	s10 =	rddreg [dreg:$0xa]  }
0x11c: {  	[spmem:s2] =	stream.indirect.scatter.add.f32 [tilespmem:s13], [sflag:$0x3], $0x10, s10, s15, $0xb8;
	[tilespmem:$0x3800] =	vst v63  }
0x11d: {  	s11 =	rddreg [dreg:$0xb]  }
0x11e: {  	[spmem:s2] =	stream.indirect.scatter.add.f32 [tilespmem:s13], [sflag:$0x4], $0x10, s11, s15, $0xb8;
	[tilespmem:$0x3800] =	vst v63  }
0x11f: {  	_ =	swait.ge [sflag:s16], $0x400  }
0x120: {  	[sflag:s16] =	ssyncset.done $0x0  }
0x121: {  	[sflag:s16] =	ssyncadd.s32 $0xFFFFFC00  }
0x122: {  	_ =	swait.ge [sflag:s17], $0x400  }
0x123: {  	[sflag:s17] =	ssyncset.done $0x0  }
0x124: {  	[sflag:s17] =	ssyncadd.s32 $0xFFFFFC00  }
0x125: {  	_ =	swait.ge [sflag:s18], $0x400  }
0x126: {  	[sflag:s18] =	ssyncset.done $0x0  }
0x127: {  	[sflag:s18] =	ssyncadd.s32 $0xFFFFFC00  }
0x128: {  	_ =	swait.ge [sflag:s19], $0x400  }
0x129: {  	[sflag:s19] =	ssyncset.done $0x0  }
0x12a: {  	s10 =	rddreg [dreg:$0xc];
	[sflag:s19] =	ssyncadd.s32 $0xFFFFFC00  }
0x12b: {  	[spmem:s2] =	stream.indirect.scatter.add.f32 [tilespmem:s13], [sflag:$0x1], $0x10, s10, s15, $0xb8;
	[tilespmem:$0x3800] =	vst v63  }
0x12c: {  	s11 =	rddreg [dreg:$0xd]  }
0x12d: {  	[spmem:s2] =	stream.indirect.scatter.add.f32 [tilespmem:s13], [sflag:$0x2], $0x10, s11, s15, $0xb8;
	[tilespmem:$0x3800] =	vst v63  }
0x12e: {  	s10 =	rddreg [dreg:$0xe]  }
0x12f: {  	[spmem:s2] =	stream.indirect.scatter.add.f32 [tilespmem:s13], [sflag:$0x3], $0x10, s10, s15, $0xb8;
	[tilespmem:$0x3800] =	vst v63  }
0x130: {  	s11 =	rddreg [dreg:$0xf]  }
0x131: {  	[spmem:s2] =	stream.indirect.scatter.add.f32 [tilespmem:s13], [sflag:$0x4], $0x10, s11, s15, $0xb8;
	[tilespmem:$0x3800] =	vst v63  }
0x132: {  	_ =	swait.ge [sflag:s16], $0x400  }
0x133: {  	[sflag:s16] =	ssyncset.done $0x0  }
0x134: {  	[sflag:s16] =	ssyncadd.s32 $0xFFFFFC00  }
0x135: {  	_ =	swait.ge [sflag:s17], $0x400  }
0x136: {  	[sflag:s17] =	ssyncset.done $0x0  }
0x137: {  	[sflag:s17] =	ssyncadd.s32 $0xFFFFFC00  }
0x138: {  	_ =	swait.ge [sflag:s18], $0x400  }
0x139: {  	[sflag:s18] =	ssyncset.done $0x0  }
0x13a: {  	[sflag:s18] =	ssyncadd.s32 $0xFFFFFC00  }
0x13b: {  	_ =	swait.ge [sflag:s19], $0x400  }
0x13c: {  	[sflag:s19] =	ssyncset.done $0x0  }
0x13d: {  	s10 =	rddreg [dreg:$0x10];
	[sflag:s19] =	ssyncadd.s32 $0xFFFFFC00  }
0x13e: {  	[spmem:s2] =	stream.indirect.scatter.add.f32 [tilespmem:s13], [sflag:$0x1], $0x10, s10, s15, $0xb8;
	[tilespmem:$0x3800] =	vst v63  }
0x13f: {  	s11 =	rddreg [dreg:$0x11]  }
0x140: {  	[spmem:s2] =	stream.indirect.scatter.add.f32 [tilespmem:s13], [sflag:$0x2], $0x10, s11, s15, $0xb8;
	[tilespmem:$0x3800] =	vst v63  }
0x141: {  	s10 =	rddreg [dreg:$0x12]  }
0x142: {  	[spmem:s2] =	stream.indirect.scatter.add.f32 [tilespmem:s13], [sflag:$0x3], $0x10, s10, s15, $0xb8;
	[tilespmem:$0x3800] =	vst v63  }
0x143: {  	s11 =	rddreg [dreg:$0x13]  }
0x144: {  	[spmem:s2] =	stream.indirect.scatter.add.f32 [tilespmem:s13], [sflag:$0x4], $0x10, s11, s15, $0xb8;
	[tilespmem:$0x3800] =	vst v63  }
0x145: {  	_ =	swait.ge [sflag:s16], $0x400  }
0x146: {  	[sflag:s16] =	ssyncset.done $0x0  }
0x147: {  	[sflag:s16] =	ssyncadd.s32 $0xFFFFFC00  }
0x148: {  	_ =	swait.ge [sflag:s17], $0x400  }
0x149: {  	[sflag:s17] =	ssyncset.done $0x0  }
0x14a: {  	[sflag:s17] =	ssyncadd.s32 $0xFFFFFC00  }
0x14b: {  	_ =	swait.ge [sflag:s18], $0x400  }
0x14c: {  	[sflag:s18] =	ssyncset.done $0x0  }
0x14d: {  	[sflag:s18] =	ssyncadd.s32 $0xFFFFFC00  }
0x14e: {  	_ =	swait.ge [sflag:s19], $0x400  }
0x14f: {  	[sflag:s19] =	ssyncset.done $0x0  }
0x150: {  	s10 =	rddreg [dreg:$0x14];
	[sflag:s19] =	ssyncadd.s32 $0xFFFFFC00  }
0x151: {  	[spmem:s2] =	stream.indirect.scatter.add.f32 [tilespmem:s13], [sflag:$0x1], $0x10, s10, s15, $0xb8;
	[tilespmem:$0x3800] =	vst v63  }
0x152: {  	s11 =	rddreg [dreg:$0x15]  }
0x153: {  	[spmem:s2] =	stream.indirect.scatter.add.f32 [tilespmem:s13], [sflag:$0x2], $0x10, s11, s15, $0xb8;
	[tilespmem:$0x3800] =	vst v63  }
0x154: {  	s10 =	rddreg [dreg:$0x16]  }
0x155: {  	[spmem:s2] =	stream.indirect.scatter.add.f32 [tilespmem:s13], [sflag:$0x3], $0x10, s10, s15, $0xb8;
	[tilespmem:$0x3800] =	vst v63  }
0x156: {  	s11 =	rddreg [dreg:$0x17]  }
0x157: {  	[spmem:s2] =	stream.indirect.scatter.add.f32 [tilespmem:s13], [sflag:$0x4], $0x10, s11, s15, $0xb8;
	[tilespmem:$0x3800] =	vst v63  }
0x158: {  	_ =	swait.ge [sflag:s16], $0x400  }
0x159: {  	[sflag:s16] =	ssyncset.done $0x0  }
0x15a: {  	[sflag:s16] =	ssyncadd.s32 $0xFFFFFC00  }
0x15b: {  	_ =	swait.ge [sflag:s17], $0x400  }
0x15c: {  	[sflag:s17] =	ssyncset.done $0x0  }
0x15d: {  	[sflag:s17] =	ssyncadd.s32 $0xFFFFFC00  }
0x15e: {  	_ =	swait.ge [sflag:s18], $0x400  }
0x15f: {  	[sflag:s18] =	ssyncset.done $0x0  }
0x160: {  	[sflag:s18] =	ssyncadd.s32 $0xFFFFFC00  }
0x161: {  	_ =	swait.ge [sflag:s19], $0x400  }
0x162: {  	[sflag:s19] =	ssyncset.done $0x0  }
0x163: {  	s10 =	rddreg [dreg:$0x18];
	[sflag:s19] =	ssyncadd.s32 $0xFFFFFC00  }
0x164: {  	[spmem:s2] =	stream.indirect.scatter.add.f32 [tilespmem:s13], [sflag:$0x1], $0x10, s10, s15, $0xb8;
	[tilespmem:$0x3800] =	vst v63  }
0x165: {  	s11 =	rddreg [dreg:$0x19]  }
0x166: {  	[spmem:s2] =	stream.indirect.scatter.add.f32 [tilespmem:s13], [sflag:$0x2], $0x10, s11, s15, $0xb8;
	[tilespmem:$0x3800] =	vst v63  }
0x167: {  	s10 =	rddreg [dreg:$0x1a]  }
0x168: {  	[spmem:s2] =	stream.indirect.scatter.add.f32 [tilespmem:s13], [sflag:$0x3], $0x10, s10, s15, $0xb8;
	[tilespmem:$0x3800] =	vst v63  }
0x169: {  	s11 =	rddreg [dreg:$0x1b]  }
0x16a: {  	[spmem:s2] =	stream.indirect.scatter.add.f32 [tilespmem:s13], [sflag:$0x4], $0x10, s11, s15, $0xb8;
	[tilespmem:$0x3800] =	vst v63  }
0x16b: {  	_ =	swait.ge [sflag:s16], $0x400  }
0x16c: {  	[sflag:s16] =	ssyncset.done $0x0  }
0x16d: {  	[sflag:s16] =	ssyncadd.s32 $0xFFFFFC00  }
0x16e: {  	_ =	swait.ge [sflag:s17], $0x400  }
0x16f: {  	[sflag:s17] =	ssyncset.done $0x0  }
0x170: {  	[sflag:s17] =	ssyncadd.s32 $0xFFFFFC00  }
0x171: {  	_ =	swait.ge [sflag:s18], $0x400  }
0x172: {  	[sflag:s18] =	ssyncset.done $0x0  }
0x173: {  	[sflag:s18] =	ssyncadd.s32 $0xFFFFFC00  }
0x174: {  	_ =	swait.ge [sflag:s19], $0x400  }
0x175: {  	[sflag:s19] =	ssyncset.done $0x0  }
0x176: {  	s10 =	rddreg [dreg:$0x1c];
	[sflag:s19] =	ssyncadd.s32 $0xFFFFFC00  }
0x177: {  	[spmem:s2] =	stream.indirect.scatter.add.f32 [tilespmem:s13], [sflag:$0x1], $0x10, s10, s15, $0xb8;
	[tilespmem:$0x3800] =	vst v63  }
0x178: {  	s11 =	rddreg [dreg:$0x1d]  }
0x179: {  	[spmem:s2] =	stream.indirect.scatter.add.f32 [tilespmem:s13], [sflag:$0x2], $0x10, s11, s15, $0xb8;
	[tilespmem:$0x3800] =	vst v63  }
0x17a: {  	s10 =	rddreg [dreg:$0x1e]  }
0x17b: {  	[spmem:s2] =	stream.indirect.scatter.add.f32 [tilespmem:s13], [sflag:$0x3], $0x10, s10, s15, $0xb8;
	[tilespmem:$0x3800] =	vst v63  }
0x17c: {  	s11 =	rddreg [dreg:$0x1f]  }
0x17d: {  	[spmem:s2] =	stream.indirect.scatter.add.f32 [tilespmem:s13], [sflag:$0x4], $0x10, s11, s15, $0xb8;
	[tilespmem:$0x3800] =	vst v63  }
0x17e: {  	_ =	swait.ge [sflag:s16], $0x400  }
0x17f: {  	[sflag:s16] =	ssyncset.done $0x0  }
0x180: {  	[sflag:s16] =	ssyncadd.s32 $0xFFFFFC00  }
0x181: {  	_ =	swait.ge [sflag:s17], $0x400  }
0x182: {  	[sflag:s17] =	ssyncset.done $0x0  }
0x183: {  	[sflag:s17] =	ssyncadd.s32 $0xFFFFFC00  }
0x184: {  	_ =	swait.ge [sflag:s18], $0x400  }
0x185: {  	[sflag:s18] =	ssyncset.done $0x0  }
0x186: {  	[sflag:s18] =	ssyncadd.s32 $0xFFFFFC00  }
0x187: {  	_ =	swait.ge [sflag:s19], $0x400  }
0x188: {  	[sflag:s19] =	ssyncset.done $0x0  }
0x189: {  	[sflag:s19] =	ssyncadd.s32 $0xFFFFFC00  }
0x18a: {  	[spmem:s2] =	stream.indirect.scatter.add.f32 [tilespmem:s13], [sflag:$0x1], $0x10, s20, s15, $0xb8;
	[tilespmem:$0x3800] =	vst v63  }
0x18b: {  	_ = 	snop  }
0x18c: {  	[spmem:s2] =	stream.indirect.scatter.add.f32 [tilespmem:s13], [sflag:$0x2], $0x10, s21, s15, $0xb8;
	[tilespmem:$0x3800] =	vst v63  }
0x18d: {  	_ = 	snop  }
0x18e: {  	[spmem:s2] =	stream.indirect.scatter.add.f32 [tilespmem:s13], [sflag:$0x3], $0x10, s22, s15, $0xb8;
	[tilespmem:$0x3800] =	vst v63  }
0x18f: {  	_ = 	snop  }
0x190: {  	[spmem:s2] =	stream.indirect.scatter.add.f32 [tilespmem:s13], [sflag:$0x4], $0x10, s23, s15, $0xb8;
	[tilespmem:$0x3800] =	vst v63  }
0x191: {  	_ =	swait.ge [sflag:s16], $0x400  }
0x192: {  	[sflag:s16] =	ssyncset.done $0x0  }
0x193: {  	[sflag:s16] =	ssyncadd.s32 $0xFFFFFC00  }
0x194: {  	_ =	swait.ge [sflag:s17], $0x400  }
0x195: {  	[sflag:s17] =	ssyncset.done $0x0  }
0x196: {  	[sflag:s17] =	ssyncadd.s32 $0xFFFFFC00  }
0x197: {  	_ =	swait.ge [sflag:s18], $0x400  }
0x198: {  	[sflag:s18] =	ssyncset.done $0x0  }
0x199: {  	[sflag:s18] =	ssyncadd.s32 $0xFFFFFC00  }
0x19a: {  	_ =	swait.ge [sflag:s19], $0x400  }
0x19b: {  	[sflag:s19] =	ssyncset.done $0x0  }
0x19c: {  	[sflag:s19] =	ssyncadd.s32 $0xFFFFFC00  }
0x19d: {  	[spmem:s2] =	stream.indirect.scatter.add.f32 [tilespmem:s13], [sflag:$0x1], $0x10, s24, s15, $0xb8;
	[tilespmem:$0x3800] =	vst v63  }
0x19e: {  	_ = 	snop  }
0x19f: {  	[spmem:s2] =	stream.indirect.scatter.add.f32 [tilespmem:s13], [sflag:$0x2], $0x10, s25, s15, $0xb8;
	[tilespmem:$0x3800] =	vst v63  }
0x1a0: {  	_ = 	snop  }
0x1a1: {  	[spmem:s2] =	stream.indirect.scatter.add.f32 [tilespmem:s13], [sflag:$0x3], $0x10, s26, s15, $0xb8;
	[tilespmem:$0x3800] =	vst v63  }
0x1a2: {  	_ = 	snop  }
0x1a3: {  	[spmem:s2] =	stream.indirect.scatter.add.f32 [tilespmem:s13], [sflag:$0x4], $0x10, s28, s15, $0xb8;
	[tilespmem:$0x3800] =	vst v63  }
0x1a4: {  	_ =	swait.ge [sflag:s16], $0x400  }
0x1a5: {  	[sflag:s16] =	ssyncset.done $0x0  }
0x1a6: {  	[sflag:s16] =	ssyncadd.s32 $0xFFFFFC00  }
0x1a7: {  	_ =	swait.ge [sflag:s17], $0x400  }
0x1a8: {  	[sflag:s17] =	ssyncset.done $0x0  }
0x1a9: {  	[sflag:s17] =	ssyncadd.s32 $0xFFFFFC00  }
0x1aa: {  	_ =	swait.ge [sflag:s18], $0x400  }
0x1ab: {  	[sflag:s18] =	ssyncset.done $0x0  }
0x1ac: {  	[sflag:s18] =	ssyncadd.s32 $0xFFFFFC00  }
0x1ad: {  	_ =	swait.ge [sflag:s19], $0x400  }
0x1ae: {  	[sflag:s19] =	ssyncset.done $0x0  }
0x1af: {  	[sflag:s19] =	ssyncadd.s32 $0xFFFFFC00  }
0x1b0: {  	[spmem:s2] =	stream.indirect.scatter.add.f32 [tilespmem:s13], [sflag:$0x1], $0x10, s29, s15, $0xb8;
	[tilespmem:$0x3800] =	vst v63  }
0x1b1: {  	_ = 	snop  }
0x1b2: {  	[spmem:s2] =	stream.indirect.scatter.add.f32 [tilespmem:s13], [sflag:$0x2], $0x10, s30, s15, $0xb8;
	[tilespmem:$0x3800] =	vst v63  }
0x1b3: {  	_ = 	snop  }
0x1b4: {  	[spmem:s2] =	stream.indirect.scatter.add.f32 [tilespmem:s13], [sflag:$0x3], $0x10, s31, s15, $0xb8;
	[tilespmem:$0x3800] =	vst v63  }
0x1b5: {  	_ = 	snop  }
0x1b6: {  	[spmem:s2] =	stream.indirect.scatter.add.f32 [tilespmem:s13], [sflag:$0x4], $0x10, s1, s15, $0xb8;
	[tilespmem:$0x3800] =	vst v63  }
0x1b7: {  	_ =	swait.ge [sflag:s16], $0x400  }
0x1b8: {  	[sflag:s16] =	ssyncset.done $0x0  }
0x1b9: {  	[sflag:s16] =	ssyncadd.s32 $0xFFFFFC00  }
0x1ba: {  	_ =	swait.ge [sflag:s17], $0x400  }
0x1bb: {  	[sflag:s17] =	ssyncset.done $0x0  }
0x1bc: {  	p0 =	sne.s32 s7, $0x78;
	[sflag:s17] =	ssyncadd.s32 $0xFFFFFC00  }
.Ltmp0:
0x1bd: {  	_ =	swait.ge [sflag:s18], $0x400;
	(pc) =	sbr.rel @p0 .LBB2_2-.Ltmp0, $4  }
0x1be: {  	[sflag:s18] =	ssyncset.done $0x0  }
0x1bf: {  	[sflag:s18] =	ssyncadd.s32 $0xFFFFFC00  }
0x1c0: {  	s7 =	sadd.s32 $0x28, s7;
	_ =	swait.ge [sflag:s19], $0x400  }
0x1c1: {  	s4 =	sadd.s32 $0x140, s4;
	s6 =	rddreg [dreg:$0x4];
	[sflag:s19] =	ssyncset.done $0x0  }
0x1c2: {  	s8 =	sadd.s32 $0xA00, s9  }
0x1c3: {  	s7 =	rddreg [dreg:$0x3];
	s5 =	sadd.s32 s5, s6;
	s11 =	sshrl.u32 s8, $0x3  }
0x1c4: {  	p0 =	slt.u32 s5, $0x1388;
	s5 =	sadd.s32 s7, s11  }
0x1c5: {  	[sflag:s19] =	ssyncadd.s32 $0xFFFFFC00;
	s5 =	smov.u32 @p0 s4  }
0x1c6: {  	[tilespmem:s14], [sflag:$0x5] =	stream.linear.gather [hbm4b:s5+s3], $0xA00, $0x38;
	[tilespmem:$0x3800] =	vst v63  }
0x1c7: {  	_ =	swait.ge [sflag:s12], $0xA00  }
0x1c8: {  	[sflag:s12] =	ssyncset.done $0x0  }
0x1c9: {  	[sflag:s12] =	ssyncadd.s32 $0xFFFFF600  }
0x1ca: {  	[spmem:s2] =	stream.indirect.scatter.add.f32 [tilespmem:s13], [sflag:$0x1], $0x10, s14, s15, $0xb8;
	[tilespmem:$0x3800] =	vst v63  }
0x1cb: {  	s7 =	rddreg [dreg:$0x5]  }
0x1cc: {  	[spmem:s2] =	stream.indirect.scatter.add.f32 [tilespmem:s13], [sflag:$0x2], $0x10, s7, s15, $0xb8;
	[tilespmem:$0x3800] =	vst v63  }
0x1cd: {  	s8 =	rddreg [dreg:$0x6]  }
0x1ce: {  	[spmem:s2] =	stream.indirect.scatter.add.f32 [tilespmem:s13], [sflag:$0x3], $0x10, s8, s15, $0xb8;
	[tilespmem:$0x3800] =	vst v63  }
0x1cf: {  	s9 =	rddreg [dreg:$0x7]  }
0x1d0: {  	[spmem:s2] =	stream.indirect.scatter.add.f32 [tilespmem:s13], [sflag:$0x4], $0x10, s9, s15, $0xb8;
	[tilespmem:$0x3800] =	vst v63  }
0x1d1: {  	_ =	swait.ge [sflag:s16], $0x400  }
0x1d2: {  	[sflag:s16] =	ssyncset.done $0x0  }
0x1d3: {  	[sflag:s16] =	ssyncadd.s32 $0xFFFFFC00  }
0x1d4: {  	_ =	swait.ge [sflag:s17], $0x400  }
0x1d5: {  	[sflag:s17] =	ssyncset.done $0x0  }
0x1d6: {  	[sflag:s17] =	ssyncadd.s32 $0xFFFFFC00  }
0x1d7: {  	_ =	swait.ge [sflag:s18], $0x400  }
0x1d8: {  	[sflag:s18] =	ssyncset.done $0x0  }
0x1d9: {  	[sflag:s18] =	ssyncadd.s32 $0xFFFFFC00  }
0x1da: {  	_ =	swait.ge [sflag:s19], $0x400  }
0x1db: {  	[sflag:s19] =	ssyncset.done $0x0  }
0x1dc: {  	s10 =	rddreg [dreg:$0x8];
	[sflag:s19] =	ssyncadd.s32 $0xFFFFFC00  }
0x1dd: {  	[spmem:s2] =	stream.indirect.scatter.add.f32 [tilespmem:s13], [sflag:$0x1], $0x10, s10, s15, $0xb8;
	[tilespmem:$0x3800] =	vst v63  }
0x1de: {  	s11 =	rddreg [dreg:$0x9]  }
0x1df: {  	[spmem:s2] =	stream.indirect.scatter.add.f32 [tilespmem:s13], [sflag:$0x2], $0x10, s11, s15, $0xb8;
	[tilespmem:$0x3800] =	vst v63  }
0x1e0: {  	s6 =	rddreg [dreg:$0xa]  }
0x1e1: {  	[spmem:s2] =	stream.indirect.scatter.add.f32 [tilespmem:s13], [sflag:$0x3], $0x10, s6, s15, $0xb8;
	[tilespmem:$0x3800] =	vst v63  }
0x1e2: {  	s7 =	rddreg [dreg:$0xb]  }
0x1e3: {  	[spmem:s2] =	stream.indirect.scatter.add.f32 [tilespmem:s13], [sflag:$0x4], $0x10, s7, s15, $0xb8;
	[tilespmem:$0x3800] =	vst v63  }
0x1e4: {  	_ =	swait.ge [sflag:s16], $0x400  }
0x1e5: {  	[sflag:s16] =	ssyncset.done $0x0  }
0x1e6: {  	[sflag:s16] =	ssyncadd.s32 $0xFFFFFC00  }
0x1e7: {  	_ =	swait.ge [sflag:s17], $0x400  }
0x1e8: {  	[sflag:s17] =	ssyncset.done $0x0  }
0x1e9: {  	[sflag:s17] =	ssyncadd.s32 $0xFFFFFC00  }
0x1ea: {  	_ =	swait.ge [sflag:s18], $0x400  }
0x1eb: {  	[sflag:s18] =	ssyncset.done $0x0  }
0x1ec: {  	[sflag:s18] =	ssyncadd.s32 $0xFFFFFC00  }
0x1ed: {  	_ =	swait.ge [sflag:s19], $0x400  }
0x1ee: {  	[sflag:s19] =	ssyncset.done $0x0  }
0x1ef: {  	s8 =	rddreg [dreg:$0xc];
	[sflag:s19] =	ssyncadd.s32 $0xFFFFFC00  }
0x1f0: {  	[spmem:s2] =	stream.indirect.scatter.add.f32 [tilespmem:s13], [sflag:$0x1], $0x10, s8, s15, $0xb8;
	[tilespmem:$0x3800] =	vst v63  }
0x1f1: {  	s9 =	rddreg [dreg:$0xd]  }
0x1f2: {  	[spmem:s2] =	stream.indirect.scatter.add.f32 [tilespmem:s13], [sflag:$0x2], $0x10, s9, s15, $0xb8;
	[tilespmem:$0x3800] =	vst v63  }
0x1f3: {  	s10 =	rddreg [dreg:$0xe]  }
0x1f4: {  	[spmem:s2] =	stream.indirect.scatter.add.f32 [tilespmem:s13], [sflag:$0x3], $0x10, s10, s15, $0xb8;
	[tilespmem:$0x3800] =	vst v63  }
0x1f5: {  	s11 =	rddreg [dreg:$0xf]  }
0x1f6: {  	[spmem:s2] =	stream.indirect.scatter.add.f32 [tilespmem:s13], [sflag:$0x4], $0x10, s11, s15, $0xb8;
	[tilespmem:$0x3800] =	vst v63  }
0x1f7: {  	_ =	swait.ge [sflag:s16], $0x400  }
0x1f8: {  	[sflag:s16] =	ssyncset.done $0x0  }
0x1f9: {  	[sflag:s16] =	ssyncadd.s32 $0xFFFFFC00  }
0x1fa: {  	_ =	swait.ge [sflag:s17], $0x400  }
0x1fb: {  	[sflag:s17] =	ssyncset.done $0x0  }
0x1fc: {  	[sflag:s17] =	ssyncadd.s32 $0xFFFFFC00  }
0x1fd: {  	_ =	swait.ge [sflag:s18], $0x400  }
0x1fe: {  	[sflag:s18] =	ssyncset.done $0x0  }
0x1ff: {  	[sflag:s18] =	ssyncadd.s32 $0xFFFFFC00  }
0x200: {  	_ =	swait.ge [sflag:s19], $0x400  }
0x201: {  	[sflag:s19] =	ssyncset.done $0x0  }
0x202: {  	s6 =	rddreg [dreg:$0x10];
	[sflag:s19] =	ssyncadd.s32 $0xFFFFFC00  }
0x203: {  	[spmem:s2] =	stream.indirect.scatter.add.f32 [tilespmem:s13], [sflag:$0x1], $0x10, s6, s15, $0xb8;
	[tilespmem:$0x3800] =	vst v63  }
0x204: {  	s7 =	rddreg [dreg:$0x11]  }
0x205: {  	[spmem:s2] =	stream.indirect.scatter.add.f32 [tilespmem:s13], [sflag:$0x2], $0x10, s7, s15, $0xb8;
	[tilespmem:$0x3800] =	vst v63  }
0x206: {  	s8 =	rddreg [dreg:$0x12]  }
0x207: {  	[spmem:s2] =	stream.indirect.scatter.add.f32 [tilespmem:s13], [sflag:$0x3], $0x10, s8, s15, $0xb8;
	[tilespmem:$0x3800] =	vst v63  }
0x208: {  	s9 =	rddreg [dreg:$0x13]  }
0x209: {  	[spmem:s2] =	stream.indirect.scatter.add.f32 [tilespmem:s13], [sflag:$0x4], $0x10, s9, s15, $0xb8;
	[tilespmem:$0x3800] =	vst v63  }
0x20a: {  	_ =	swait.ge [sflag:s16], $0x400  }
0x20b: {  	[sflag:s16] =	ssyncset.done $0x0  }
0x20c: {  	[sflag:s16] =	ssyncadd.s32 $0xFFFFFC00  }
0x20d: {  	_ =	swait.ge [sflag:s17], $0x400  }
0x20e: {  	[sflag:s17] =	ssyncset.done $0x0  }
0x20f: {  	[sflag:s17] =	ssyncadd.s32 $0xFFFFFC00  }
0x210: {  	_ =	swait.ge [sflag:s18], $0x400  }
0x211: {  	[sflag:s18] =	ssyncset.done $0x0  }
0x212: {  	[sflag:s18] =	ssyncadd.s32 $0xFFFFFC00  }
0x213: {  	_ =	swait.ge [sflag:s19], $0x400  }
0x214: {  	[sflag:s19] =	ssyncset.done $0x0  }
0x215: {  	s10 =	rddreg [dreg:$0x14];
	[sflag:s19] =	ssyncadd.s32 $0xFFFFFC00  }
0x216: {  	[spmem:s2] =	stream.indirect.scatter.add.f32 [tilespmem:s13], [sflag:$0x1], $0x10, s10, s15, $0xb8;
	[tilespmem:$0x3800] =	vst v63  }
0x217: {  	s11 =	rddreg [dreg:$0x15]  }
0x218: {  	[spmem:s2] =	stream.indirect.scatter.add.f32 [tilespmem:s13], [sflag:$0x2], $0x10, s11, s15, $0xb8;
	[tilespmem:$0x3800] =	vst v63  }
0x219: {  	s6 =	rddreg [dreg:$0x16]  }
0x21a: {  	[spmem:s2] =	stream.indirect.scatter.add.f32 [tilespmem:s13], [sflag:$0x3], $0x10, s6, s15, $0xb8;
	[tilespmem:$0x3800] =	vst v63  }
0x21b: {  	s7 =	rddreg [dreg:$0x17]  }
0x21c: {  	[spmem:s2] =	stream.indirect.scatter.add.f32 [tilespmem:s13], [sflag:$0x4], $0x10, s7, s15, $0xb8;
	[tilespmem:$0x3800] =	vst v63  }
0x21d: {  	_ =	swait.ge [sflag:s16], $0x400  }
0x21e: {  	[sflag:s16] =	ssyncset.done $0x0  }
0x21f: {  	[sflag:s16] =	ssyncadd.s32 $0xFFFFFC00  }
0x220: {  	_ =	swait.ge [sflag:s17], $0x400  }
0x221: {  	[sflag:s17] =	ssyncset.done $0x0  }
0x222: {  	[sflag:s17] =	ssyncadd.s32 $0xFFFFFC00  }
0x223: {  	_ =	swait.ge [sflag:s18], $0x400  }
0x224: {  	[sflag:s18] =	ssyncset.done $0x0  }
0x225: {  	[sflag:s18] =	ssyncadd.s32 $0xFFFFFC00  }
0x226: {  	_ =	swait.ge [sflag:s19], $0x400  }
0x227: {  	[sflag:s19] =	ssyncset.done $0x0  }
0x228: {  	s8 =	rddreg [dreg:$0x18];
	[sflag:s19] =	ssyncadd.s32 $0xFFFFFC00  }
0x229: {  	[spmem:s2] =	stream.indirect.scatter.add.f32 [tilespmem:s13], [sflag:$0x1], $0x10, s8, s15, $0xb8;
	[tilespmem:$0x3800] =	vst v63  }
0x22a: {  	s9 =	rddreg [dreg:$0x19]  }
0x22b: {  	[spmem:s2] =	stream.indirect.scatter.add.f32 [tilespmem:s13], [sflag:$0x2], $0x10, s9, s15, $0xb8;
	[tilespmem:$0x3800] =	vst v63  }
0x22c: {  	s10 =	rddreg [dreg:$0x1a]  }
0x22d: {  	[spmem:s2] =	stream.indirect.scatter.add.f32 [tilespmem:s13], [sflag:$0x3], $0x10, s10, s15, $0xb8;
	[tilespmem:$0x3800] =	vst v63  }
0x22e: {  	s11 =	rddreg [dreg:$0x1b]  }
0x22f: {  	[spmem:s2] =	stream.indirect.scatter.add.f32 [tilespmem:s13], [sflag:$0x4], $0x10, s11, s15, $0xb8;
	[tilespmem:$0x3800] =	vst v63  }
0x230: {  	_ =	swait.ge [sflag:s16], $0x400  }
0x231: {  	[sflag:s16] =	ssyncset.done $0x0  }
0x232: {  	[sflag:s16] =	ssyncadd.s32 $0xFFFFFC00  }
0x233: {  	_ =	swait.ge [sflag:s17], $0x400  }
0x234: {  	[sflag:s17] =	ssyncset.done $0x0  }
0x235: {  	[sflag:s17] =	ssyncadd.s32 $0xFFFFFC00  }
0x236: {  	_ =	swait.ge [sflag:s18], $0x400  }
0x237: {  	[sflag:s18] =	ssyncset.done $0x0  }
0x238: {  	[sflag:s18] =	ssyncadd.s32 $0xFFFFFC00  }
0x239: {  	_ =	swait.ge [sflag:s19], $0x400  }
0x23a: {  	[sflag:s19] =	ssyncset.done $0x0  }
0x23b: {  	s5 =	rddreg [dreg:$0x1c];
	[sflag:s19] =	ssyncadd.s32 $0xFFFFFC00  }
0x23c: {  	[spmem:s2] =	stream.indirect.scatter.add.f32 [tilespmem:s13], [sflag:$0x1], $0x10, s5, s15, $0xb8;
	[tilespmem:$0x3800] =	vst v63  }
0x23d: {  	s6 =	rddreg [dreg:$0x1d]  }
0x23e: {  	[spmem:s2] =	stream.indirect.scatter.add.f32 [tilespmem:s13], [sflag:$0x2], $0x10, s6, s15, $0xb8;
	[tilespmem:$0x3800] =	vst v63  }
0x23f: {  	s7 =	rddreg [dreg:$0x1e]  }
0x240: {  	[spmem:s2] =	stream.indirect.scatter.add.f32 [tilespmem:s13], [sflag:$0x3], $0x10, s7, s15, $0xb8;
	[tilespmem:$0x3800] =	vst v63  }
0x241: {  	s8 =	rddreg [dreg:$0x1f]  }
0x242: {  	[spmem:s2] =	stream.indirect.scatter.add.f32 [tilespmem:s13], [sflag:$0x4], $0x10, s8, s15, $0xb8;
	[tilespmem:$0x3800] =	vst v63  }
0x243: {  	_ =	swait.ge [sflag:s16], $0x400  }
0x244: {  	[sflag:s16] =	ssyncset.done $0x0  }
0x245: {  	[sflag:s16] =	ssyncadd.s32 $0xFFFFFC00  }
0x246: {  	_ =	swait.ge [sflag:s17], $0x400  }
0x247: {  	[sflag:s17] =	ssyncset.done $0x0  }
0x248: {  	[sflag:s17] =	ssyncadd.s32 $0xFFFFFC00  }
0x249: {  	_ =	swait.ge [sflag:s18], $0x400  }
0x24a: {  	[sflag:s18] =	ssyncset.done $0x0  }
0x24b: {  	[sflag:s18] =	ssyncadd.s32 $0xFFFFFC00  }
0x24c: {  	_ =	swait.ge [sflag:s19], $0x400  }
0x24d: {  	[sflag:s19] =	ssyncset.done $0x0  }
0x24e: {  	[sflag:s19] =	ssyncadd.s32 $0xFFFFFC00  }
0x24f: {  	[spmem:s2] =	stream.indirect.scatter.add.f32 [tilespmem:s13], [sflag:$0x1], $0x10, s20, s15, $0xb8;
	[tilespmem:$0x3800] =	vst v63  }
0x250: {  	_ = 	snop  }
0x251: {  	[spmem:s2] =	stream.indirect.scatter.add.f32 [tilespmem:s13], [sflag:$0x2], $0x10, s21, s15, $0xb8;
	[tilespmem:$0x3800] =	vst v63  }
0x252: {  	_ = 	snop  }
0x253: {  	[spmem:s2] =	stream.indirect.scatter.add.f32 [tilespmem:s13], [sflag:$0x3], $0x10, s22, s15, $0xb8;
	[tilespmem:$0x3800] =	vst v63  }
0x254: {  	_ = 	snop  }
0x255: {  	[spmem:s2] =	stream.indirect.scatter.add.f32 [tilespmem:s13], [sflag:$0x4], $0x10, s23, s15, $0xb8;
	[tilespmem:$0x3800] =	vst v63  }
0x256: {  	_ =	swait.ge [sflag:s16], $0x400  }
0x257: {  	[sflag:s16] =	ssyncset.done $0x0  }
0x258: {  	[sflag:s16] =	ssyncadd.s32 $0xFFFFFC00  }
0x259: {  	_ =	swait.ge [sflag:s17], $0x400  }
0x25a: {  	[sflag:s17] =	ssyncset.done $0x0  }
0x25b: {  	[sflag:s17] =	ssyncadd.s32 $0xFFFFFC00  }
0x25c: {  	_ =	swait.ge [sflag:s18], $0x400  }
0x25d: {  	[sflag:s18] =	ssyncset.done $0x0  }
0x25e: {  	[sflag:s18] =	ssyncadd.s32 $0xFFFFFC00  }
0x25f: {  	_ =	swait.ge [sflag:s19], $0x400  }
0x260: {  	[sflag:s19] =	ssyncset.done $0x0  }
0x261: {  	[sflag:s19] =	ssyncadd.s32 $0xFFFFFC00  }
0x262: {  	[spmem:s2] =	stream.indirect.scatter.add.f32 [tilespmem:s13], [sflag:$0x1], $0x10, s24, s15, $0xb8;
	[tilespmem:$0x3800] =	vst v63  }
0x263: {  	_ = 	snop  }
0x264: {  	[spmem:s2] =	stream.indirect.scatter.add.f32 [tilespmem:s13], [sflag:$0x2], $0x10, s25, s15, $0xb8;
	[tilespmem:$0x3800] =	vst v63  }
0x265: {  	_ = 	snop  }
0x266: {  	[spmem:s2] =	stream.indirect.scatter.add.f32 [tilespmem:s13], [sflag:$0x3], $0x10, s26, s15, $0xb8;
	[tilespmem:$0x3800] =	vst v63  }
0x267: {  	_ = 	snop  }
0x268: {  	[spmem:s2] =	stream.indirect.scatter.add.f32 [tilespmem:s13], [sflag:$0x4], $0x10, s28, s15, $0xb8;
	[tilespmem:$0x3800] =	vst v63  }
0x269: {  	_ =	swait.ge [sflag:s16], $0x400  }
0x26a: {  	[sflag:s16] =	ssyncset.done $0x0  }
0x26b: {  	[sflag:s16] =	ssyncadd.s32 $0xFFFFFC00  }
0x26c: {  	_ =	swait.ge [sflag:s17], $0x400  }
0x26d: {  	[sflag:s17] =	ssyncset.done $0x0  }
0x26e: {  	[sflag:s17] =	ssyncadd.s32 $0xFFFFFC00  }
0x26f: {  	_ =	swait.ge [sflag:s18], $0x400  }
0x270: {  	[sflag:s18] =	ssyncset.done $0x0  }
0x271: {  	[sflag:s18] =	ssyncadd.s32 $0xFFFFFC00  }
0x272: {  	_ =	swait.ge [sflag:s19], $0x400  }
0x273: {  	[sflag:s19] =	ssyncset.done $0x0  }
0x274: {  	[sflag:s19] =	ssyncadd.s32 $0xFFFFFC00  }
0x275: {  	[spmem:s2] =	stream.indirect.scatter.add.f32 [tilespmem:s13], [sflag:$0x1], $0x10, s29, s15, $0xb8;
	[tilespmem:$0x3800] =	vst v63  }
0x276: {  	_ = 	snop  }
0x277: {  	[spmem:s2] =	stream.indirect.scatter.add.f32 [tilespmem:s13], [sflag:$0x2], $0x10, s30, s15, $0xb8;
	[tilespmem:$0x3800] =	vst v63  }
0x278: {  	_ = 	snop  }
0x279: {  	[spmem:s2] =	stream.indirect.scatter.add.f32 [tilespmem:s13], [sflag:$0x3], $0x10, s31, s15, $0xb8;
	[tilespmem:$0x3800] =	vst v63  }
0x27a: {  	_ = 	snop  }
0x27b: {  	[spmem:s2] =	stream.indirect.scatter.add.f32 [tilespmem:s13], [sflag:$0x4], $0x10, s1, s15, $0xb8;
	[tilespmem:$0x3800] =	vst v63  }
0x27c: {  	_ =	swait.ge [sflag:s16], $0x400  }
0x27d: {  	[sflag:s16] =	ssyncset.done $0x0  }
0x27e: {  	[sflag:s16] =	ssyncadd.s32 $0xFFFFFC00  }
0x27f: {  	_ =	swait.ge [sflag:s17], $0x400  }
0x280: {  	[sflag:s17] =	ssyncset.done $0x0  }
0x281: {  	[sflag:s17] =	ssyncadd.s32 $0xFFFFFC00  }
0x282: {  	_ =	swait.ge [sflag:s18], $0x400  }
0x283: {  	[sflag:s18] =	ssyncset.done $0x0  }
0x284: {  	[sflag:s18] =	ssyncadd.s32 $0xFFFFFC00  }
0x285: {  	_ =	swait.ge [sflag:s19], $0x400  }
0x286: {  	[sflag:s19] =	ssyncset.done $0x0  }
0x287: {  	[sflag:s19] =	ssyncadd.s32 $0xFFFFFC00  }
0x288: {  	[bflag:$0x0] =	sbarrier.arrive $0xFFFF  }
0x289: {  	s8 =	sld [smem:$0x7FC]  }
0x28a: {  	s9 =	sld [smem:$0x7F8]  }
0x28b: {  	s5 =	sld [smem:$0x7FD];
	_ =	sdelay $0x1  }
0x28c: {  	s10 =	simm.s32 $0x10  }
0x28d: {  	[hbm:s9@s10], [sflag:s8] =	dma.strided [spmem:s5@s17], $0x540, s16, $0x2   }
0x28e: {  	_ =	swait.ge [sflag:s12], $0x540  }
0x28f: {  	s11 =	sld [smem:$0x7F9];
	_ =	sdelay $0x1  }
0x290: {  	s0 =	sadd.s32 $0x1, s0  }
0x291: {  	p0 =	sne.s32 s0, s11  }
.Ltmp1:
0x292: {  	_ = 	snop;
	(pc) =	sbr.rel @p0 .LBB2_1-.Ltmp1, $3  }
0x293: {  	_ =	sdelay $0x1  }
0x294: {  	[sflag:s12] =	ssyncset.done $0x0  }
0x295: {  	[sflag:s12] =	ssyncadd.s32 $0xFFFFFAC0  }
0x296: {  	_ =	sfence.sel $0x180000  }
0x297: {  	[bflag:$0x0] =	sbarrier.arrive $0xFFFF  }
0x298: {  	_ =	strace $0x90000047  }
0x299: {  	s0 =	stileid.u32;
	[bflag:$0x2] =	sbarrier.arrive $0xFFFF  }
0x29a: {  	p0 =	sne.s32 s0, $0x0;
	s0 =	rddreg [dreg:$0x2]  }
0x29b: {  	s0 =	sadd.s32 @!p0 $0x100000, s0  }
0x29c: {  	[sflag:s0] =	ssyncadd.tile.s32 @!p0 $0x1;
	_ =	shalt  }
.Lfunc_end2:
_tile_overlayer_lowered:
.L_overlay_start_2:
0x29d: {  	(tag) =	ssettag $0x2  }
0x29e: {  	s0 =	rddreg [dreg:$0x0];
	s2 =	stileid.u32  }
0x29f: {  	s1 =	rddreg [dreg:$0x1];
	p0 =	sne.s32 s2, $0x0  }
0x2a0: {  	s3 =	rddreg [dreg:$0x2];
	[bflag:$0x3] =	sbarrier.arrive $0xFFFF;
	s2 =	simm.s32 @!p0 $0x1C05  }
0x2a1: {  	[timem:s3], [sflag:s2] =	dma.local @!p0 [hbm:s0], s1  }
0x2a2: {  	s0 =	simm.s32 @!p0 $0x5  }
0x2a3: {  	_ =	swait.ge @!p0 [sflag:s0], s1  }
0x2a4: {  	s1 =	ssub.s32 @!p0 $0x0, s1;
	[sflag:s0] =	ssyncset.done @!p0 $0x0  }
0x2a5: {  	[sflag:s0] =	ssyncadd.s32 @!p0 s1  }
0x2a6: {  	[bflag:$0x3] =	sbarrier.arrive $0xFFFF  }
0x2a7: {  	_ =	shalt  }

</sc_bundles>
